<compile_context>
chip_gen: v7x
topology: tpu7x:2x2x1
jax: 0.10.2.dev20260603
libtpu: 0.0.44.dev20260713+nightly
codegen_flags: <defaults>
</compile_context>

<pallas_src>
import functools

import jax
import jax.numpy as jnp
from jax import lax
from jax.experimental import pallas as pl
from jax.experimental.pallas import tpu as pltpu
from jax.experimental.pallas import tpu_sc as plsc

_VOCAB = 100000
_F = 8
_D = 16
_DM = 128
_B, _L = 4096, 200
_LF = _L * _F
_NC, _NS, _LANES = 2, 16, 16
_NW = _NC * _NS

_SLICES = 8
_BS = _B // _SLICES
_CHUNK = 3200
_BM = 4096

_VBK = 2048
_NVB = -(-_VOCAB // _VBK)
_VPAD = _NVB * _VBK


def _sc_mesh():
    return plsc.VectorSubcoreMesh(
        core_axis_name="c", subcore_axis_name="s",
        num_cores=_NC, num_subcores=_NS)


def _tc_build_idx(y2):
    bbk = 512

    def body(x_ref, o_ref):
        off = (lax.broadcasted_iota(jnp.int32, (bbk, _LF), 1) % _F) * _VOCAB
        o_ref[...] = (x_ref[...].T + off) * 8

    return pl.pallas_call(
        body,
        grid=(_B // bbk,),
        in_specs=[pl.BlockSpec((_LF, bbk), lambda i: (0, i))],
        out_specs=pl.BlockSpec((bbk, _LF), lambda i: (i, 0)),
        out_shape=jax.ShapeDtypeStruct((_B, _LF), jnp.int32),
    )(y2)


def _sc_gather_slice(idx, tab2d, start, count):
    per_w = count // _NW
    nch = per_w // _CHUNK
    assert per_w % _CHUNK == 0

    @functools.partial(
        pl.kernel,
        out_type=jax.ShapeDtypeStruct((count, _D), jnp.float32),
        mesh=_sc_mesh(),
        scratch_types=[
            pltpu.VMEM((_CHUNK,), jnp.int32),
            pltpu.VMEM((_CHUNK,), jnp.int32),
            pltpu.VMEM((_CHUNK, _D), jnp.float32),
            pltpu.VMEM((_CHUNK, _D), jnp.float32),
            pltpu.SemaphoreType.DMA,
            pltpu.SemaphoreType.DMA,
        ],
        compiler_params=pltpu.CompilerParams(use_tc_tiling_on_sc=False),
    )
    def k(idx_hbm, tab_hbm, out_hbm, iv0, iv1, rv0, rv1, gsem, wsem):
        wid = lax.axis_index("s") * _NC + lax.axis_index("c")
        base = wid * per_w

        def pair_body(i, carry):
            c0 = base + (2 * i) * _CHUNK
            c1 = c0 + _CHUNK
            pltpu.sync_copy(idx_hbm.at[pl.ds(start + c0, _CHUNK)], iv0)
            g0 = pltpu.async_copy(tab_hbm.at[iv0], rv0, gsem)
            pltpu.sync_copy(idx_hbm.at[pl.ds(start + c1, _CHUNK)], iv1)
            g0.wait()
            w0 = pltpu.async_copy(rv0, out_hbm.at[pl.ds(c0, _CHUNK)], wsem)
            g1 = pltpu.async_copy(tab_hbm.at[iv1], rv1, gsem)
            g1.wait()
            w1 = pltpu.async_copy(rv1, out_hbm.at[pl.ds(c1, _CHUNK)], wsem)
            w0.wait()
            w1.wait()
            return carry

        lax.fori_loop(0, nch // 2, pair_body, 0)

    return k(idx, tab2d)


def _tc_project_slice(x, w, b2, acc, blk0, m_total):
    nblk = x.shape[0] // _BM
    assert x.shape[0] % _BM == 0

    def body(*refs):
        if len(refs) == 5:
            x_ref, w_ref, b_ref, _acc_ref, o_ref = refs
        else:
            x_ref, w_ref, b_ref, o_ref = refs
        o_ref[...] = lax.dot_general(
            x_ref[...], w_ref[...], (((1,), (1,)), ((), ())),
            preferred_element_type=jnp.float32) + b_ref[...]

    in_specs = [
        pl.BlockSpec((_BM, _DM), lambda i: (i, 0)),
        pl.BlockSpec((_DM, _DM), lambda i: (0, 0)),
        pl.BlockSpec((1, _DM), lambda i: (0, 0)),
    ]
    args = [x, w, b2]
    kwargs = {}
    if acc is not None:
        in_specs.append(pl.BlockSpec(memory_space=pl.ANY))
        args.append(acc)
        kwargs["input_output_aliases"] = {3: 0}

    return pl.pallas_call(
        body,
        grid=(nblk,),
        in_specs=in_specs,
        out_specs=pl.BlockSpec((_BM, _DM), lambda i: (i + blk0, 0)),
        out_shape=jax.ShapeDtypeStruct((m_total, _DM), jnp.float32),
        **kwargs,
    )(*args)


def kernel(y, tables, W, b):
    bb, ll, ff = y.shape
    m_total = bb * ll
    y2 = jnp.transpose(y, (1, 2, 0)).reshape(_LF, _B)
    idx = _tc_build_idx(y2).reshape(-1)
    tabp = jnp.pad(tables, ((0, 0), (0, 0), (0, 128 - _D)))
    tab2d = tabp.reshape(_F * _VOCAB * 8, _D)
    b2 = b.reshape(1, _DM)
    cnt = (bb * ll * ff) // _SLICES
    blk_per_slice = (_BS * ll) // _BM
    out = None
    for s in range(_SLICES):
        g = _sc_gather_slice(idx, tab2d, s * cnt, cnt)
        x = g.reshape(cnt // _F, _F * _D)
        out = _tc_project_slice(x, W, b2, out, s * blk_per_slice, m_total)
    return out.reshape(bb, ll, _DM)

# --- scband reference (transcript-rebuilt; emitter-appended) ---
"""Pipeline reference for scband-midiembedder-5995774345971 (READ-ONLY COPY).

The authoritative reference and input builder live on the scoring server;
editing this copy changes nothing except your own understanding.
"""

import jax, jax.numpy as jnp
import numpy as np

VOCAB = 100000
N_FIELDS = 8
D_FEATURE = 16
D_MODEL = 128
B, L = 4096, 200


def setup_inputs(seed: int = 0) -> dict:
    key = jax.random.key(seed)
    k_y, k_t, k_w, k_b = jax.random.split(key, 4)
    y = jax.random.randint(k_y, (B, L, N_FIELDS), 0, VOCAB, dtype=jnp.int64 if jax.config.jax_enable_x64 else jnp.int32)
    # stacked embedding tables: [8, vocab, d_feature]
    tables = jax.random.normal(k_t, (N_FIELDS, VOCAB, D_FEATURE), dtype=jnp.float32) * 0.02
    # nn.Linear(8*d_feature, d_model): W [d_model, 8*d_feature], b [d_model]
    W = jax.random.normal(k_w, (D_MODEL, N_FIELDS * D_FEATURE), dtype=jnp.float32) * (1.0 / np.sqrt(N_FIELDS * D_FEATURE))
    b = jax.random.normal(k_b, (D_MODEL,), dtype=jnp.float32) * 0.01
    return {"y": y, "tables": tables, "W": W, "b": b}


def reference(y, tables, W, b):
    # per-field embedding lookup (gather)
    y_embeds = [jnp.take(tables[i], y[:, :, i], axis=0) for i in range(N_FIELDS)]
    concat = jnp.concatenate(y_embeds, axis=-1)  # [B, L, 8*d_feature]
    out = concat @ W.T + b  # [B, L, d_model]
    return out

if __name__ == "__main__":
    import jax
    _d = setup_inputs()
    print(jax.jit(kernel)(*tuple(_d.values())))

</pallas_src>

<mosaic_0001>
#map = affine_map<(d0, d1) -> (0)>
#map1 = affine_map<(d0, d1) -> (0, 0)>
module attributes {stable_mosaic.version = 14 : i64} {
  func.func @k(%arg0: i32, %arg1: i32, %arg2: memref<6553600xi32, #tpu.memory_space<hbm>>, %arg3: memref<6400000x16xf32, #tpu.memory_space<hbm>>, %arg4: memref<819200x16xf32, #tpu.memory_space<hbm>>, %arg5: memref<3200xi32, #tpu.memory_space<vmem>>, %arg6: memref<3200xi32, #tpu.memory_space<vmem>>, %arg7: memref<3200x16xf32, #tpu.memory_space<vmem>>, %arg8: memref<3200x16xf32, #tpu.memory_space<vmem>>, %arg9: memref<!tpu.dma_semaphore, #tpu.memory_space<semaphore_mem>>, %arg10: memref<!tpu.dma_semaphore, #tpu.memory_space<semaphore_mem>>) attributes {dimension_semantics = [#tpu.dimension_semantics<core_parallel>, #tpu.dimension_semantics<subcore_parallel>], iteration_bounds = array<i64: 2, 16>, scalar_prefetch = 0 : i64, scratch_operands = 6 : i64, tpu.core_type = #tpu.core_type<sc_vector_subcore>, window_params = [{transform_indices = #map}, {transform_indices = #map1}, {transform_indices = #map1}]} {
    %mul3A = arith.constant 2 : i32
    %mul3A_0 = arith.muli %arg1, %mul3A : i32
    %add3A = arith.addi %mul3A_0, %arg0 : i32
    %mul3A_1 = arith.constant 25600 : i32
    %mul3A_2 = arith.muli %add3A, %mul3A_1 : i32
    %scan3A = arith.constant 0 : i32
    %scan3A_3 = arith.constant 0 : i32
    %scan3A_4 = arith.constant 4 : i32
    %scan3A_5 = arith.addi %scan3A_3, %scan3A_4 : i32
    %scan3A_6 = arith.constant 1 : i32
    scf.for %scan3A_8 = %scan3A_3 to %scan3A_5 step %scan3A_6  : i32 {
      %mul3A_9 = arith.constant 2 : i32
      %mul3A_10 = arith.muli %mul3A_9, %scan3A_8 : i32
      %mul3A_11 = arith.constant 3200 : i32
      %mul3A_12 = arith.muli %mul3A_10, %mul3A_11 : i32
      %add3A_13 = arith.addi %mul3A_2, %mul3A_12 : i32
      %add3A_14 = arith.constant 3200 : i32
      %add3A_15 = arith.addi %add3A_13, %add3A_14 : i32
      %add3A_16 = arith.constant 819200 : i32
      %add3A_17 = arith.addi %add3A_16, %add3A_13 : i32
      "tpu.region"() ({
        %run_scoped3A = tpu.sem_alloc : memref<!tpu.dma_semaphore, #tpu.memory_space<semaphore_mem>>
        %dma_start3A_46 = tpu.memref_slice %arg2[%add3A_17] : memref<6553600xi32, #tpu.memory_space<hbm>> -> memref<3200xi32, #tpu.memory_space<hbm>>
        %dma_start3A_47 = tpu.memref_slice %arg2[%add3A_17] : memref<6553600xi32, #tpu.memory_space<hbm>> -> memref<3200xi32, #tpu.memory_space<hbm>>
        tpu.enqueue_dma source(%dma_start3A_47 : memref<3200xi32, #tpu.memory_space<hbm>>) target(%arg5 : memref<3200xi32, #tpu.memory_space<vmem>>) target_semaphore(%run_scoped3A : memref<!tpu.dma_semaphore, #tpu.memory_space<semaphore_mem>>)
        %dma_wait3A_48 = tpu.memref_slice %arg2[%add3A_17] : memref<6553600xi32, #tpu.memory_space<hbm>> -> memref<3200xi32, #tpu.memory_space<hbm>>
        %dma_wait3A_49 = tpu.memref_slice %arg2[%add3A_17] : memref<6553600xi32, #tpu.memory_space<hbm>> -> memref<3200xi32, #tpu.memory_space<hbm>>
        tpu.wait_dma2 semaphore(%run_scoped3A : memref<!tpu.dma_semaphore, #tpu.memory_space<semaphore_mem>>) src(%dma_wait3A_49 : memref<3200xi32, #tpu.memory_space<hbm>>) dst(%arg5 : memref<3200xi32, #tpu.memory_space<vmem>>)
        tpu.yield
      }) : () -> ()
      %dma_start3A = arith.constant 0 : i32
      %dma_start3A_18 = arith.constant 0 : i32
      %dma_start3A_19 = tpu.memref_slice %arg3[%dma_start3A, %dma_start3A_18] : memref<6400000x16xf32, #tpu.memory_space<hbm>> -> memref<6400000x16xf32, #tpu.memory_space<hbm>>
      tpu.enqueue_indirect_dma source(%dma_start3A_19 : memref<6400000x16xf32, #tpu.memory_space<hbm>>) target(%arg7 : memref<3200x16xf32, #tpu.memory_space<vmem>>) offsets(%arg5 : memref<3200xi32, #tpu.memory_space<vmem>>) semaphore(%arg9 : memref<!tpu.dma_semaphore, #tpu.memory_space<semaphore_mem>>)
      %add3A_20 = arith.constant 819200 : i32
      %add3A_21 = arith.addi %add3A_20, %add3A_15 : i32
      "tpu.region"() ({
        %run_scoped3A = tpu.sem_alloc : memref<!tpu.dma_semaphore, #tpu.memory_space<semaphore_mem>>
        %dma_start3A_46 = tpu.memref_slice %arg2[%add3A_21] : memref<6553600xi32, #tpu.memory_space<hbm>> -> memref<3200xi32, #tpu.memory_space<hbm>>
        %dma_start3A_47 = tpu.memref_slice %arg2[%add3A_21] : memref<6553600xi32, #tpu.memory_space<hbm>> -> memref<3200xi32, #tpu.memory_space<hbm>>
        tpu.enqueue_dma source(%dma_start3A_47 : memref<3200xi32, #tpu.memory_space<hbm>>) target(%arg6 : memref<3200xi32, #tpu.memory_space<vmem>>) target_semaphore(%run_scoped3A : memref<!tpu.dma_semaphore, #tpu.memory_space<semaphore_mem>>)
        %dma_wait3A_48 = tpu.memref_slice %arg2[%add3A_21] : memref<6553600xi32, #tpu.memory_space<hbm>> -> memref<3200xi32, #tpu.memory_space<hbm>>
        %dma_wait3A_49 = tpu.memref_slice %arg2[%add3A_21] : memref<6553600xi32, #tpu.memory_space<hbm>> -> memref<3200xi32, #tpu.memory_space<hbm>>
        tpu.wait_dma2 semaphore(%run_scoped3A : memref<!tpu.dma_semaphore, #tpu.memory_space<semaphore_mem>>) src(%dma_wait3A_49 : memref<3200xi32, #tpu.memory_space<hbm>>) dst(%arg6 : memref<3200xi32, #tpu.memory_space<vmem>>)
        tpu.yield
      }) : () -> ()
      %dma_wait3A = arith.constant 0 : i32
      %dma_wait3A_22 = arith.constant 0 : i32
      %dma_wait3A_23 = tpu.memref_slice %arg3[%dma_wait3A, %dma_wait3A_22] : memref<6400000x16xf32, #tpu.memory_space<hbm>> -> memref<6400000x16xf32, #tpu.memory_space<hbm>>
      tpu.wait_indirect_dma semaphore(%arg9 : memref<!tpu.dma_semaphore, #tpu.memory_space<semaphore_mem>>) src(%dma_wait3A_23 : memref<6400000x16xf32, #tpu.memory_space<hbm>>) dst(%arg7 : memref<3200x16xf32, #tpu.memory_space<vmem>>)
      %dma_start3A_24 = arith.constant 0 : i32
      %dma_start3A_25 = tpu.memref_slice %arg4[%add3A_13, %dma_start3A_24] : memref<819200x16xf32, #tpu.memory_space<hbm>> -> memref<3200x16xf32, #tpu.memory_space<hbm>>
      %dma_start3A_26 = arith.constant 0 : i32
      %dma_start3A_27 = tpu.memref_slice %arg4[%add3A_13, %dma_start3A_26] : memref<819200x16xf32, #tpu.memory_space<hbm>> -> memref<3200x16xf32, #tpu.memory_space<hbm>>
      tpu.enqueue_dma source(%arg7 : memref<3200x16xf32, #tpu.memory_space<vmem>>) target(%dma_start3A_27 : memref<3200x16xf32, #tpu.memory_space<hbm>>) target_semaphore(%arg10 : memref<!tpu.dma_semaphore, #tpu.memory_space<semaphore_mem>>)
      %dma_start3A_28 = arith.constant 0 : i32
      %dma_start3A_29 = arith.constant 0 : i32
      %dma_start3A_30 = tpu.memref_slice %arg3[%dma_start3A_28, %dma_start3A_29] : memref<6400000x16xf32, #tpu.memory_space<hbm>> -> memref<6400000x16xf32, #tpu.memory_space<hbm>>
      tpu.enqueue_indirect_dma source(%dma_start3A_30 : memref<6400000x16xf32, #tpu.memory_space<hbm>>) target(%arg8 : memref<3200x16xf32, #tpu.memory_space<vmem>>) offsets(%arg6 : memref<3200xi32, #tpu.memory_space<vmem>>) semaphore(%arg9 : memref<!tpu.dma_semaphore, #tpu.memory_space<semaphore_mem>>)
      %dma_wait3A_31 = arith.constant 0 : i32
      %dma_wait3A_32 = arith.constant 0 : i32
      %dma_wait3A_33 = tpu.memref_slice %arg3[%dma_wait3A_31, %dma_wait3A_32] : memref<6400000x16xf32, #tpu.memory_space<hbm>> -> memref<6400000x16xf32, #tpu.memory_space<hbm>>
      tpu.wait_indirect_dma semaphore(%arg9 : memref<!tpu.dma_semaphore, #tpu.memory_space<semaphore_mem>>) src(%dma_wait3A_33 : memref<6400000x16xf32, #tpu.memory_space<hbm>>) dst(%arg8 : memref<3200x16xf32, #tpu.memory_space<vmem>>)
      %dma_start3A_34 = arith.constant 0 : i32
      %dma_start3A_35 = tpu.memref_slice %arg4[%add3A_15, %dma_start3A_34] : memref<819200x16xf32, #tpu.memory_space<hbm>> -> memref<3200x16xf32, #tpu.memory_space<hbm>>
      %dma_start3A_36 = arith.constant 0 : i32
      %dma_start3A_37 = tpu.memref_slice %arg4[%add3A_15, %dma_start3A_36] : memref<819200x16xf32, #tpu.memory_space<hbm>> -> memref<3200x16xf32, #tpu.memory_space<hbm>>
      tpu.enqueue_dma source(%arg8 : memref<3200x16xf32, #tpu.memory_space<vmem>>) target(%dma_start3A_37 : memref<3200x16xf32, #tpu.memory_space<hbm>>) target_semaphore(%arg10 : memref<!tpu.dma_semaphore, #tpu.memory_space<semaphore_mem>>)
      %dma_wait3A_38 = arith.constant 0 : i32
      %dma_wait3A_39 = tpu.memref_slice %arg4[%add3A_13, %dma_wait3A_38] : memref<819200x16xf32, #tpu.memory_space<hbm>> -> memref<3200x16xf32, #tpu.memory_space<hbm>>
      %dma_wait3A_40 = arith.constant 0 : i32
      %dma_wait3A_41 = tpu.memref_slice %arg4[%add3A_13, %dma_wait3A_40] : memref<819200x16xf32, #tpu.memory_space<hbm>> -> memref<3200x16xf32, #tpu.memory_space<hbm>>
      tpu.wait_dma2 semaphore(%arg10 : memref<!tpu.dma_semaphore, #tpu.memory_space<semaphore_mem>>) src(%arg7 : memref<3200x16xf32, #tpu.memory_space<vmem>>) dst(%dma_wait3A_41 : memref<3200x16xf32, #tpu.memory_space<hbm>>)
      %dma_wait3A_42 = arith.constant 0 : i32
      %dma_wait3A_43 = tpu.memref_slice %arg4[%add3A_15, %dma_wait3A_42] : memref<819200x16xf32, #tpu.memory_space<hbm>> -> memref<3200x16xf32, #tpu.memory_space<hbm>>
      %dma_wait3A_44 = arith.constant 0 : i32
      %dma_wait3A_45 = tpu.memref_slice %arg4[%add3A_15, %dma_wait3A_44] : memref<819200x16xf32, #tpu.memory_space<hbm>> -> memref<3200x16xf32, #tpu.memory_space<hbm>>
      tpu.wait_dma2 semaphore(%arg10 : memref<!tpu.dma_semaphore, #tpu.memory_space<semaphore_mem>>) src(%arg8 : memref<3200x16xf32, #tpu.memory_space<vmem>>) dst(%dma_wait3A_45 : memref<3200x16xf32, #tpu.memory_space<hbm>>)
    }
    %scan3A_7 = arith.constant 4 : i32
    return
  }
}

#map = affine_map<(d0, d1) -> (0)>
#map1 = affine_map<(d0, d1) -> (0, 0)>
module attributes {stable_mosaic.version = 14 : i64} {
  func.func @k(%arg0: i32, %arg1: i32, %arg2: memref<6553600xi32, #tpu.memory_space<hbm>>, %arg3: memref<6400000x16xf32, #tpu.memory_space<hbm>>, %arg4: memref<819200x16xf32, #tpu.memory_space<hbm>>, %arg5: memref<3200xi32, #tpu.memory_space<vmem>>, %arg6: memref<3200xi32, #tpu.memory_space<vmem>>, %arg7: memref<3200x16xf32, #tpu.memory_space<vmem>>, %arg8: memref<3200x16xf32, #tpu.memory_space<vmem>>, %arg9: memref<!tpu.dma_semaphore, #tpu.memory_space<semaphore_mem>>, %arg10: memref<!tpu.dma_semaphore, #tpu.memory_space<semaphore_mem>>) attributes {dimension_semantics = [#tpu.dimension_semantics<core_parallel>, #tpu.dimension_semantics<subcore_parallel>], iteration_bounds = array<i64: 2, 16>, scalar_prefetch = 0 : i64, scratch_operands = 6 : i64, tpu.core_type = #tpu.core_type<sc_vector_subcore>, window_params = [{transform_indices = #map}, {transform_indices = #map1}, {transform_indices = #map1}]} {
    %mul3A = arith.constant 2 : i32
    %mul3A_0 = arith.muli %arg1, %mul3A : i32
    %add3A = arith.addi %mul3A_0, %arg0 : i32
    %mul3A_1 = arith.constant 25600 : i32
    %mul3A_2 = arith.muli %add3A, %mul3A_1 : i32
    %scan3A = arith.constant 0 : i32
    %scan3A_3 = arith.constant 0 : i32
    %scan3A_4 = arith.constant 4 : i32
    %scan3A_5 = arith.addi %scan3A_3, %scan3A_4 : i32
    %scan3A_6 = arith.constant 1 : i32
    scf.for %scan3A_8 = %scan3A_3 to %scan3A_5 step %scan3A_6  : i32 {
      %mul3A_9 = arith.constant 2 : i32
      %mul3A_10 = arith.muli %mul3A_9, %scan3A_8 : i32
      %mul3A_11 = arith.constant 3200 : i32
      %mul3A_12 = arith.muli %mul3A_10, %mul3A_11 : i32
      %add3A_13 = arith.addi %mul3A_2, %mul3A_12 : i32
      %add3A_14 = arith.constant 3200 : i32
      %add3A_15 = arith.addi %add3A_13, %add3A_14 : i32
      %add3A_16 = arith.constant 2457600 : i32
      %add3A_17 = arith.addi %add3A_16, %add3A_13 : i32
      "tpu.region"() ({
        %run_scoped3A = tpu.sem_alloc : memref<!tpu.dma_semaphore, #tpu.memory_space<semaphore_mem>>
        %dma_start3A_46 = tpu.memref_slice %arg2[%add3A_17] : memref<6553600xi32, #tpu.memory_space<hbm>> -> memref<3200xi32, #tpu.memory_space<hbm>>
        %dma_start3A_47 = tpu.memref_slice %arg2[%add3A_17] : memref<6553600xi32, #tpu.memory_space<hbm>> -> memref<3200xi32, #tpu.memory_space<hbm>>
        tpu.enqueue_dma source(%dma_start3A_47 : memref<3200xi32, #tpu.memory_space<hbm>>) target(%arg5 : memref<3200xi32, #tpu.memory_space<vmem>>) target_semaphore(%run_scoped3A : memref<!tpu.dma_semaphore, #tpu.memory_space<semaphore_mem>>)
        %dma_wait3A_48 = tpu.memref_slice %arg2[%add3A_17] : memref<6553600xi32, #tpu.memory_space<hbm>> -> memref<3200xi32, #tpu.memory_space<hbm>>
        %dma_wait3A_49 = tpu.memref_slice %arg2[%add3A_17] : memref<6553600xi32, #tpu.memory_space<hbm>> -> memref<3200xi32, #tpu.memory_space<hbm>>
        tpu.wait_dma2 semaphore(%run_scoped3A : memref<!tpu.dma_semaphore, #tpu.memory_space<semaphore_mem>>) src(%dma_wait3A_49 : memref<3200xi32, #tpu.memory_space<hbm>>) dst(%arg5 : memref<3200xi32, #tpu.memory_space<vmem>>)
        tpu.yield
      }) : () -> ()
      %dma_start3A = arith.constant 0 : i32
      %dma_start3A_18 = arith.constant 0 : i32
      %dma_start3A_19 = tpu.memref_slice %arg3[%dma_start3A, %dma_start3A_18] : memref<6400000x16xf32, #tpu.memory_space<hbm>> -> memref<6400000x16xf32, #tpu.memory_space<hbm>>
      tpu.enqueue_indirect_dma source(%dma_start3A_19 : memref<6400000x16xf32, #tpu.memory_space<hbm>>) target(%arg7 : memref<3200x16xf32, #tpu.memory_space<vmem>>) offsets(%arg5 : memref<3200xi32, #tpu.memory_space<vmem>>) semaphore(%arg9 : memref<!tpu.dma_semaphore, #tpu.memory_space<semaphore_mem>>)
      %add3A_20 = arith.constant 2457600 : i32
      %add3A_21 = arith.addi %add3A_20, %add3A_15 : i32
      "tpu.region"() ({
        %run_scoped3A = tpu.sem_alloc : memref<!tpu.dma_semaphore, #tpu.memory_space<semaphore_mem>>
        %dma_start3A_46 = tpu.memref_slice %arg2[%add3A_21] : memref<6553600xi32, #tpu.memory_space<hbm>> -> memref<3200xi32, #tpu.memory_space<hbm>>
        %dma_start3A_47 = tpu.memref_slice %arg2[%add3A_21] : memref<6553600xi32, #tpu.memory_space<hbm>> -> memref<3200xi32, #tpu.memory_space<hbm>>
        tpu.enqueue_dma source(%dma_start3A_47 : memref<3200xi32, #tpu.memory_space<hbm>>) target(%arg6 : memref<3200xi32, #tpu.memory_space<vmem>>) target_semaphore(%run_scoped3A : memref<!tpu.dma_semaphore, #tpu.memory_space<semaphore_mem>>)
        %dma_wait3A_48 = tpu.memref_slice %arg2[%add3A_21] : memref<6553600xi32, #tpu.memory_space<hbm>> -> memref<3200xi32, #tpu.memory_space<hbm>>
        %dma_wait3A_49 = tpu.memref_slice %arg2[%add3A_21] : memref<6553600xi32, #tpu.memory_space<hbm>> -> memref<3200xi32, #tpu.memory_space<hbm>>
        tpu.wait_dma2 semaphore(%run_scoped3A : memref<!tpu.dma_semaphore, #tpu.memory_space<semaphore_mem>>) src(%dma_wait3A_49 : memref<3200xi32, #tpu.memory_space<hbm>>) dst(%arg6 : memref<3200xi32, #tpu.memory_space<vmem>>)
        tpu.yield
      }) : () -> ()
      %dma_wait3A = arith.constant 0 : i32
      %dma_wait3A_22 = arith.constant 0 : i32
      %dma_wait3A_23 = tpu.memref_slice %arg3[%dma_wait3A, %dma_wait3A_22] : memref<6400000x16xf32, #tpu.memory_space<hbm>> -> memref<6400000x16xf32, #tpu.memory_space<hbm>>
      tpu.wait_indirect_dma semaphore(%arg9 : memref<!tpu.dma_semaphore, #tpu.memory_space<semaphore_mem>>) src(%dma_wait3A_23 : memref<6400000x16xf32, #tpu.memory_space<hbm>>) dst(%arg7 : memref<3200x16xf32, #tpu.memory_space<vmem>>)
      %dma_start3A_24 = arith.constant 0 : i32
      %dma_start3A_25 = tpu.memref_slice %arg4[%add3A_13, %dma_start3A_24] : memref<819200x16xf32, #tpu.memory_space<hbm>> -> memref<3200x16xf32, #tpu.memory_space<hbm>>
      %dma_start3A_26 = arith.constant 0 : i32
      %dma_start3A_27 = tpu.memref_slice %arg4[%add3A_13, %dma_start3A_26] : memref<819200x16xf32, #tpu.memory_space<hbm>> -> memref<3200x16xf32, #tpu.memory_space<hbm>>
      tpu.enqueue_dma source(%arg7 : memref<3200x16xf32, #tpu.memory_space<vmem>>) target(%dma_start3A_27 : memref<3200x16xf32, #tpu.memory_space<hbm>>) target_semaphore(%arg10 : memref<!tpu.dma_semaphore, #tpu.memory_space<semaphore_mem>>)
      %dma_start3A_28 = arith.constant 0 : i32
      %dma_start3A_29 = arith.constant 0 : i32
      %dma_start3A_30 = tpu.memref_slice %arg3[%dma_start3A_28, %dma_start3A_29] : memref<6400000x16xf32, #tpu.memory_space<hbm>> -> memref<6400000x16xf32, #tpu.memory_space<hbm>>
      tpu.enqueue_indirect_dma source(%dma_start3A_30 : memref<6400000x16xf32, #tpu.memory_space<hbm>>) target(%arg8 : memref<3200x16xf32, #tpu.memory_space<vmem>>) offsets(%arg6 : memref<3200xi32, #tpu.memory_space<vmem>>) semaphore(%arg9 : memref<!tpu.dma_semaphore, #tpu.memory_space<semaphore_mem>>)
      %dma_wait3A_31 = arith.constant 0 : i32
      %dma_wait3A_32 = arith.constant 0 : i32
      %dma_wait3A_33 = tpu.memref_slice %arg3[%dma_wait3A_31, %dma_wait3A_32] : memref<6400000x16xf32, #tpu.memory_space<hbm>> -> memref<6400000x16xf32, #tpu.memory_space<hbm>>
      tpu.wait_indirect_dma semaphore(%arg9 : memref<!tpu.dma_semaphore, #tpu.memory_space<semaphore_mem>>) src(%dma_wait3A_33 : memref<6400000x16xf32, #tpu.memory_space<hbm>>) dst(%arg8 : memref<3200x16xf32, #tpu.memory_space<vmem>>)
      %dma_start3A_34 = arith.constant 0 : i32
      %dma_start3A_35 = tpu.memref_slice %arg4[%add3A_15, %dma_start3A_34] : memref<819200x16xf32, #tpu.memory_space<hbm>> -> memref<3200x16xf32, #tpu.memory_space<hbm>>
      %dma_start3A_36 = arith.constant 0 : i32
      %dma_start3A_37 = tpu.memref_slice %arg4[%add3A_15, %dma_start3A_36] : memref<819200x16xf32, #tpu.memory_space<hbm>> -> memref<3200x16xf32, #tpu.memory_space<hbm>>
      tpu.enqueue_dma source(%arg8 : memref<3200x16xf32, #tpu.memory_space<vmem>>) target(%dma_start3A_37 : memref<3200x16xf32, #tpu.memory_space<hbm>>) target_semaphore(%arg10 : memref<!tpu.dma_semaphore, #tpu.memory_space<semaphore_mem>>)
      %dma_wait3A_38 = arith.constant 0 : i32
      %dma_wait3A_39 = tpu.memref_slice %arg4[%add3A_13, %dma_wait3A_38] : memref<819200x16xf32, #tpu.memory_space<hbm>> -> memref<3200x16xf32, #tpu.memory_space<hbm>>
      %dma_wait3A_40 = arith.constant 0 : i32
      %dma_wait3A_41 = tpu.memref_slice %arg4[%add3A_13, %dma_wait3A_40] : memref<819200x16xf32, #tpu.memory_space<hbm>> -> memref<3200x16xf32, #tpu.memory_space<hbm>>
      tpu.wait_dma2 semaphore(%arg10 : memref<!tpu.dma_semaphore, #tpu.memory_space<semaphore_mem>>) src(%arg7 : memref<3200x16xf32, #tpu.memory_space<vmem>>) dst(%dma_wait3A_41 : memref<3200x16xf32, #tpu.memory_space<hbm>>)
      %dma_wait3A_42 = arith.constant 0 : i32
      %dma_wait3A_43 = tpu.memref_slice %arg4[%add3A_15, %dma_wait3A_42] : memref<819200x16xf32, #tpu.memory_space<hbm>> -> memref<3200x16xf32, #tpu.memory_space<hbm>>
      %dma_wait3A_44 = arith.constant 0 : i32
      %dma_wait3A_45 = tpu.memref_slice %arg4[%add3A_15, %dma_wait3A_44] : memref<819200x16xf32, #tpu.memory_space<hbm>> -> memref<3200x16xf32, #tpu.memory_space<hbm>>
      tpu.wait_dma2 semaphore(%arg10 : memref<!tpu.dma_semaphore, #tpu.memory_space<semaphore_mem>>) src(%arg8 : memref<3200x16xf32, #tpu.memory_space<vmem>>) dst(%dma_wait3A_45 : memref<3200x16xf32, #tpu.memory_space<hbm>>)
    }
    %scan3A_7 = arith.constant 4 : i32
    return
  }
}

#map = affine_map<(d0, d1) -> (0)>
#map1 = affine_map<(d0, d1) -> (0, 0)>
module attributes {stable_mosaic.version = 14 : i64} {
  func.func @k(%arg0: i32, %arg1: i32, %arg2: memref<6553600xi32, #tpu.memory_space<hbm>>, %arg3: memref<6400000x16xf32, #tpu.memory_space<hbm>>, %arg4: memref<819200x16xf32, #tpu.memory_space<hbm>>, %arg5: memref<3200xi32, #tpu.memory_space<vmem>>, %arg6: memref<3200xi32, #tpu.memory_space<vmem>>, %arg7: memref<3200x16xf32, #tpu.memory_space<vmem>>, %arg8: memref<3200x16xf32, #tpu.memory_space<vmem>>, %arg9: memref<!tpu.dma_semaphore, #tpu.memory_space<semaphore_mem>>, %arg10: memref<!tpu.dma_semaphore, #tpu.memory_space<semaphore_mem>>) attributes {dimension_semantics = [#tpu.dimension_semantics<core_parallel>, #tpu.dimension_semantics<subcore_parallel>], iteration_bounds = array<i64: 2, 16>, scalar_prefetch = 0 : i64, scratch_operands = 6 : i64, tpu.core_type = #tpu.core_type<sc_vector_subcore>, window_params = [{transform_indices = #map}, {transform_indices = #map1}, {transform_indices = #map1}]} {
    %mul3A = arith.constant 2 : i32
    %mul3A_0 = arith.muli %arg1, %mul3A : i32
    %add3A = arith.addi %mul3A_0, %arg0 : i32
    %mul3A_1 = arith.constant 25600 : i32
    %mul3A_2 = arith.muli %add3A, %mul3A_1 : i32
    %scan3A = arith.constant 0 : i32
    %scan3A_3 = arith.constant 0 : i32
    %scan3A_4 = arith.constant 4 : i32
    %scan3A_5 = arith.addi %scan3A_3, %scan3A_4 : i32
    %scan3A_6 = arith.constant 1 : i32
    scf.for %scan3A_8 = %scan3A_3 to %scan3A_5 step %scan3A_6  : i32 {
      %mul3A_9 = arith.constant 2 : i32
      %mul3A_10 = arith.muli %mul3A_9, %scan3A_8 : i32
      %mul3A_11 = arith.constant 3200 : i32
      %mul3A_12 = arith.muli %mul3A_10, %mul3A_11 : i32
      %add3A_13 = arith.addi %mul3A_2, %mul3A_12 : i32
      %add3A_14 = arith.constant 3200 : i32
      %add3A_15 = arith.addi %add3A_13, %add3A_14 : i32
      %add3A_16 = arith.constant 1638400 : i32
      %add3A_17 = arith.addi %add3A_16, %add3A_13 : i32
      "tpu.region"() ({
        %run_scoped3A = tpu.sem_alloc : memref<!tpu.dma_semaphore, #tpu.memory_space<semaphore_mem>>
        %dma_start3A_46 = tpu.memref_slice %arg2[%add3A_17] : memref<6553600xi32, #tpu.memory_space<hbm>> -> memref<3200xi32, #tpu.memory_space<hbm>>
        %dma_start3A_47 = tpu.memref_slice %arg2[%add3A_17] : memref<6553600xi32, #tpu.memory_space<hbm>> -> memref<3200xi32, #tpu.memory_space<hbm>>
        tpu.enqueue_dma source(%dma_start3A_47 : memref<3200xi32, #tpu.memory_space<hbm>>) target(%arg5 : memref<3200xi32, #tpu.memory_space<vmem>>) target_semaphore(%run_scoped3A : memref<!tpu.dma_semaphore, #tpu.memory_space<semaphore_mem>>)
        %dma_wait3A_48 = tpu.memref_slice %arg2[%add3A_17] : memref<6553600xi32, #tpu.memory_space<hbm>> -> memref<3200xi32, #tpu.memory_space<hbm>>
        %dma_wait3A_49 = tpu.memref_slice %arg2[%add3A_17] : memref<6553600xi32, #tpu.memory_space<hbm>> -> memref<3200xi32, #tpu.memory_space<hbm>>
        tpu.wait_dma2 semaphore(%run_scoped3A : memref<!tpu.dma_semaphore, #tpu.memory_space<semaphore_mem>>) src(%dma_wait3A_49 : memref<3200xi32, #tpu.memory_space<hbm>>) dst(%arg5 : memref<3200xi32, #tpu.memory_space<vmem>>)
        tpu.yield
      }) : () -> ()
      %dma_start3A = arith.constant 0 : i32
      %dma_start3A_18 = arith.constant 0 : i32
      %dma_start3A_19 = tpu.memref_slice %arg3[%dma_start3A, %dma_start3A_18] : memref<6400000x16xf32, #tpu.memory_space<hbm>> -> memref<6400000x16xf32, #tpu.memory_space<hbm>>
      tpu.enqueue_indirect_dma source(%dma_start3A_19 : memref<6400000x16xf32, #tpu.memory_space<hbm>>) target(%arg7 : memref<3200x16xf32, #tpu.memory_space<vmem>>) offsets(%arg5 : memref<3200xi32, #tpu.memory_space<vmem>>) semaphore(%arg9 : memref<!tpu.dma_semaphore, #tpu.memory_space<semaphore_mem>>)
      %add3A_20 = arith.constant 1638400 : i32
      %add3A_21 = arith.addi %add3A_20, %add3A_15 : i32
      "tpu.region"() ({
        %run_scoped3A = tpu.sem_alloc : memref<!tpu.dma_semaphore, #tpu.memory_space<semaphore_mem>>
        %dma_start3A_46 = tpu.memref_slice %arg2[%add3A_21] : memref<6553600xi32, #tpu.memory_space<hbm>> -> memref<3200xi32, #tpu.memory_space<hbm>>
        %dma_start3A_47 = tpu.memref_slice %arg2[%add3A_21] : memref<6553600xi32, #tpu.memory_space<hbm>> -> memref<3200xi32, #tpu.memory_space<hbm>>
        tpu.enqueue_dma source(%dma_start3A_47 : memref<3200xi32, #tpu.memory_space<hbm>>) target(%arg6 : memref<3200xi32, #tpu.memory_space<vmem>>) target_semaphore(%run_scoped3A : memref<!tpu.dma_semaphore, #tpu.memory_space<semaphore_mem>>)
        %dma_wait3A_48 = tpu.memref_slice %arg2[%add3A_21] : memref<6553600xi32, #tpu.memory_space<hbm>> -> memref<3200xi32, #tpu.memory_space<hbm>>
        %dma_wait3A_49 = tpu.memref_slice %arg2[%add3A_21] : memref<6553600xi32, #tpu.memory_space<hbm>> -> memref<3200xi32, #tpu.memory_space<hbm>>
        tpu.wait_dma2 semaphore(%run_scoped3A : memref<!tpu.dma_semaphore, #tpu.memory_space<semaphore_mem>>) src(%dma_wait3A_49 : memref<3200xi32, #tpu.memory_space<hbm>>) dst(%arg6 : memref<3200xi32, #tpu.memory_space<vmem>>)
        tpu.yield
      }) : () -> ()
      %dma_wait3A = arith.constant 0 : i32
      %dma_wait3A_22 = arith.constant 0 : i32
      %dma_wait3A_23 = tpu.memref_slice %arg3[%dma_wait3A, %dma_wait3A_22] : memref<6400000x16xf32, #tpu.memory_space<hbm>> -> memref<6400000x16xf32, #tpu.memory_space<hbm>>
      tpu.wait_indirect_dma semaphore(%arg9 : memref<!tpu.dma_semaphore, #tpu.memory_space<semaphore_mem>>) src(%dma_wait3A_23 : memref<6400000x16xf32, #tpu.memory_space<hbm>>) dst(%arg7 : memref<3200x16xf32, #tpu.memory_space<vmem>>)
      %dma_start3A_24 = arith.constant 0 : i32
      %dma_start3A_25 = tpu.memref_slice %arg4[%add3A_13, %dma_start3A_24] : memref<819200x16xf32, #tpu.memory_space<hbm>> -> memref<3200x16xf32, #tpu.memory_space<hbm>>
      %dma_start3A_26 = arith.constant 0 : i32
      %dma_start3A_27 = tpu.memref_slice %arg4[%add3A_13, %dma_start3A_26] : memref<819200x16xf32, #tpu.memory_space<hbm>> -> memref<3200x16xf32, #tpu.memory_space<hbm>>
      tpu.enqueue_dma source(%arg7 : memref<3200x16xf32, #tpu.memory_space<vmem>>) target(%dma_start3A_27 : memref<3200x16xf32, #tpu.memory_space<hbm>>) target_semaphore(%arg10 : memref<!tpu.dma_semaphore, #tpu.memory_space<semaphore_mem>>)
      %dma_start3A_28 = arith.constant 0 : i32
      %dma_start3A_29 = arith.constant 0 : i32
      %dma_start3A_30 = tpu.memref_slice %arg3[%dma_start3A_28, %dma_start3A_29] : memref<6400000x16xf32, #tpu.memory_space<hbm>> -> memref<6400000x16xf32, #tpu.memory_space<hbm>>
      tpu.enqueue_indirect_dma source(%dma_start3A_30 : memref<6400000x16xf32, #tpu.memory_space<hbm>>) target(%arg8 : memref<3200x16xf32, #tpu.memory_space<vmem>>) offsets(%arg6 : memref<3200xi32, #tpu.memory_space<vmem>>) semaphore(%arg9 : memref<!tpu.dma_semaphore, #tpu.memory_space<semaphore_mem>>)
      %dma_wait3A_31 = arith.constant 0 : i32
      %dma_wait3A_32 = arith.constant 0 : i32
      %dma_wait3A_33 = tpu.memref_slice %arg3[%dma_wait3A_31, %dma_wait3A_32] : memref<6400000x16xf32, #tpu.memory_space<hbm>> -> memref<6400000x16xf32, #tpu.memory_space<hbm>>
      tpu.wait_indirect_dma semaphore(%arg9 : memref<!tpu.dma_semaphore, #tpu.memory_space<semaphore_mem>>) src(%dma_wait3A_33 : memref<6400000x16xf32, #tpu.memory_space<hbm>>) dst(%arg8 : memref<3200x16xf32, #tpu.memory_space<vmem>>)
      %dma_start3A_34 = arith.constant 0 : i32
      %dma_start3A_35 = tpu.memref_slice %arg4[%add3A_15, %dma_start3A_34] : memref<819200x16xf32, #tpu.memory_space<hbm>> -> memref<3200x16xf32, #tpu.memory_space<hbm>>
      %dma_start3A_36 = arith.constant 0 : i32
      %dma_start3A_37 = tpu.memref_slice %arg4[%add3A_15, %dma_start3A_36] : memref<819200x16xf32, #tpu.memory_space<hbm>> -> memref<3200x16xf32, #tpu.memory_space<hbm>>
      tpu.enqueue_dma source(%arg8 : memref<3200x16xf32, #tpu.memory_space<vmem>>) target(%dma_start3A_37 : memref<3200x16xf32, #tpu.memory_space<hbm>>) target_semaphore(%arg10 : memref<!tpu.dma_semaphore, #tpu.memory_space<semaphore_mem>>)
      %dma_wait3A_38 = arith.constant 0 : i32
      %dma_wait3A_39 = tpu.memref_slice %arg4[%add3A_13, %dma_wait3A_38] : memref<819200x16xf32, #tpu.memory_space<hbm>> -> memref<3200x16xf32, #tpu.memory_space<hbm>>
      %dma_wait3A_40 = arith.constant 0 : i32
      %dma_wait3A_41 = tpu.memref_slice %arg4[%add3A_13, %dma_wait3A_40] : memref<819200x16xf32, #tpu.memory_space<hbm>> -> memref<3200x16xf32, #tpu.memory_space<hbm>>
      tpu.wait_dma2 semaphore(%arg10 : memref<!tpu.dma_semaphore, #tpu.memory_space<semaphore_mem>>) src(%arg7 : memref<3200x16xf32, #tpu.memory_space<vmem>>) dst(%dma_wait3A_41 : memref<3200x16xf32, #tpu.memory_space<hbm>>)
      %dma_wait3A_42 = arith.constant 0 : i32
      %dma_wait3A_43 = tpu.memref_slice %arg4[%add3A_15, %dma_wait3A_42] : memref<819200x16xf32, #tpu.memory_space<hbm>> -> memref<3200x16xf32, #tpu.memory_space<hbm>>
      %dma_wait3A_44 = arith.constant 0 : i32
      %dma_wait3A_45 = tpu.memref_slice %arg4[%add3A_15, %dma_wait3A_44] : memref<819200x16xf32, #tpu.memory_space<hbm>> -> memref<3200x16xf32, #tpu.memory_space<hbm>>
      tpu.wait_dma2 semaphore(%arg10 : memref<!tpu.dma_semaphore, #tpu.memory_space<semaphore_mem>>) src(%arg8 : memref<3200x16xf32, #tpu.memory_space<vmem>>) dst(%dma_wait3A_45 : memref<3200x16xf32, #tpu.memory_space<hbm>>)
    }
    %scan3A_7 = arith.constant 4 : i32
    return
  }
}

#map = affine_map<(d0, d1) -> (0)>
#map1 = affine_map<(d0, d1) -> (0, 0)>
module attributes {stable_mosaic.version = 14 : i64} {
  func.func @k(%arg0: i32, %arg1: i32, %arg2: memref<6553600xi32, #tpu.memory_space<hbm>>, %arg3: memref<6400000x16xf32, #tpu.memory_space<hbm>>, %arg4: memref<819200x16xf32, #tpu.memory_space<hbm>>, %arg5: memref<3200xi32, #tpu.memory_space<vmem>>, %arg6: memref<3200xi32, #tpu.memory_space<vmem>>, %arg7: memref<3200x16xf32, #tpu.memory_space<vmem>>, %arg8: memref<3200x16xf32, #tpu.memory_space<vmem>>, %arg9: memref<!tpu.dma_semaphore, #tpu.memory_space<semaphore_mem>>, %arg10: memref<!tpu.dma_semaphore, #tpu.memory_space<semaphore_mem>>) attributes {dimension_semantics = [#tpu.dimension_semantics<core_parallel>, #tpu.dimension_semantics<subcore_parallel>], iteration_bounds = array<i64: 2, 16>, scalar_prefetch = 0 : i64, scratch_operands = 6 : i64, tpu.core_type = #tpu.core_type<sc_vector_subcore>, window_params = [{transform_indices = #map}, {transform_indices = #map1}, {transform_indices = #map1}]} {
    %mul3A = arith.constant 2 : i32
    %mul3A_0 = arith.muli %arg1, %mul3A : i32
    %add3A = arith.addi %mul3A_0, %arg0 : i32
    %mul3A_1 = arith.constant 25600 : i32
    %mul3A_2 = arith.muli %add3A, %mul3A_1 : i32
    %scan3A = arith.constant 0 : i32
    %scan3A_3 = arith.constant 0 : i32
    %scan3A_4 = arith.constant 4 : i32
    %scan3A_5 = arith.addi %scan3A_3, %scan3A_4 : i32
    %scan3A_6 = arith.constant 1 : i32
    scf.for %scan3A_8 = %scan3A_3 to %scan3A_5 step %scan3A_6  : i32 {
      %mul3A_9 = arith.constant 2 : i32
      %mul3A_10 = arith.muli %mul3A_9, %scan3A_8 : i32
      %mul3A_11 = arith.constant 3200 : i32
      %mul3A_12 = arith.muli %mul3A_10, %mul3A_11 : i32
      %add3A_13 = arith.addi %mul3A_2, %mul3A_12 : i32
      %add3A_14 = arith.constant 3200 : i32
      %add3A_15 = arith.addi %add3A_13, %add3A_14 : i32
      %add3A_16 = arith.constant 0 : i32
      %add3A_17 = arith.addi %add3A_16, %add3A_13 : i32
      "tpu.region"() ({
        %run_scoped3A = tpu.sem_alloc : memref<!tpu.dma_semaphore, #tpu.memory_space<semaphore_mem>>
        %dma_start3A_46 = tpu.memref_slice %arg2[%add3A_17] : memref<6553600xi32, #tpu.memory_space<hbm>> -> memref<3200xi32, #tpu.memory_space<hbm>>
        %dma_start3A_47 = tpu.memref_slice %arg2[%add3A_17] : memref<6553600xi32, #tpu.memory_space<hbm>> -> memref<3200xi32, #tpu.memory_space<hbm>>
        tpu.enqueue_dma source(%dma_start3A_47 : memref<3200xi32, #tpu.memory_space<hbm>>) target(%arg5 : memref<3200xi32, #tpu.memory_space<vmem>>) target_semaphore(%run_scoped3A : memref<!tpu.dma_semaphore, #tpu.memory_space<semaphore_mem>>)
        %dma_wait3A_48 = tpu.memref_slice %arg2[%add3A_17] : memref<6553600xi32, #tpu.memory_space<hbm>> -> memref<3200xi32, #tpu.memory_space<hbm>>
        %dma_wait3A_49 = tpu.memref_slice %arg2[%add3A_17] : memref<6553600xi32, #tpu.memory_space<hbm>> -> memref<3200xi32, #tpu.memory_space<hbm>>
        tpu.wait_dma2 semaphore(%run_scoped3A : memref<!tpu.dma_semaphore, #tpu.memory_space<semaphore_mem>>) src(%dma_wait3A_49 : memref<3200xi32, #tpu.memory_space<hbm>>) dst(%arg5 : memref<3200xi32, #tpu.memory_space<vmem>>)
        tpu.yield
      }) : () -> ()
      %dma_start3A = arith.constant 0 : i32
      %dma_start3A_18 = arith.constant 0 : i32
      %dma_start3A_19 = tpu.memref_slice %arg3[%dma_start3A, %dma_start3A_18] : memref<6400000x16xf32, #tpu.memory_space<hbm>> -> memref<6400000x16xf32, #tpu.memory_space<hbm>>
      tpu.enqueue_indirect_dma source(%dma_start3A_19 : memref<6400000x16xf32, #tpu.memory_space<hbm>>) target(%arg7 : memref<3200x16xf32, #tpu.memory_space<vmem>>) offsets(%arg5 : memref<3200xi32, #tpu.memory_space<vmem>>) semaphore(%arg9 : memref<!tpu.dma_semaphore, #tpu.memory_space<semaphore_mem>>)
      %add3A_20 = arith.constant 0 : i32
      %add3A_21 = arith.addi %add3A_20, %add3A_15 : i32
      "tpu.region"() ({
        %run_scoped3A = tpu.sem_alloc : memref<!tpu.dma_semaphore, #tpu.memory_space<semaphore_mem>>
        %dma_start3A_46 = tpu.memref_slice %arg2[%add3A_21] : memref<6553600xi32, #tpu.memory_space<hbm>> -> memref<3200xi32, #tpu.memory_space<hbm>>
        %dma_start3A_47 = tpu.memref_slice %arg2[%add3A_21] : memref<6553600xi32, #tpu.memory_space<hbm>> -> memref<3200xi32, #tpu.memory_space<hbm>>
        tpu.enqueue_dma source(%dma_start3A_47 : memref<3200xi32, #tpu.memory_space<hbm>>) target(%arg6 : memref<3200xi32, #tpu.memory_space<vmem>>) target_semaphore(%run_scoped3A : memref<!tpu.dma_semaphore, #tpu.memory_space<semaphore_mem>>)
        %dma_wait3A_48 = tpu.memref_slice %arg2[%add3A_21] : memref<6553600xi32, #tpu.memory_space<hbm>> -> memref<3200xi32, #tpu.memory_space<hbm>>
        %dma_wait3A_49 = tpu.memref_slice %arg2[%add3A_21] : memref<6553600xi32, #tpu.memory_space<hbm>> -> memref<3200xi32, #tpu.memory_space<hbm>>
        tpu.wait_dma2 semaphore(%run_scoped3A : memref<!tpu.dma_semaphore, #tpu.memory_space<semaphore_mem>>) src(%dma_wait3A_49 : memref<3200xi32, #tpu.memory_space<hbm>>) dst(%arg6 : memref<3200xi32, #tpu.memory_space<vmem>>)
        tpu.yield
      }) : () -> ()
      %dma_wait3A = arith.constant 0 : i32
      %dma_wait3A_22 = arith.constant 0 : i32
      %dma_wait3A_23 = tpu.memref_slice %arg3[%dma_wait3A, %dma_wait3A_22] : memref<6400000x16xf32, #tpu.memory_space<hbm>> -> memref<6400000x16xf32, #tpu.memory_space<hbm>>
      tpu.wait_indirect_dma semaphore(%arg9 : memref<!tpu.dma_semaphore, #tpu.memory_space<semaphore_mem>>) src(%dma_wait3A_23 : memref<6400000x16xf32, #tpu.memory_space<hbm>>) dst(%arg7 : memref<3200x16xf32, #tpu.memory_space<vmem>>)
      %dma_start3A_24 = arith.constant 0 : i32
      %dma_start3A_25 = tpu.memref_slice %arg4[%add3A_13, %dma_start3A_24] : memref<819200x16xf32, #tpu.memory_space<hbm>> -> memref<3200x16xf32, #tpu.memory_space<hbm>>
      %dma_start3A_26 = arith.constant 0 : i32
      %dma_start3A_27 = tpu.memref_slice %arg4[%add3A_13, %dma_start3A_26] : memref<819200x16xf32, #tpu.memory_space<hbm>> -> memref<3200x16xf32, #tpu.memory_space<hbm>>
      tpu.enqueue_dma source(%arg7 : memref<3200x16xf32, #tpu.memory_space<vmem>>) target(%dma_start3A_27 : memref<3200x16xf32, #tpu.memory_space<hbm>>) target_semaphore(%arg10 : memref<!tpu.dma_semaphore, #tpu.memory_space<semaphore_mem>>)
      %dma_start3A_28 = arith.constant 0 : i32
      %dma_start3A_29 = arith.constant 0 : i32
      %dma_start3A_30 = tpu.memref_slice %arg3[%dma_start3A_28, %dma_start3A_29] : memref<6400000x16xf32, #tpu.memory_space<hbm>> -> memref<6400000x16xf32, #tpu.memory_space<hbm>>
      tpu.enqueue_indirect_dma source(%dma_start3A_30 : memref<6400000x16xf32, #tpu.memory_space<hbm>>) target(%arg8 : memref<3200x16xf32, #tpu.memory_space<vmem>>) offsets(%arg6 : memref<3200xi32, #tpu.memory_space<vmem>>) semaphore(%arg9 : memref<!tpu.dma_semaphore, #tpu.memory_space<semaphore_mem>>)
      %dma_wait3A_31 = arith.constant 0 : i32
      %dma_wait3A_32 = arith.constant 0 : i32
      %dma_wait3A_33 = tpu.memref_slice %arg3[%dma_wait3A_31, %dma_wait3A_32] : memref<6400000x16xf32, #tpu.memory_space<hbm>> -> memref<6400000x16xf32, #tpu.memory_space<hbm>>
      tpu.wait_indirect_dma semaphore(%arg9 : memref<!tpu.dma_semaphore, #tpu.memory_space<semaphore_mem>>) src(%dma_wait3A_33 : memref<6400000x16xf32, #tpu.memory_space<hbm>>) dst(%arg8 : memref<3200x16xf32, #tpu.memory_space<vmem>>)
      %dma_start3A_34 = arith.constant 0 : i32
      %dma_start3A_35 = tpu.memref_slice %arg4[%add3A_15, %dma_start3A_34] : memref<819200x16xf32, #tpu.memory_space<hbm>> -> memref<3200x16xf32, #tpu.memory_space<hbm>>
      %dma_start3A_36 = arith.constant 0 : i32
      %dma_start3A_37 = tpu.memref_slice %arg4[%add3A_15, %dma_start3A_36] : memref<819200x16xf32, #tpu.memory_space<hbm>> -> memref<3200x16xf32, #tpu.memory_space<hbm>>
      tpu.enqueue_dma source(%arg8 : memref<3200x16xf32, #tpu.memory_space<vmem>>) target(%dma_start3A_37 : memref<3200x16xf32, #tpu.memory_space<hbm>>) target_semaphore(%arg10 : memref<!tpu.dma_semaphore, #tpu.memory_space<semaphore_mem>>)
      %dma_wait3A_38 = arith.constant 0 : i32
      %dma_wait3A_39 = tpu.memref_slice %arg4[%add3A_13, %dma_wait3A_38] : memref<819200x16xf32, #tpu.memory_space<hbm>> -> memref<3200x16xf32, #tpu.memory_space<hbm>>
      %dma_wait3A_40 = arith.constant 0 : i32
      %dma_wait3A_41 = tpu.memref_slice %arg4[%add3A_13, %dma_wait3A_40] : memref<819200x16xf32, #tpu.memory_space<hbm>> -> memref<3200x16xf32, #tpu.memory_space<hbm>>
      tpu.wait_dma2 semaphore(%arg10 : memref<!tpu.dma_semaphore, #tpu.memory_space<semaphore_mem>>) src(%arg7 : memref<3200x16xf32, #tpu.memory_space<vmem>>) dst(%dma_wait3A_41 : memref<3200x16xf32, #tpu.memory_space<hbm>>)
      %dma_wait3A_42 = arith.constant 0 : i32
      %dma_wait3A_43 = tpu.memref_slice %arg4[%add3A_15, %dma_wait3A_42] : memref<819200x16xf32, #tpu.memory_space<hbm>> -> memref<3200x16xf32, #tpu.memory_space<hbm>>
      %dma_wait3A_44 = arith.constant 0 : i32
      %dma_wait3A_45 = tpu.memref_slice %arg4[%add3A_15, %dma_wait3A_44] : memref<819200x16xf32, #tpu.memory_space<hbm>> -> memref<3200x16xf32, #tpu.memory_space<hbm>>
      tpu.wait_dma2 semaphore(%arg10 : memref<!tpu.dma_semaphore, #tpu.memory_space<semaphore_mem>>) src(%arg8 : memref<3200x16xf32, #tpu.memory_space<vmem>>) dst(%dma_wait3A_45 : memref<3200x16xf32, #tpu.memory_space<hbm>>)
    }
    %scan3A_7 = arith.constant 4 : i32
    return
  }
}

#map = affine_map<(d0, d1) -> (0)>
#map1 = affine_map<(d0, d1) -> (0, 0)>
module attributes {stable_mosaic.version = 14 : i64} {
  func.func @k(%arg0: i32, %arg1: i32, %arg2: memref<6553600xi32, #tpu.memory_space<hbm>>, %arg3: memref<6400000x16xf32, #tpu.memory_space<hbm>>, %arg4: memref<819200x16xf32, #tpu.memory_space<hbm>>, %arg5: memref<3200xi32, #tpu.memory_space<vmem>>, %arg6: memref<3200xi32, #tpu.memory_space<vmem>>, %arg7: memref<3200x16xf32, #tpu.memory_space<vmem>>, %arg8: memref<3200x16xf32, #tpu.memory_space<vmem>>, %arg9: memref<!tpu.dma_semaphore, #tpu.memory_space<semaphore_mem>>, %arg10: memref<!tpu.dma_semaphore, #tpu.memory_space<semaphore_mem>>) attributes {dimension_semantics = [#tpu.dimension_semantics<core_parallel>, #tpu.dimension_semantics<subcore_parallel>], iteration_bounds = array<i64: 2, 16>, scalar_prefetch = 0 : i64, scratch_operands = 6 : i64, tpu.core_type = #tpu.core_type<sc_vector_subcore>, window_params = [{transform_indices = #map}, {transform_indices = #map1}, {transform_indices = #map1}]} {
    %mul3A = arith.constant 2 : i32
    %mul3A_0 = arith.muli %arg1, %mul3A : i32
    %add3A = arith.addi %mul3A_0, %arg0 : i32
    %mul3A_1 = arith.constant 25600 : i32
    %mul3A_2 = arith.muli %add3A, %mul3A_1 : i32
    %scan3A = arith.constant 0 : i32
    %scan3A_3 = arith.constant 0 : i32
    %scan3A_4 = arith.constant 4 : i32
    %scan3A_5 = arith.addi %scan3A_3, %scan3A_4 : i32
    %scan3A_6 = arith.constant 1 : i32
    scf.for %scan3A_8 = %scan3A_3 to %scan3A_5 step %scan3A_6  : i32 {
      %mul3A_9 = arith.constant 2 : i32
      %mul3A_10 = arith.muli %mul3A_9, %scan3A_8 : i32
      %mul3A_11 = arith.constant 3200 : i32
      %mul3A_12 = arith.muli %mul3A_10, %mul3A_11 : i32
      %add3A_13 = arith.addi %mul3A_2, %mul3A_12 : i32
      %add3A_14 = arith.constant 3200 : i32
      %add3A_15 = arith.addi %add3A_13, %add3A_14 : i32
      %add3A_16 = arith.constant 3276800 : i32
      %add3A_17 = arith.addi %add3A_16, %add3A_13 : i32
      "tpu.region"() ({
        %run_scoped3A = tpu.sem_alloc : memref<!tpu.dma_semaphore, #tpu.memory_space<semaphore_mem>>
        %dma_start3A_46 = tpu.memref_slice %arg2[%add3A_17] : memref<6553600xi32, #tpu.memory_space<hbm>> -> memref<3200xi32, #tpu.memory_space<hbm>>
        %dma_start3A_47 = tpu.memref_slice %arg2[%add3A_17] : memref<6553600xi32, #tpu.memory_space<hbm>> -> memref<3200xi32, #tpu.memory_space<hbm>>
        tpu.enqueue_dma source(%dma_start3A_47 : memref<3200xi32, #tpu.memory_space<hbm>>) target(%arg5 : memref<3200xi32, #tpu.memory_space<vmem>>) target_semaphore(%run_scoped3A : memref<!tpu.dma_semaphore, #tpu.memory_space<semaphore_mem>>)
        %dma_wait3A_48 = tpu.memref_slice %arg2[%add3A_17] : memref<6553600xi32, #tpu.memory_space<hbm>> -> memref<3200xi32, #tpu.memory_space<hbm>>
        %dma_wait3A_49 = tpu.memref_slice %arg2[%add3A_17] : memref<6553600xi32, #tpu.memory_space<hbm>> -> memref<3200xi32, #tpu.memory_space<hbm>>
        tpu.wait_dma2 semaphore(%run_scoped3A : memref<!tpu.dma_semaphore, #tpu.memory_space<semaphore_mem>>) src(%dma_wait3A_49 : memref<3200xi32, #tpu.memory_space<hbm>>) dst(%arg5 : memref<3200xi32, #tpu.memory_space<vmem>>)
        tpu.yield
      }) : () -> ()
      %dma_start3A = arith.constant 0 : i32
      %dma_start3A_18 = arith.constant 0 : i32
      %dma_start3A_19 = tpu.memref_slice %arg3[%dma_start3A, %dma_start3A_18] : memref<6400000x16xf32, #tpu.memory_space<hbm>> -> memref<6400000x16xf32, #tpu.memory_space<hbm>>
      tpu.enqueue_indirect_dma source(%dma_start3A_19 : memref<6400000x16xf32, #tpu.memory_space<hbm>>) target(%arg7 : memref<3200x16xf32, #tpu.memory_space<vmem>>) offsets(%arg5 : memref<3200xi32, #tpu.memory_space<vmem>>) semaphore(%arg9 : memref<!tpu.dma_semaphore, #tpu.memory_space<semaphore_mem>>)
      %add3A_20 = arith.constant 3276800 : i32
      %add3A_21 = arith.addi %add3A_20, %add3A_15 : i32
      "tpu.region"() ({
        %run_scoped3A = tpu.sem_alloc : memref<!tpu.dma_semaphore, #tpu.memory_space<semaphore_mem>>
        %dma_start3A_46 = tpu.memref_slice %arg2[%add3A_21] : memref<6553600xi32, #tpu.memory_space<hbm>> -> memref<3200xi32, #tpu.memory_space<hbm>>
        %dma_start3A_47 = tpu.memref_slice %arg2[%add3A_21] : memref<6553600xi32, #tpu.memory_space<hbm>> -> memref<3200xi32, #tpu.memory_space<hbm>>
        tpu.enqueue_dma source(%dma_start3A_47 : memref<3200xi32, #tpu.memory_space<hbm>>) target(%arg6 : memref<3200xi32, #tpu.memory_space<vmem>>) target_semaphore(%run_scoped3A : memref<!tpu.dma_semaphore, #tpu.memory_space<semaphore_mem>>)
        %dma_wait3A_48 = tpu.memref_slice %arg2[%add3A_21] : memref<6553600xi32, #tpu.memory_space<hbm>> -> memref<3200xi32, #tpu.memory_space<hbm>>
        %dma_wait3A_49 = tpu.memref_slice %arg2[%add3A_21] : memref<6553600xi32, #tpu.memory_space<hbm>> -> memref<3200xi32, #tpu.memory_space<hbm>>
        tpu.wait_dma2 semaphore(%run_scoped3A : memref<!tpu.dma_semaphore, #tpu.memory_space<semaphore_mem>>) src(%dma_wait3A_49 : memref<3200xi32, #tpu.memory_space<hbm>>) dst(%arg6 : memref<3200xi32, #tpu.memory_space<vmem>>)
        tpu.yield
      }) : () -> ()
      %dma_wait3A = arith.constant 0 : i32
      %dma_wait3A_22 = arith.constant 0 : i32
      %dma_wait3A_23 = tpu.memref_slice %arg3[%dma_wait3A, %dma_wait3A_22] : memref<6400000x16xf32, #tpu.memory_space<hbm>> -> memref<6400000x16xf32, #tpu.memory_space<hbm>>
      tpu.wait_indirect_dma semaphore(%arg9 : memref<!tpu.dma_semaphore, #tpu.memory_space<semaphore_mem>>) src(%dma_wait3A_23 : memref<6400000x16xf32, #tpu.memory_space<hbm>>) dst(%arg7 : memref<3200x16xf32, #tpu.memory_space<vmem>>)
      %dma_start3A_24 = arith.constant 0 : i32
      %dma_start3A_25 = tpu.memref_slice %arg4[%add3A_13, %dma_start3A_24] : memref<819200x16xf32, #tpu.memory_space<hbm>> -> memref<3200x16xf32, #tpu.memory_space<hbm>>
      %dma_start3A_26 = arith.constant 0 : i32
      %dma_start3A_27 = tpu.memref_slice %arg4[%add3A_13, %dma_start3A_26] : memref<819200x16xf32, #tpu.memory_space<hbm>> -> memref<3200x16xf32, #tpu.memory_space<hbm>>
      tpu.enqueue_dma source(%arg7 : memref<3200x16xf32, #tpu.memory_space<vmem>>) target(%dma_start3A_27 : memref<3200x16xf32, #tpu.memory_space<hbm>>) target_semaphore(%arg10 : memref<!tpu.dma_semaphore, #tpu.memory_space<semaphore_mem>>)
      %dma_start3A_28 = arith.constant 0 : i32
      %dma_start3A_29 = arith.constant 0 : i32
      %dma_start3A_30 = tpu.memref_slice %arg3[%dma_start3A_28, %dma_start3A_29] : memref<6400000x16xf32, #tpu.memory_space<hbm>> -> memref<6400000x16xf32, #tpu.memory_space<hbm>>
      tpu.enqueue_indirect_dma source(%dma_start3A_30 : memref<6400000x16xf32, #tpu.memory_space<hbm>>) target(%arg8 : memref<3200x16xf32, #tpu.memory_space<vmem>>) offsets(%arg6 : memref<3200xi32, #tpu.memory_space<vmem>>) semaphore(%arg9 : memref<!tpu.dma_semaphore, #tpu.memory_space<semaphore_mem>>)
      %dma_wait3A_31 = arith.constant 0 : i32
      %dma_wait3A_32 = arith.constant 0 : i32
      %dma_wait3A_33 = tpu.memref_slice %arg3[%dma_wait3A_31, %dma_wait3A_32] : memref<6400000x16xf32, #tpu.memory_space<hbm>> -> memref<6400000x16xf32, #tpu.memory_space<hbm>>
      tpu.wait_indirect_dma semaphore(%arg9 : memref<!tpu.dma_semaphore, #tpu.memory_space<semaphore_mem>>) src(%dma_wait3A_33 : memref<6400000x16xf32, #tpu.memory_space<hbm>>) dst(%arg8 : memref<3200x16xf32, #tpu.memory_space<vmem>>)
      %dma_start3A_34 = arith.constant 0 : i32
      %dma_start3A_35 = tpu.memref_slice %arg4[%add3A_15, %dma_start3A_34] : memref<819200x16xf32, #tpu.memory_space<hbm>> -> memref<3200x16xf32, #tpu.memory_space<hbm>>
      %dma_start3A_36 = arith.constant 0 : i32
      %dma_start3A_37 = tpu.memref_slice %arg4[%add3A_15, %dma_start3A_36] : memref<819200x16xf32, #tpu.memory_space<hbm>> -> memref<3200x16xf32, #tpu.memory_space<hbm>>
      tpu.enqueue_dma source(%arg8 : memref<3200x16xf32, #tpu.memory_space<vmem>>) target(%dma_start3A_37 : memref<3200x16xf32, #tpu.memory_space<hbm>>) target_semaphore(%arg10 : memref<!tpu.dma_semaphore, #tpu.memory_space<semaphore_mem>>)
      %dma_wait3A_38 = arith.constant 0 : i32
      %dma_wait3A_39 = tpu.memref_slice %arg4[%add3A_13, %dma_wait3A_38] : memref<819200x16xf32, #tpu.memory_space<hbm>> -> memref<3200x16xf32, #tpu.memory_space<hbm>>
      %dma_wait3A_40 = arith.constant 0 : i32
      %dma_wait3A_41 = tpu.memref_slice %arg4[%add3A_13, %dma_wait3A_40] : memref<819200x16xf32, #tpu.memory_space<hbm>> -> memref<3200x16xf32, #tpu.memory_space<hbm>>
      tpu.wait_dma2 semaphore(%arg10 : memref<!tpu.dma_semaphore, #tpu.memory_space<semaphore_mem>>) src(%arg7 : memref<3200x16xf32, #tpu.memory_space<vmem>>) dst(%dma_wait3A_41 : memref<3200x16xf32, #tpu.memory_space<hbm>>)
      %dma_wait3A_42 = arith.constant 0 : i32
      %dma_wait3A_43 = tpu.memref_slice %arg4[%add3A_15, %dma_wait3A_42] : memref<819200x16xf32, #tpu.memory_space<hbm>> -> memref<3200x16xf32, #tpu.memory_space<hbm>>
      %dma_wait3A_44 = arith.constant 0 : i32
      %dma_wait3A_45 = tpu.memref_slice %arg4[%add3A_15, %dma_wait3A_44] : memref<819200x16xf32, #tpu.memory_space<hbm>> -> memref<3200x16xf32, #tpu.memory_space<hbm>>
      tpu.wait_dma2 semaphore(%arg10 : memref<!tpu.dma_semaphore, #tpu.memory_space<semaphore_mem>>) src(%arg8 : memref<3200x16xf32, #tpu.memory_space<vmem>>) dst(%dma_wait3A_45 : memref<3200x16xf32, #tpu.memory_space<hbm>>)
    }
    %scan3A_7 = arith.constant 4 : i32
    return
  }
}

#map = affine_map<(d0, d1) -> (0)>
#map1 = affine_map<(d0, d1) -> (0, 0)>
module attributes {stable_mosaic.version = 14 : i64} {
  func.func @k(%arg0: i32, %arg1: i32, %arg2: memref<6553600xi32, #tpu.memory_space<hbm>>, %arg3: memref<6400000x16xf32, #tpu.memory_space<hbm>>, %arg4: memref<819200x16xf32, #tpu.memory_space<hbm>>, %arg5: memref<3200xi32, #tpu.memory_space<vmem>>, %arg6: memref<3200xi32, #tpu.memory_space<vmem>>, %arg7: memref<3200x16xf32, #tpu.memory_space<vmem>>, %arg8: memref<3200x16xf32, #tpu.memory_space<vmem>>, %arg9: memref<!tpu.dma_semaphore, #tpu.memory_space<semaphore_mem>>, %arg10: memref<!tpu.dma_semaphore, #tpu.memory_space<semaphore_mem>>) attributes {dimension_semantics = [#tpu.dimension_semantics<core_parallel>, #tpu.dimension_semantics<subcore_parallel>], iteration_bounds = array<i64: 2, 16>, scalar_prefetch = 0 : i64, scratch_operands = 6 : i64, tpu.core_type = #tpu.core_type<sc_vector_subcore>, window_params = [{transform_indices = #map}, {transform_indices = #map1}, {transform_indices = #map1}]} {
    %mul3A = arith.constant 2 : i32
    %mul3A_0 = arith.muli %arg1, %mul3A : i32
    %add3A = arith.addi %mul3A_0, %arg0 : i32
    %mul3A_1 = arith.constant 25600 : i32
    %mul3A_2 = arith.muli %add3A, %mul3A_1 : i32
    %scan3A = arith.constant 0 : i32
    %scan3A_3 = arith.constant 0 : i32
    %scan3A_4 = arith.constant 4 : i32
    %scan3A_5 = arith.addi %scan3A_3, %scan3A_4 : i32
    %scan3A_6 = arith.constant 1 : i32
    scf.for %scan3A_8 = %scan3A_3 to %scan3A_5 step %scan3A_6  : i32 {
      %mul3A_9 = arith.constant 2 : i32
      %mul3A_10 = arith.muli %mul3A_9, %scan3A_8 : i32
      %mul3A_11 = arith.constant 3200 : i32
      %mul3A_12 = arith.muli %mul3A_10, %mul3A_11 : i32
      %add3A_13 = arith.addi %mul3A_2, %mul3A_12 : i32
      %add3A_14 = arith.constant 3200 : i32
      %add3A_15 = arith.addi %add3A_13, %add3A_14 : i32
      %add3A_16 = arith.constant 4096000 : i32
      %add3A_17 = arith.addi %add3A_16, %add3A_13 : i32
      "tpu.region"() ({
        %run_scoped3A = tpu.sem_alloc : memref<!tpu.dma_semaphore, #tpu.memory_space<semaphore_mem>>
        %dma_start3A_46 = tpu.memref_slice %arg2[%add3A_17] : memref<6553600xi32, #tpu.memory_space<hbm>> -> memref<3200xi32, #tpu.memory_space<hbm>>
        %dma_start3A_47 = tpu.memref_slice %arg2[%add3A_17] : memref<6553600xi32, #tpu.memory_space<hbm>> -> memref<3200xi32, #tpu.memory_space<hbm>>
        tpu.enqueue_dma source(%dma_start3A_47 : memref<3200xi32, #tpu.memory_space<hbm>>) target(%arg5 : memref<3200xi32, #tpu.memory_space<vmem>>) target_semaphore(%run_scoped3A : memref<!tpu.dma_semaphore, #tpu.memory_space<semaphore_mem>>)
        %dma_wait3A_48 = tpu.memref_slice %arg2[%add3A_17] : memref<6553600xi32, #tpu.memory_space<hbm>> -> memref<3200xi32, #tpu.memory_space<hbm>>
        %dma_wait3A_49 = tpu.memref_slice %arg2[%add3A_17] : memref<6553600xi32, #tpu.memory_space<hbm>> -> memref<3200xi32, #tpu.memory_space<hbm>>
        tpu.wait_dma2 semaphore(%run_scoped3A : memref<!tpu.dma_semaphore, #tpu.memory_space<semaphore_mem>>) src(%dma_wait3A_49 : memref<3200xi32, #tpu.memory_space<hbm>>) dst(%arg5 : memref<3200xi32, #tpu.memory_space<vmem>>)
        tpu.yield
      }) : () -> ()
      %dma_start3A = arith.constant 0 : i32
      %dma_start3A_18 = arith.constant 0 : i32
      %dma_start3A_19 = tpu.memref_slice %arg3[%dma_start3A, %dma_start3A_18] : memref<6400000x16xf32, #tpu.memory_space<hbm>> -> memref<6400000x16xf32, #tpu.memory_space<hbm>>
      tpu.enqueue_indirect_dma source(%dma_start3A_19 : memref<6400000x16xf32, #tpu.memory_space<hbm>>) target(%arg7 : memref<3200x16xf32, #tpu.memory_space<vmem>>) offsets(%arg5 : memref<3200xi32, #tpu.memory_space<vmem>>) semaphore(%arg9 : memref<!tpu.dma_semaphore, #tpu.memory_space<semaphore_mem>>)
      %add3A_20 = arith.constant 4096000 : i32
      %add3A_21 = arith.addi %add3A_20, %add3A_15 : i32
      "tpu.region"() ({
        %run_scoped3A = tpu.sem_alloc : memref<!tpu.dma_semaphore, #tpu.memory_space<semaphore_mem>>
        %dma_start3A_46 = tpu.memref_slice %arg2[%add3A_21] : memref<6553600xi32, #tpu.memory_space<hbm>> -> memref<3200xi32, #tpu.memory_space<hbm>>
        %dma_start3A_47 = tpu.memref_slice %arg2[%add3A_21] : memref<6553600xi32, #tpu.memory_space<hbm>> -> memref<3200xi32, #tpu.memory_space<hbm>>
        tpu.enqueue_dma source(%dma_start3A_47 : memref<3200xi32, #tpu.memory_space<hbm>>) target(%arg6 : memref<3200xi32, #tpu.memory_space<vmem>>) target_semaphore(%run_scoped3A : memref<!tpu.dma_semaphore, #tpu.memory_space<semaphore_mem>>)
        %dma_wait3A_48 = tpu.memref_slice %arg2[%add3A_21] : memref<6553600xi32, #tpu.memory_space<hbm>> -> memref<3200xi32, #tpu.memory_space<hbm>>
        %dma_wait3A_49 = tpu.memref_slice %arg2[%add3A_21] : memref<6553600xi32, #tpu.memory_space<hbm>> -> memref<3200xi32, #tpu.memory_space<hbm>>
        tpu.wait_dma2 semaphore(%run_scoped3A : memref<!tpu.dma_semaphore, #tpu.memory_space<semaphore_mem>>) src(%dma_wait3A_49 : memref<3200xi32, #tpu.memory_space<hbm>>) dst(%arg6 : memref<3200xi32, #tpu.memory_space<vmem>>)
        tpu.yield
      }) : () -> ()
      %dma_wait3A = arith.constant 0 : i32
      %dma_wait3A_22 = arith.constant 0 : i32
      %dma_wait3A_23 = tpu.memref_slice %arg3[%dma_wait3A, %dma_wait3A_22] : memref<6400000x16xf32, #tpu.memory_space<hbm>> -> memref<6400000x16xf32, #tpu.memory_space<hbm>>
      tpu.wait_indirect_dma semaphore(%arg9 : memref<!tpu.dma_semaphore, #tpu.memory_space<semaphore_mem>>) src(%dma_wait3A_23 : memref<6400000x16xf32, #tpu.memory_space<hbm>>) dst(%arg7 : memref<3200x16xf32, #tpu.memory_space<vmem>>)
      %dma_start3A_24 = arith.constant 0 : i32
      %dma_start3A_25 = tpu.memref_slice %arg4[%add3A_13, %dma_start3A_24] : memref<819200x16xf32, #tpu.memory_space<hbm>> -> memref<3200x16xf32, #tpu.memory_space<hbm>>
      %dma_start3A_26 = arith.constant 0 : i32
      %dma_start3A_27 = tpu.memref_slice %arg4[%add3A_13, %dma_start3A_26] : memref<819200x16xf32, #tpu.memory_space<hbm>> -> memref<3200x16xf32, #tpu.memory_space<hbm>>
      tpu.enqueue_dma source(%arg7 : memref<3200x16xf32, #tpu.memory_space<vmem>>) target(%dma_start3A_27 : memref<3200x16xf32, #tpu.memory_space<hbm>>) target_semaphore(%arg10 : memref<!tpu.dma_semaphore, #tpu.memory_space<semaphore_mem>>)
      %dma_start3A_28 = arith.constant 0 : i32
      %dma_start3A_29 = arith.constant 0 : i32
      %dma_start3A_30 = tpu.memref_slice %arg3[%dma_start3A_28, %dma_start3A_29] : memref<6400000x16xf32, #tpu.memory_space<hbm>> -> memref<6400000x16xf32, #tpu.memory_space<hbm>>
      tpu.enqueue_indirect_dma source(%dma_start3A_30 : memref<6400000x16xf32, #tpu.memory_space<hbm>>) target(%arg8 : memref<3200x16xf32, #tpu.memory_space<vmem>>) offsets(%arg6 : memref<3200xi32, #tpu.memory_space<vmem>>) semaphore(%arg9 : memref<!tpu.dma_semaphore, #tpu.memory_space<semaphore_mem>>)
      %dma_wait3A_31 = arith.constant 0 : i32
      %dma_wait3A_32 = arith.constant 0 : i32
      %dma_wait3A_33 = tpu.memref_slice %arg3[%dma_wait3A_31, %dma_wait3A_32] : memref<6400000x16xf32, #tpu.memory_space<hbm>> -> memref<6400000x16xf32, #tpu.memory_space<hbm>>
      tpu.wait_indirect_dma semaphore(%arg9 : memref<!tpu.dma_semaphore, #tpu.memory_space<semaphore_mem>>) src(%dma_wait3A_33 : memref<6400000x16xf32, #tpu.memory_space<hbm>>) dst(%arg8 : memref<3200x16xf32, #tpu.memory_space<vmem>>)
      %dma_start3A_34 = arith.constant 0 : i32
      %dma_start3A_35 = tpu.memref_slice %arg4[%add3A_15, %dma_start3A_34] : memref<819200x16xf32, #tpu.memory_space<hbm>> -> memref<3200x16xf32, #tpu.memory_space<hbm>>
      %dma_start3A_36 = arith.constant 0 : i32
      %dma_start3A_37 = tpu.memref_slice %arg4[%add3A_15, %dma_start3A_36] : memref<819200x16xf32, #tpu.memory_space<hbm>> -> memref<3200x16xf32, #tpu.memory_space<hbm>>
      tpu.enqueue_dma source(%arg8 : memref<3200x16xf32, #tpu.memory_space<vmem>>) target(%dma_start3A_37 : memref<3200x16xf32, #tpu.memory_space<hbm>>) target_semaphore(%arg10 : memref<!tpu.dma_semaphore, #tpu.memory_space<semaphore_mem>>)
      %dma_wait3A_38 = arith.constant 0 : i32
      %dma_wait3A_39 = tpu.memref_slice %arg4[%add3A_13, %dma_wait3A_38] : memref<819200x16xf32, #tpu.memory_space<hbm>> -> memref<3200x16xf32, #tpu.memory_space<hbm>>
      %dma_wait3A_40 = arith.constant 0 : i32
      %dma_wait3A_41 = tpu.memref_slice %arg4[%add3A_13, %dma_wait3A_40] : memref<819200x16xf32, #tpu.memory_space<hbm>> -> memref<3200x16xf32, #tpu.memory_space<hbm>>
      tpu.wait_dma2 semaphore(%arg10 : memref<!tpu.dma_semaphore, #tpu.memory_space<semaphore_mem>>) src(%arg7 : memref<3200x16xf32, #tpu.memory_space<vmem>>) dst(%dma_wait3A_41 : memref<3200x16xf32, #tpu.memory_space<hbm>>)
      %dma_wait3A_42 = arith.constant 0 : i32
      %dma_wait3A_43 = tpu.memref_slice %arg4[%add3A_15, %dma_wait3A_42] : memref<819200x16xf32, #tpu.memory_space<hbm>> -> memref<3200x16xf32, #tpu.memory_space<hbm>>
      %dma_wait3A_44 = arith.constant 0 : i32
      %dma_wait3A_45 = tpu.memref_slice %arg4[%add3A_15, %dma_wait3A_44] : memref<819200x16xf32, #tpu.memory_space<hbm>> -> memref<3200x16xf32, #tpu.memory_space<hbm>>
      tpu.wait_dma2 semaphore(%arg10 : memref<!tpu.dma_semaphore, #tpu.memory_space<semaphore_mem>>) src(%arg8 : memref<3200x16xf32, #tpu.memory_space<vmem>>) dst(%dma_wait3A_45 : memref<3200x16xf32, #tpu.memory_space<hbm>>)
    }
    %scan3A_7 = arith.constant 4 : i32
    return
  }
}

#map = affine_map<(d0, d1) -> (0)>
#map1 = affine_map<(d0, d1) -> (0, 0)>
module attributes {stable_mosaic.version = 14 : i64} {
  func.func @k(%arg0: i32, %arg1: i32, %arg2: memref<6553600xi32, #tpu.memory_space<hbm>>, %arg3: memref<6400000x16xf32, #tpu.memory_space<hbm>>, %arg4: memref<819200x16xf32, #tpu.memory_space<hbm>>, %arg5: memref<3200xi32, #tpu.memory_space<vmem>>, %arg6: memref<3200xi32, #tpu.memory_space<vmem>>, %arg7: memref<3200x16xf32, #tpu.memory_space<vmem>>, %arg8: memref<3200x16xf32, #tpu.memory_space<vmem>>, %arg9: memref<!tpu.dma_semaphore, #tpu.memory_space<semaphore_mem>>, %arg10: memref<!tpu.dma_semaphore, #tpu.memory_space<semaphore_mem>>) attributes {dimension_semantics = [#tpu.dimension_semantics<core_parallel>, #tpu.dimension_semantics<subcore_parallel>], iteration_bounds = array<i64: 2, 16>, scalar_prefetch = 0 : i64, scratch_operands = 6 : i64, tpu.core_type = #tpu.core_type<sc_vector_subcore>, window_params = [{transform_indices = #map}, {transform_indices = #map1}, {transform_indices = #map1}]} {
    %mul3A = arith.constant 2 : i32
    %mul3A_0 = arith.muli %arg1, %mul3A : i32
    %add3A = arith.addi %mul3A_0, %arg0 : i32
    %mul3A_1 = arith.constant 25600 : i32
    %mul3A_2 = arith.muli %add3A, %mul3A_1 : i32
    %scan3A = arith.constant 0 : i32
    %scan3A_3 = arith.constant 0 : i32
    %scan3A_4 = arith.constant 4 : i32
    %scan3A_5 = arith.addi %scan3A_3, %scan3A_4 : i32
    %scan3A_6 = arith.constant 1 : i32
    scf.for %scan3A_8 = %scan3A_3 to %scan3A_5 step %scan3A_6  : i32 {
      %mul3A_9 = arith.constant 2 : i32
      %mul3A_10 = arith.muli %mul3A_9, %scan3A_8 : i32
      %mul3A_11 = arith.constant 3200 : i32
      %mul3A_12 = arith.muli %mul3A_10, %mul3A_11 : i32
      %add3A_13 = arith.addi %mul3A_2, %mul3A_12 : i32
      %add3A_14 = arith.constant 3200 : i32
      %add3A_15 = arith.addi %add3A_13, %add3A_14 : i32
      %add3A_16 = arith.constant 4915200 : i32
      %add3A_17 = arith.addi %add3A_16, %add3A_13 : i32
      "tpu.region"() ({
        %run_scoped3A = tpu.sem_alloc : memref<!tpu.dma_semaphore, #tpu.memory_space<semaphore_mem>>
        %dma_start3A_46 = tpu.memref_slice %arg2[%add3A_17] : memref<6553600xi32, #tpu.memory_space<hbm>> -> memref<3200xi32, #tpu.memory_space<hbm>>
        %dma_start3A_47 = tpu.memref_slice %arg2[%add3A_17] : memref<6553600xi32, #tpu.memory_space<hbm>> -> memref<3200xi32, #tpu.memory_space<hbm>>
        tpu.enqueue_dma source(%dma_start3A_47 : memref<3200xi32, #tpu.memory_space<hbm>>) target(%arg5 : memref<3200xi32, #tpu.memory_space<vmem>>) target_semaphore(%run_scoped3A : memref<!tpu.dma_semaphore, #tpu.memory_space<semaphore_mem>>)
        %dma_wait3A_48 = tpu.memref_slice %arg2[%add3A_17] : memref<6553600xi32, #tpu.memory_space<hbm>> -> memref<3200xi32, #tpu.memory_space<hbm>>
        %dma_wait3A_49 = tpu.memref_slice %arg2[%add3A_17] : memref<6553600xi32, #tpu.memory_space<hbm>> -> memref<3200xi32, #tpu.memory_space<hbm>>
        tpu.wait_dma2 semaphore(%run_scoped3A : memref<!tpu.dma_semaphore, #tpu.memory_space<semaphore_mem>>) src(%dma_wait3A_49 : memref<3200xi32, #tpu.memory_space<hbm>>) dst(%arg5 : memref<3200xi32, #tpu.memory_space<vmem>>)
        tpu.yield
      }) : () -> ()
      %dma_start3A = arith.constant 0 : i32
      %dma_start3A_18 = arith.constant 0 : i32
      %dma_start3A_19 = tpu.memref_slice %arg3[%dma_start3A, %dma_start3A_18] : memref<6400000x16xf32, #tpu.memory_space<hbm>> -> memref<6400000x16xf32, #tpu.memory_space<hbm>>
      tpu.enqueue_indirect_dma source(%dma_start3A_19 : memref<6400000x16xf32, #tpu.memory_space<hbm>>) target(%arg7 : memref<3200x16xf32, #tpu.memory_space<vmem>>) offsets(%arg5 : memref<3200xi32, #tpu.memory_space<vmem>>) semaphore(%arg9 : memref<!tpu.dma_semaphore, #tpu.memory_space<semaphore_mem>>)
      %add3A_20 = arith.constant 4915200 : i32
      %add3A_21 = arith.addi %add3A_20, %add3A_15 : i32
      "tpu.region"() ({
        %run_scoped3A = tpu.sem_alloc : memref<!tpu.dma_semaphore, #tpu.memory_space<semaphore_mem>>
        %dma_start3A_46 = tpu.memref_slice %arg2[%add3A_21] : memref<6553600xi32, #tpu.memory_space<hbm>> -> memref<3200xi32, #tpu.memory_space<hbm>>
        %dma_start3A_47 = tpu.memref_slice %arg2[%add3A_21] : memref<6553600xi32, #tpu.memory_space<hbm>> -> memref<3200xi32, #tpu.memory_space<hbm>>
        tpu.enqueue_dma source(%dma_start3A_47 : memref<3200xi32, #tpu.memory_space<hbm>>) target(%arg6 : memref<3200xi32, #tpu.memory_space<vmem>>) target_semaphore(%run_scoped3A : memref<!tpu.dma_semaphore, #tpu.memory_space<semaphore_mem>>)
        %dma_wait3A_48 = tpu.memref_slice %arg2[%add3A_21] : memref<6553600xi32, #tpu.memory_space<hbm>> -> memref<3200xi32, #tpu.memory_space<hbm>>
        %dma_wait3A_49 = tpu.memref_slice %arg2[%add3A_21] : memref<6553600xi32, #tpu.memory_space<hbm>> -> memref<3200xi32, #tpu.memory_space<hbm>>
        tpu.wait_dma2 semaphore(%run_scoped3A : memref<!tpu.dma_semaphore, #tpu.memory_space<semaphore_mem>>) src(%dma_wait3A_49 : memref<3200xi32, #tpu.memory_space<hbm>>) dst(%arg6 : memref<3200xi32, #tpu.memory_space<vmem>>)
        tpu.yield
      }) : () -> ()
      %dma_wait3A = arith.constant 0 : i32
      %dma_wait3A_22 = arith.constant 0 : i32
      %dma_wait3A_23 = tpu.memref_slice %arg3[%dma_wait3A, %dma_wait3A_22] : memref<6400000x16xf32, #tpu.memory_space<hbm>> -> memref<6400000x16xf32, #tpu.memory_space<hbm>>
      tpu.wait_indirect_dma semaphore(%arg9 : memref<!tpu.dma_semaphore, #tpu.memory_space<semaphore_mem>>) src(%dma_wait3A_23 : memref<6400000x16xf32, #tpu.memory_space<hbm>>) dst(%arg7 : memref<3200x16xf32, #tpu.memory_space<vmem>>)
      %dma_start3A_24 = arith.constant 0 : i32
      %dma_start3A_25 = tpu.memref_slice %arg4[%add3A_13, %dma_start3A_24] : memref<819200x16xf32, #tpu.memory_space<hbm>> -> memref<3200x16xf32, #tpu.memory_space<hbm>>
      %dma_start3A_26 = arith.constant 0 : i32
      %dma_start3A_27 = tpu.memref_slice %arg4[%add3A_13, %dma_start3A_26] : memref<819200x16xf32, #tpu.memory_space<hbm>> -> memref<3200x16xf32, #tpu.memory_space<hbm>>
      tpu.enqueue_dma source(%arg7 : memref<3200x16xf32, #tpu.memory_space<vmem>>) target(%dma_start3A_27 : memref<3200x16xf32, #tpu.memory_space<hbm>>) target_semaphore(%arg10 : memref<!tpu.dma_semaphore, #tpu.memory_space<semaphore_mem>>)
      %dma_start3A_28 = arith.constant 0 : i32
      %dma_start3A_29 = arith.constant 0 : i32
      %dma_start3A_30 = tpu.memref_slice %arg3[%dma_start3A_28, %dma_start3A_29] : memref<6400000x16xf32, #tpu.memory_space<hbm>> -> memref<6400000x16xf32, #tpu.memory_space<hbm>>
      tpu.enqueue_indirect_dma source(%dma_start3A_30 : memref<6400000x16xf32, #tpu.memory_space<hbm>>) target(%arg8 : memref<3200x16xf32, #tpu.memory_space<vmem>>) offsets(%arg6 : memref<3200xi32, #tpu.memory_space<vmem>>) semaphore(%arg9 : memref<!tpu.dma_semaphore, #tpu.memory_space<semaphore_mem>>)
      %dma_wait3A_31 = arith.constant 0 : i32
      %dma_wait3A_32 = arith.constant 0 : i32
      %dma_wait3A_33 = tpu.memref_slice %arg3[%dma_wait3A_31, %dma_wait3A_32] : memref<6400000x16xf32, #tpu.memory_space<hbm>> -> memref<6400000x16xf32, #tpu.memory_space<hbm>>
      tpu.wait_indirect_dma semaphore(%arg9 : memref<!tpu.dma_semaphore, #tpu.memory_space<semaphore_mem>>) src(%dma_wait3A_33 : memref<6400000x16xf32, #tpu.memory_space<hbm>>) dst(%arg8 : memref<3200x16xf32, #tpu.memory_space<vmem>>)
      %dma_start3A_34 = arith.constant 0 : i32
      %dma_start3A_35 = tpu.memref_slice %arg4[%add3A_15, %dma_start3A_34] : memref<819200x16xf32, #tpu.memory_space<hbm>> -> memref<3200x16xf32, #tpu.memory_space<hbm>>
      %dma_start3A_36 = arith.constant 0 : i32
      %dma_start3A_37 = tpu.memref_slice %arg4[%add3A_15, %dma_start3A_36] : memref<819200x16xf32, #tpu.memory_space<hbm>> -> memref<3200x16xf32, #tpu.memory_space<hbm>>
      tpu.enqueue_dma source(%arg8 : memref<3200x16xf32, #tpu.memory_space<vmem>>) target(%dma_start3A_37 : memref<3200x16xf32, #tpu.memory_space<hbm>>) target_semaphore(%arg10 : memref<!tpu.dma_semaphore, #tpu.memory_space<semaphore_mem>>)
      %dma_wait3A_38 = arith.constant 0 : i32
      %dma_wait3A_39 = tpu.memref_slice %arg4[%add3A_13, %dma_wait3A_38] : memref<819200x16xf32, #tpu.memory_space<hbm>> -> memref<3200x16xf32, #tpu.memory_space<hbm>>
      %dma_wait3A_40 = arith.constant 0 : i32
      %dma_wait3A_41 = tpu.memref_slice %arg4[%add3A_13, %dma_wait3A_40] : memref<819200x16xf32, #tpu.memory_space<hbm>> -> memref<3200x16xf32, #tpu.memory_space<hbm>>
      tpu.wait_dma2 semaphore(%arg10 : memref<!tpu.dma_semaphore, #tpu.memory_space<semaphore_mem>>) src(%arg7 : memref<3200x16xf32, #tpu.memory_space<vmem>>) dst(%dma_wait3A_41 : memref<3200x16xf32, #tpu.memory_space<hbm>>)
      %dma_wait3A_42 = arith.constant 0 : i32
      %dma_wait3A_43 = tpu.memref_slice %arg4[%add3A_15, %dma_wait3A_42] : memref<819200x16xf32, #tpu.memory_space<hbm>> -> memref<3200x16xf32, #tpu.memory_space<hbm>>
      %dma_wait3A_44 = arith.constant 0 : i32
      %dma_wait3A_45 = tpu.memref_slice %arg4[%add3A_15, %dma_wait3A_44] : memref<819200x16xf32, #tpu.memory_space<hbm>> -> memref<3200x16xf32, #tpu.memory_space<hbm>>
      tpu.wait_dma2 semaphore(%arg10 : memref<!tpu.dma_semaphore, #tpu.memory_space<semaphore_mem>>) src(%arg8 : memref<3200x16xf32, #tpu.memory_space<vmem>>) dst(%dma_wait3A_45 : memref<3200x16xf32, #tpu.memory_space<hbm>>)
    }
    %scan3A_7 = arith.constant 4 : i32
    return
  }
}

#map = affine_map<(d0, d1) -> (0)>
#map1 = affine_map<(d0, d1) -> (0, 0)>
module attributes {stable_mosaic.version = 14 : i64} {
  func.func @k(%arg0: i32, %arg1: i32, %arg2: memref<6553600xi32, #tpu.memory_space<hbm>>, %arg3: memref<6400000x16xf32, #tpu.memory_space<hbm>>, %arg4: memref<819200x16xf32, #tpu.memory_space<hbm>>, %arg5: memref<3200xi32, #tpu.memory_space<vmem>>, %arg6: memref<3200xi32, #tpu.memory_space<vmem>>, %arg7: memref<3200x16xf32, #tpu.memory_space<vmem>>, %arg8: memref<3200x16xf32, #tpu.memory_space<vmem>>, %arg9: memref<!tpu.dma_semaphore, #tpu.memory_space<semaphore_mem>>, %arg10: memref<!tpu.dma_semaphore, #tpu.memory_space<semaphore_mem>>) attributes {dimension_semantics = [#tpu.dimension_semantics<core_parallel>, #tpu.dimension_semantics<subcore_parallel>], iteration_bounds = array<i64: 2, 16>, scalar_prefetch = 0 : i64, scratch_operands = 6 : i64, tpu.core_type = #tpu.core_type<sc_vector_subcore>, window_params = [{transform_indices = #map}, {transform_indices = #map1}, {transform_indices = #map1}]} {
    %mul3A = arith.constant 2 : i32
    %mul3A_0 = arith.muli %arg1, %mul3A : i32
    %add3A = arith.addi %mul3A_0, %arg0 : i32
    %mul3A_1 = arith.constant 25600 : i32
    %mul3A_2 = arith.muli %add3A, %mul3A_1 : i32
    %scan3A = arith.constant 0 : i32
    %scan3A_3 = arith.constant 0 : i32
    %scan3A_4 = arith.constant 4 : i32
    %scan3A_5 = arith.addi %scan3A_3, %scan3A_4 : i32
    %scan3A_6 = arith.constant 1 : i32
    scf.for %scan3A_8 = %scan3A_3 to %scan3A_5 step %scan3A_6  : i32 {
      %mul3A_9 = arith.constant 2 : i32
      %mul3A_10 = arith.muli %mul3A_9, %scan3A_8 : i32
      %mul3A_11 = arith.constant 3200 : i32
      %mul3A_12 = arith.muli %mul3A_10, %mul3A_11 : i32
      %add3A_13 = arith.addi %mul3A_2, %mul3A_12 : i32
      %add3A_14 = arith.constant 3200 : i32
      %add3A_15 = arith.addi %add3A_13, %add3A_14 : i32
      %add3A_16 = arith.constant 5734400 : i32
      %add3A_17 = arith.addi %add3A_16, %add3A_13 : i32
      "tpu.region"() ({
        %run_scoped3A = tpu.sem_alloc : memref<!tpu.dma_semaphore, #tpu.memory_space<semaphore_mem>>
        %dma_start3A_46 = tpu.memref_slice %arg2[%add3A_17] : memref<6553600xi32, #tpu.memory_space<hbm>> -> memref<3200xi32, #tpu.memory_space<hbm>>
        %dma_start3A_47 = tpu.memref_slice %arg2[%add3A_17] : memref<6553600xi32, #tpu.memory_space<hbm>> -> memref<3200xi32, #tpu.memory_space<hbm>>
        tpu.enqueue_dma source(%dma_start3A_47 : memref<3200xi32, #tpu.memory_space<hbm>>) target(%arg5 : memref<3200xi32, #tpu.memory_space<vmem>>) target_semaphore(%run_scoped3A : memref<!tpu.dma_semaphore, #tpu.memory_space<semaphore_mem>>)
        %dma_wait3A_48 = tpu.memref_slice %arg2[%add3A_17] : memref<6553600xi32, #tpu.memory_space<hbm>> -> memref<3200xi32, #tpu.memory_space<hbm>>
        %dma_wait3A_49 = tpu.memref_slice %arg2[%add3A_17] : memref<6553600xi32, #tpu.memory_space<hbm>> -> memref<3200xi32, #tpu.memory_space<hbm>>
        tpu.wait_dma2 semaphore(%run_scoped3A : memref<!tpu.dma_semaphore, #tpu.memory_space<semaphore_mem>>) src(%dma_wait3A_49 : memref<3200xi32, #tpu.memory_space<hbm>>) dst(%arg5 : memref<3200xi32, #tpu.memory_space<vmem>>)
        tpu.yield
      }) : () -> ()
      %dma_start3A = arith.constant 0 : i32
      %dma_start3A_18 = arith.constant 0 : i32
      %dma_start3A_19 = tpu.memref_slice %arg3[%dma_start3A, %dma_start3A_18] : memref<6400000x16xf32, #tpu.memory_space<hbm>> -> memref<6400000x16xf32, #tpu.memory_space<hbm>>
      tpu.enqueue_indirect_dma source(%dma_start3A_19 : memref<6400000x16xf32, #tpu.memory_space<hbm>>) target(%arg7 : memref<3200x16xf32, #tpu.memory_space<vmem>>) offsets(%arg5 : memref<3200xi32, #tpu.memory_space<vmem>>) semaphore(%arg9 : memref<!tpu.dma_semaphore, #tpu.memory_space<semaphore_mem>>)
      %add3A_20 = arith.constant 5734400 : i32
      %add3A_21 = arith.addi %add3A_20, %add3A_15 : i32
      "tpu.region"() ({
        %run_scoped3A = tpu.sem_alloc : memref<!tpu.dma_semaphore, #tpu.memory_space<semaphore_mem>>
        %dma_start3A_46 = tpu.memref_slice %arg2[%add3A_21] : memref<6553600xi32, #tpu.memory_space<hbm>> -> memref<3200xi32, #tpu.memory_space<hbm>>
        %dma_start3A_47 = tpu.memref_slice %arg2[%add3A_21] : memref<6553600xi32, #tpu.memory_space<hbm>> -> memref<3200xi32, #tpu.memory_space<hbm>>
        tpu.enqueue_dma source(%dma_start3A_47 : memref<3200xi32, #tpu.memory_space<hbm>>) target(%arg6 : memref<3200xi32, #tpu.memory_space<vmem>>) target_semaphore(%run_scoped3A : memref<!tpu.dma_semaphore, #tpu.memory_space<semaphore_mem>>)
        %dma_wait3A_48 = tpu.memref_slice %arg2[%add3A_21] : memref<6553600xi32, #tpu.memory_space<hbm>> -> memref<3200xi32, #tpu.memory_space<hbm>>
        %dma_wait3A_49 = tpu.memref_slice %arg2[%add3A_21] : memref<6553600xi32, #tpu.memory_space<hbm>> -> memref<3200xi32, #tpu.memory_space<hbm>>
        tpu.wait_dma2 semaphore(%run_scoped3A : memref<!tpu.dma_semaphore, #tpu.memory_space<semaphore_mem>>) src(%dma_wait3A_49 : memref<3200xi32, #tpu.memory_space<hbm>>) dst(%arg6 : memref<3200xi32, #tpu.memory_space<vmem>>)
        tpu.yield
      }) : () -> ()
      %dma_wait3A = arith.constant 0 : i32
      %dma_wait3A_22 = arith.constant 0 : i32
      %dma_wait3A_23 = tpu.memref_slice %arg3[%dma_wait3A, %dma_wait3A_22] : memref<6400000x16xf32, #tpu.memory_space<hbm>> -> memref<6400000x16xf32, #tpu.memory_space<hbm>>
      tpu.wait_indirect_dma semaphore(%arg9 : memref<!tpu.dma_semaphore, #tpu.memory_space<semaphore_mem>>) src(%dma_wait3A_23 : memref<6400000x16xf32, #tpu.memory_space<hbm>>) dst(%arg7 : memref<3200x16xf32, #tpu.memory_space<vmem>>)
      %dma_start3A_24 = arith.constant 0 : i32
      %dma_start3A_25 = tpu.memref_slice %arg4[%add3A_13, %dma_start3A_24] : memref<819200x16xf32, #tpu.memory_space<hbm>> -> memref<3200x16xf32, #tpu.memory_space<hbm>>
      %dma_start3A_26 = arith.constant 0 : i32
      %dma_start3A_27 = tpu.memref_slice %arg4[%add3A_13, %dma_start3A_26] : memref<819200x16xf32, #tpu.memory_space<hbm>> -> memref<3200x16xf32, #tpu.memory_space<hbm>>
      tpu.enqueue_dma source(%arg7 : memref<3200x16xf32, #tpu.memory_space<vmem>>) target(%dma_start3A_27 : memref<3200x16xf32, #tpu.memory_space<hbm>>) target_semaphore(%arg10 : memref<!tpu.dma_semaphore, #tpu.memory_space<semaphore_mem>>)
      %dma_start3A_28 = arith.constant 0 : i32
      %dma_start3A_29 = arith.constant 0 : i32
      %dma_start3A_30 = tpu.memref_slice %arg3[%dma_start3A_28, %dma_start3A_29] : memref<6400000x16xf32, #tpu.memory_space<hbm>> -> memref<6400000x16xf32, #tpu.memory_space<hbm>>
      tpu.enqueue_indirect_dma source(%dma_start3A_30 : memref<6400000x16xf32, #tpu.memory_space<hbm>>) target(%arg8 : memref<3200x16xf32, #tpu.memory_space<vmem>>) offsets(%arg6 : memref<3200xi32, #tpu.memory_space<vmem>>) semaphore(%arg9 : memref<!tpu.dma_semaphore, #tpu.memory_space<semaphore_mem>>)
      %dma_wait3A_31 = arith.constant 0 : i32
      %dma_wait3A_32 = arith.constant 0 : i32
      %dma_wait3A_33 = tpu.memref_slice %arg3[%dma_wait3A_31, %dma_wait3A_32] : memref<6400000x16xf32, #tpu.memory_space<hbm>> -> memref<6400000x16xf32, #tpu.memory_space<hbm>>
      tpu.wait_indirect_dma semaphore(%arg9 : memref<!tpu.dma_semaphore, #tpu.memory_space<semaphore_mem>>) src(%dma_wait3A_33 : memref<6400000x16xf32, #tpu.memory_space<hbm>>) dst(%arg8 : memref<3200x16xf32, #tpu.memory_space<vmem>>)
      %dma_start3A_34 = arith.constant 0 : i32
      %dma_start3A_35 = tpu.memref_slice %arg4[%add3A_15, %dma_start3A_34] : memref<819200x16xf32, #tpu.memory_space<hbm>> -> memref<3200x16xf32, #tpu.memory_space<hbm>>
      %dma_start3A_36 = arith.constant 0 : i32
      %dma_start3A_37 = tpu.memref_slice %arg4[%add3A_15, %dma_start3A_36] : memref<819200x16xf32, #tpu.memory_space<hbm>> -> memref<3200x16xf32, #tpu.memory_space<hbm>>
      tpu.enqueue_dma source(%arg8 : memref<3200x16xf32, #tpu.memory_space<vmem>>) target(%dma_start3A_37 : memref<3200x16xf32, #tpu.memory_space<hbm>>) target_semaphore(%arg10 : memref<!tpu.dma_semaphore, #tpu.memory_space<semaphore_mem>>)
      %dma_wait3A_38 = arith.constant 0 : i32
      %dma_wait3A_39 = tpu.memref_slice %arg4[%add3A_13, %dma_wait3A_38] : memref<819200x16xf32, #tpu.memory_space<hbm>> -> memref<3200x16xf32, #tpu.memory_space<hbm>>
      %dma_wait3A_40 = arith.constant 0 : i32
      %dma_wait3A_41 = tpu.memref_slice %arg4[%add3A_13, %dma_wait3A_40] : memref<819200x16xf32, #tpu.memory_space<hbm>> -> memref<3200x16xf32, #tpu.memory_space<hbm>>
      tpu.wait_dma2 semaphore(%arg10 : memref<!tpu.dma_semaphore, #tpu.memory_space<semaphore_mem>>) src(%arg7 : memref<3200x16xf32, #tpu.memory_space<vmem>>) dst(%dma_wait3A_41 : memref<3200x16xf32, #tpu.memory_space<hbm>>)
      %dma_wait3A_42 = arith.constant 0 : i32
      %dma_wait3A_43 = tpu.memref_slice %arg4[%add3A_15, %dma_wait3A_42] : memref<819200x16xf32, #tpu.memory_space<hbm>> -> memref<3200x16xf32, #tpu.memory_space<hbm>>
      %dma_wait3A_44 = arith.constant 0 : i32
      %dma_wait3A_45 = tpu.memref_slice %arg4[%add3A_15, %dma_wait3A_44] : memref<819200x16xf32, #tpu.memory_space<hbm>> -> memref<3200x16xf32, #tpu.memory_space<hbm>>
      tpu.wait_dma2 semaphore(%arg10 : memref<!tpu.dma_semaphore, #tpu.memory_space<semaphore_mem>>) src(%arg8 : memref<3200x16xf32, #tpu.memory_space<vmem>>) dst(%dma_wait3A_45 : memref<3200x16xf32, #tpu.memory_space<hbm>>)
    }
    %scan3A_7 = arith.constant 4 : i32
    return
  }
}

module attributes {stable_mosaic.version = 14 : i64} {
  func.func @body(%arg0: i32, %arg1: memref<1600x512xi32, #tpu.memory_space<vmem>>, %arg2: memref<512x1600xi32, #tpu.memory_space<vmem>>) attributes {dimension_semantics = [#tpu.dimension_semantics<arbitrary>], iteration_bounds = array<i64: 8>, scalar_prefetch = 0 : i64, scratch_operands = 0 : i64, tpu.core_type = #tpu.core_type<tc>, window_params = [{transform_indices = @transform_0, window_bounds = array<i64: 1600, 512>}, {transform_indices = @transform_1, window_bounds = array<i64: 512, 1600>}]} {
    %iota3A = tpu.iota {dimensions = array<i32: 1>} : vector<512x1600xi32>
    %jit3A = arith.constant 8 : i32
    %eq3A = arith.constant 0 : i32
    %eq3A_0 = arith.cmpi eq, %jit3A, %eq3A : i32
    %jit3A_1 = arith.constant 1 : i32
    %select_n3A = arith.select %eq3A_0, %jit3A_1, %jit3A : i32
    %rem3A = vector.broadcast %select_n3A : i32 to vector<512x1600xi32>
    %rem3A_2 = arith.remsi %iota3A, %rem3A : vector<512x1600xi32>
    %ne3A = arith.constant 0 : i32
    %ne3A_3 = vector.broadcast %ne3A : i32 to vector<512x1600xi32>
    %ne3A_4 = arith.cmpi ne, %rem3A_2, %ne3A_3 : vector<512x1600xi32>
    %lt3A = arith.constant 0 : i32
    %lt3A_5 = vector.broadcast %lt3A : i32 to vector<512x1600xi32>
    %lt3A_6 = arith.cmpi slt, %rem3A_2, %lt3A_5 : vector<512x1600xi32>
    %lt3A_7 = arith.constant 0 : i32
    %lt3A_8 = arith.cmpi slt, %select_n3A, %lt3A_7 : i32
    %ne3A_9 = vector.broadcast %lt3A_8 : i1 to vector<512x1600xi1>
    %ne3A_10 = vector.broadcast %ne3A_9 : vector<512x1600xi1> to vector<512x1600xi1>
    %ne3A_11 = arith.xori %lt3A_6, %ne3A_10 : vector<512x1600xi1>
    %and3A = arith.andi %ne3A_11, %ne3A_4 : vector<512x1600xi1>
    %add3A = vector.broadcast %select_n3A : i32 to vector<512x1600xi32>
    %add3A_12 = arith.addi %rem3A_2, %add3A : vector<512x1600xi32>
    %select_n3A_13 = arith.select %and3A, %add3A_12, %rem3A_2 : vector<512x1600xi1>, vector<512x1600xi32>
    %mul3A = arith.constant 100000 : i32
    %mul3A_14 = vector.broadcast %mul3A : i32 to vector<512x1600xi32>
    %mul3A_15 = arith.muli %select_n3A_13, %mul3A_14 : vector<512x1600xi32>
    %get3A = arith.constant 0 : index
    %get3A_16 = arith.constant 0 : index
    %get3A_17 = vector.load %arg1[%get3A, %get3A_16] : memref<1600x512xi32, #tpu.memory_space<vmem>>, vector<1600x512xi32>
    %transpose3A = tpu.transpose %get3A_17, [1, 0] : vector<1600x512xi32> -> vector<512x1600xi32>
    %add3A_18 = arith.addi %transpose3A, %mul3A_15 : vector<512x1600xi32>
    %mul3A_19 = arith.constant 8 : i32
    %mul3A_20 = vector.broadcast %mul3A_19 : i32 to vector<512x1600xi32>
    %mul3A_21 = arith.muli %add3A_18, %mul3A_20 : vector<512x1600xi32>
    %swap3A = arith.constant 0 : index
    %swap3A_22 = arith.constant 0 : index
    %swap3A_23 = vector.load %arg2[%swap3A, %swap3A_22] : memref<512x1600xi32, #tpu.memory_space<vmem>>, vector<512x1600xi32>
    tpu.vector_store %arg2[%swap3A, %swap3A_22], %mul3A_21 {strides = array<i32>} : memref<512x1600xi32, #tpu.memory_space<vmem>>, vector<512x1600xi32>,
    return
  }
  func.func @transform_0(%arg0: i32) -> (i32, i32) {
    %c0_i32 = arith.constant 0 : i32
    %c0_i32_0 = arith.constant 0 : i32
    return %c0_i32, %arg0 : i32, i32
  }
  func.func @transform_1(%arg0: i32) -> (i32, i32) {
    %c0_i32 = arith.constant 0 : i32
    %c0_i32_0 = arith.constant 0 : i32
    return %arg0, %c0_i32 : i32, i32
  }
}

module attributes {stable_mosaic.version = 14 : i64} {
  func.func @body(%arg0: i32, %arg1: memref<4096x128xf32, #tpu.memory_space<vmem>>, %arg2: memref<128x128xf32, #tpu.memory_space<vmem>>, %arg3: memref<1x128xf32, #tpu.memory_space<vmem>>, %arg4: memref<4096x128xf32, #tpu.memory_space<vmem>>) attributes {dimension_semantics = [#tpu.dimension_semantics<arbitrary>], iteration_bounds = array<i64: 25>, scalar_prefetch = 0 : i64, scratch_operands = 0 : i64, tpu.core_type = #tpu.core_type<tc>, window_params = [{transform_indices = @transform_0, window_bounds = array<i64: 4096, 128>}, {pipeline_mode = #tpu.pipeline_mode<synchronous>, transform_indices = @transform_1, window_bounds = array<i64: 128, 128>}, {pipeline_mode = #tpu.pipeline_mode<synchronous>, transform_indices = @transform_2, window_bounds = array<i64: 1, 128>}, {transform_indices = @transform_3, window_bounds = array<i64: 4096, 128>}]} {
    %get3A = arith.constant 0 : index
    %get3A_0 = arith.constant 0 : index
    %get3A_1 = vector.load %arg1[%get3A, %get3A_0] : memref<4096x128xf32, #tpu.memory_space<vmem>>, vector<4096x128xf32>
    %get3A_2 = arith.constant 0 : index
    %get3A_3 = arith.constant 0 : index
    %get3A_4 = vector.load %arg2[%get3A_2, %get3A_3] : memref<128x128xf32, #tpu.memory_space<vmem>>, vector<128x128xf32>
    %dot_general3A = arith.constant dense<0.000000e+00> : vector<4096x128xf32>
    %dot_general3A_5 = tpu.matmul %get3A_1, %get3A_4, %dot_general3A {dimension_numbers = #tpu.dot_dimension_numbers<[1], [1], [0], [0], [0, 0, 1, 0], [], []>, transpose_lhs_hint = false} : vector<4096x128xf32>, vector<128x128xf32>, vector<4096x128xf32> -> vector<4096x128xf32>
    %get3A_6 = arith.constant 0 : index
    %get3A_7 = arith.constant 0 : index
    %get3A_8 = vector.load %arg3[%get3A_6, %get3A_7] : memref<1x128xf32, #tpu.memory_space<vmem>>, vector<1x128xf32>
    %add3A = vector.broadcast %get3A_8 : vector<1x128xf32> to vector<4096x128xf32>
    %add3A_9 = arith.addf %dot_general3A_5, %add3A : vector<4096x128xf32>
    %swap3A = arith.constant 0 : index
    %swap3A_10 = arith.constant 0 : index
    %swap3A_11 = vector.load %arg4[%swap3A, %swap3A_10] : memref<4096x128xf32, #tpu.memory_space<vmem>>, vector<4096x128xf32>
    tpu.vector_store %arg4[%swap3A, %swap3A_10], %add3A_9 {strides = array<i32>} : memref<4096x128xf32, #tpu.memory_space<vmem>>, vector<4096x128xf32>,
    return
  }
  func.func @transform_0(%arg0: i32) -> (i32, i32) {
    %c0_i32 = arith.constant 0 : i32
    %c0_i32_0 = arith.constant 0 : i32
    return %arg0, %c0_i32 : i32, i32
  }
  func.func @transform_1(%arg0: i32) -> (i32, i32) {
    %c0_i32 = arith.constant 0 : i32
    %c0_i32_0 = arith.constant 0 : i32
    %c0_i32_1 = arith.constant 0 : i32
    return %c0_i32, %c0_i32_0 : i32, i32
  }
  func.func @transform_2(%arg0: i32) -> (i32, i32) {
    %c0_i32 = arith.constant 0 : i32
    %c0_i32_0 = arith.constant 0 : i32
    %c0_i32_1 = arith.constant 0 : i32
    return %c0_i32, %c0_i32_0 : i32, i32
  }
  func.func @transform_3(%arg0: i32) -> (i32, i32) {
    %add3A = arith.constant 0 : i32
    %add3A_0 = arith.addi %arg0, %add3A : i32
    %c0_i32 = arith.constant 0 : i32
    %c0_i32_1 = arith.constant 0 : i32
    return %add3A_0, %c0_i32 : i32, i32
  }
}

module attributes {stable_mosaic.version = 14 : i64} {
  func.func @body(%arg0: i32, %arg1: memref<4096x128xf32, #tpu.memory_space<vmem>>, %arg2: memref<128x128xf32, #tpu.memory_space<vmem>>, %arg3: memref<1x128xf32, #tpu.memory_space<vmem>>, %arg4: memref<819200x128xf32, #tpu.memory_space<any>>, %arg5: memref<4096x128xf32, #tpu.memory_space<vmem>>) attributes {dimension_semantics = [#tpu.dimension_semantics<arbitrary>], iteration_bounds = array<i64: 25>, scalar_prefetch = 0 : i64, scratch_operands = 0 : i64, tpu.core_type = #tpu.core_type<tc>, window_params = [{transform_indices = @transform_0, window_bounds = array<i64: 4096, 128>}, {pipeline_mode = #tpu.pipeline_mode<synchronous>, transform_indices = @transform_1, window_bounds = array<i64: 128, 128>}, {pipeline_mode = #tpu.pipeline_mode<synchronous>, transform_indices = @transform_2, window_bounds = array<i64: 1, 128>}, {}, {transform_indices = @transform_4, window_bounds = array<i64: 4096, 128>}]} {
    %get3A = arith.constant 0 : index
    %get3A_0 = arith.constant 0 : index
    %get3A_1 = vector.load %arg1[%get3A, %get3A_0] : memref<4096x128xf32, #tpu.memory_space<vmem>>, vector<4096x128xf32>
    %get3A_2 = arith.constant 0 : index
    %get3A_3 = arith.constant 0 : index
    %get3A_4 = vector.load %arg2[%get3A_2, %get3A_3] : memref<128x128xf32, #tpu.memory_space<vmem>>, vector<128x128xf32>
    %dot_general3A = arith.constant dense<0.000000e+00> : vector<4096x128xf32>
    %dot_general3A_5 = tpu.matmul %get3A_1, %get3A_4, %dot_general3A {dimension_numbers = #tpu.dot_dimension_numbers<[1], [1], [0], [0], [0, 0, 1, 0], [], []>, transpose_lhs_hint = false} : vector<4096x128xf32>, vector<128x128xf32>, vector<4096x128xf32> -> vector<4096x128xf32>
    %get3A_6 = arith.constant 0 : index
    %get3A_7 = arith.constant 0 : index
    %get3A_8 = vector.load %arg3[%get3A_6, %get3A_7] : memref<1x128xf32, #tpu.memory_space<vmem>>, vector<1x128xf32>
    %add3A = vector.broadcast %get3A_8 : vector<1x128xf32> to vector<4096x128xf32>
    %add3A_9 = arith.addf %dot_general3A_5, %add3A : vector<4096x128xf32>
    %swap3A = arith.constant 0 : index
    %swap3A_10 = arith.constant 0 : index
    %swap3A_11 = vector.load %arg5[%swap3A, %swap3A_10] : memref<4096x128xf32, #tpu.memory_space<vmem>>, vector<4096x128xf32>
    tpu.vector_store %arg5[%swap3A, %swap3A_10], %add3A_9 {strides = array<i32>} : memref<4096x128xf32, #tpu.memory_space<vmem>>, vector<4096x128xf32>,
    return
  }
  func.func @transform_0(%arg0: i32) -> (i32, i32) {
    %c0_i32 = arith.constant 0 : i32
    %c0_i32_0 = arith.constant 0 : i32
    return %arg0, %c0_i32 : i32, i32
  }
  func.func @transform_1(%arg0: i32) -> (i32, i32) {
    %c0_i32 = arith.constant 0 : i32
    %c0_i32_0 = arith.constant 0 : i32
    %c0_i32_1 = arith.constant 0 : i32
    return %c0_i32, %c0_i32_0 : i32, i32
  }
  func.func @transform_2(%arg0: i32) -> (i32, i32) {
    %c0_i32 = arith.constant 0 : i32
    %c0_i32_0 = arith.constant 0 : i32
    %c0_i32_1 = arith.constant 0 : i32
    return %c0_i32, %c0_i32_0 : i32, i32
  }
  func.func @transform_4(%arg0: i32) -> (i32, i32) {
    %add3A = arith.constant 25 : i32
    %add3A_0 = arith.addi %arg0, %add3A : i32
    %c0_i32 = arith.constant 0 : i32
    %c0_i32_1 = arith.constant 0 : i32
    return %add3A_0, %c0_i32 : i32, i32
  }
}

module attributes {stable_mosaic.version = 14 : i64} {
  func.func @body(%arg0: i32, %arg1: memref<4096x128xf32, #tpu.memory_space<vmem>>, %arg2: memref<128x128xf32, #tpu.memory_space<vmem>>, %arg3: memref<1x128xf32, #tpu.memory_space<vmem>>, %arg4: memref<819200x128xf32, #tpu.memory_space<any>>, %arg5: memref<4096x128xf32, #tpu.memory_space<vmem>>) attributes {dimension_semantics = [#tpu.dimension_semantics<arbitrary>], iteration_bounds = array<i64: 25>, scalar_prefetch = 0 : i64, scratch_operands = 0 : i64, tpu.core_type = #tpu.core_type<tc>, window_params = [{transform_indices = @transform_0, window_bounds = array<i64: 4096, 128>}, {pipeline_mode = #tpu.pipeline_mode<synchronous>, transform_indices = @transform_1, window_bounds = array<i64: 128, 128>}, {pipeline_mode = #tpu.pipeline_mode<synchronous>, transform_indices = @transform_2, window_bounds = array<i64: 1, 128>}, {}, {transform_indices = @transform_4, window_bounds = array<i64: 4096, 128>}]} {
    %get3A = arith.constant 0 : index
    %get3A_0 = arith.constant 0 : index
    %get3A_1 = vector.load %arg1[%get3A, %get3A_0] : memref<4096x128xf32, #tpu.memory_space<vmem>>, vector<4096x128xf32>
    %get3A_2 = arith.constant 0 : index
    %get3A_3 = arith.constant 0 : index
    %get3A_4 = vector.load %arg2[%get3A_2, %get3A_3] : memref<128x128xf32, #tpu.memory_space<vmem>>, vector<128x128xf32>
    %dot_general3A = arith.constant dense<0.000000e+00> : vector<4096x128xf32>
    %dot_general3A_5 = tpu.matmul %get3A_1, %get3A_4, %dot_general3A {dimension_numbers = #tpu.dot_dimension_numbers<[1], [1], [0], [0], [0, 0, 1, 0], [], []>, transpose_lhs_hint = false} : vector<4096x128xf32>, vector<128x128xf32>, vector<4096x128xf32> -> vector<4096x128xf32>
    %get3A_6 = arith.constant 0 : index
    %get3A_7 = arith.constant 0 : index
    %get3A_8 = vector.load %arg3[%get3A_6, %get3A_7] : memref<1x128xf32, #tpu.memory_space<vmem>>, vector<1x128xf32>
    %add3A = vector.broadcast %get3A_8 : vector<1x128xf32> to vector<4096x128xf32>
    %add3A_9 = arith.addf %dot_general3A_5, %add3A : vector<4096x128xf32>
    %swap3A = arith.constant 0 : index
    %swap3A_10 = arith.constant 0 : index
    %swap3A_11 = vector.load %arg5[%swap3A, %swap3A_10] : memref<4096x128xf32, #tpu.memory_space<vmem>>, vector<4096x128xf32>
    tpu.vector_store %arg5[%swap3A, %swap3A_10], %add3A_9 {strides = array<i32>} : memref<4096x128xf32, #tpu.memory_space<vmem>>, vector<4096x128xf32>,
    return
  }
  func.func @transform_0(%arg0: i32) -> (i32, i32) {
    %c0_i32 = arith.constant 0 : i32
    %c0_i32_0 = arith.constant 0 : i32
    return %arg0, %c0_i32 : i32, i32
  }
  func.func @transform_1(%arg0: i32) -> (i32, i32) {
    %c0_i32 = arith.constant 0 : i32
    %c0_i32_0 = arith.constant 0 : i32
    %c0_i32_1 = arith.constant 0 : i32
    return %c0_i32, %c0_i32_0 : i32, i32
  }
  func.func @transform_2(%arg0: i32) -> (i32, i32) {
    %c0_i32 = arith.constant 0 : i32
    %c0_i32_0 = arith.constant 0 : i32
    %c0_i32_1 = arith.constant 0 : i32
    return %c0_i32, %c0_i32_0 : i32, i32
  }
  func.func @transform_4(%arg0: i32) -> (i32, i32) {
    %add3A = arith.constant 50 : i32
    %add3A_0 = arith.addi %arg0, %add3A : i32
    %c0_i32 = arith.constant 0 : i32
    %c0_i32_1 = arith.constant 0 : i32
    return %add3A_0, %c0_i32 : i32, i32
  }
}

module attributes {stable_mosaic.version = 14 : i64} {
  func.func @body(%arg0: i32, %arg1: memref<4096x128xf32, #tpu.memory_space<vmem>>, %arg2: memref<128x128xf32, #tpu.memory_space<vmem>>, %arg3: memref<1x128xf32, #tpu.memory_space<vmem>>, %arg4: memref<819200x128xf32, #tpu.memory_space<any>>, %arg5: memref<4096x128xf32, #tpu.memory_space<vmem>>) attributes {dimension_semantics = [#tpu.dimension_semantics<arbitrary>], iteration_bounds = array<i64: 25>, scalar_prefetch = 0 : i64, scratch_operands = 0 : i64, tpu.core_type = #tpu.core_type<tc>, window_params = [{transform_indices = @transform_0, window_bounds = array<i64: 4096, 128>}, {pipeline_mode = #tpu.pipeline_mode<synchronous>, transform_indices = @transform_1, window_bounds = array<i64: 128, 128>}, {pipeline_mode = #tpu.pipeline_mode<synchronous>, transform_indices = @transform_2, window_bounds = array<i64: 1, 128>}, {}, {transform_indices = @transform_4, window_bounds = array<i64: 4096, 128>}]} {
    %get3A = arith.constant 0 : index
    %get3A_0 = arith.constant 0 : index
    %get3A_1 = vector.load %arg1[%get3A, %get3A_0] : memref<4096x128xf32, #tpu.memory_space<vmem>>, vector<4096x128xf32>
    %get3A_2 = arith.constant 0 : index
    %get3A_3 = arith.constant 0 : index
    %get3A_4 = vector.load %arg2[%get3A_2, %get3A_3] : memref<128x128xf32, #tpu.memory_space<vmem>>, vector<128x128xf32>
    %dot_general3A = arith.constant dense<0.000000e+00> : vector<4096x128xf32>
    %dot_general3A_5 = tpu.matmul %get3A_1, %get3A_4, %dot_general3A {dimension_numbers = #tpu.dot_dimension_numbers<[1], [1], [0], [0], [0, 0, 1, 0], [], []>, transpose_lhs_hint = false} : vector<4096x128xf32>, vector<128x128xf32>, vector<4096x128xf32> -> vector<4096x128xf32>
    %get3A_6 = arith.constant 0 : index
    %get3A_7 = arith.constant 0 : index
    %get3A_8 = vector.load %arg3[%get3A_6, %get3A_7] : memref<1x128xf32, #tpu.memory_space<vmem>>, vector<1x128xf32>
    %add3A = vector.broadcast %get3A_8 : vector<1x128xf32> to vector<4096x128xf32>
    %add3A_9 = arith.addf %dot_general3A_5, %add3A : vector<4096x128xf32>
    %swap3A = arith.constant 0 : index
    %swap3A_10 = arith.constant 0 : index
    %swap3A_11 = vector.load %arg5[%swap3A, %swap3A_10] : memref<4096x128xf32, #tpu.memory_space<vmem>>, vector<4096x128xf32>
    tpu.vector_store %arg5[%swap3A, %swap3A_10], %add3A_9 {strides = array<i32>} : memref<4096x128xf32, #tpu.memory_space<vmem>>, vector<4096x128xf32>,
    return
  }
  func.func @transform_0(%arg0: i32) -> (i32, i32) {
    %c0_i32 = arith.constant 0 : i32
    %c0_i32_0 = arith.constant 0 : i32
    return %arg0, %c0_i32 : i32, i32
  }
  func.func @transform_1(%arg0: i32) -> (i32, i32) {
    %c0_i32 = arith.constant 0 : i32
    %c0_i32_0 = arith.constant 0 : i32
    %c0_i32_1 = arith.constant 0 : i32
    return %c0_i32, %c0_i32_0 : i32, i32
  }
  func.func @transform_2(%arg0: i32) -> (i32, i32) {
    %c0_i32 = arith.constant 0 : i32
    %c0_i32_0 = arith.constant 0 : i32
    %c0_i32_1 = arith.constant 0 : i32
    return %c0_i32, %c0_i32_0 : i32, i32
  }
  func.func @transform_4(%arg0: i32) -> (i32, i32) {
    %add3A = arith.constant 75 : i32
    %add3A_0 = arith.addi %arg0, %add3A : i32
    %c0_i32 = arith.constant 0 : i32
    %c0_i32_1 = arith.constant 0 : i32
    return %add3A_0, %c0_i32 : i32, i32
  }
}

module attributes {stable_mosaic.version = 14 : i64} {
  func.func @body(%arg0: i32, %arg1: memref<4096x128xf32, #tpu.memory_space<vmem>>, %arg2: memref<128x128xf32, #tpu.memory_space<vmem>>, %arg3: memref<1x128xf32, #tpu.memory_space<vmem>>, %arg4: memref<819200x128xf32, #tpu.memory_space<any>>, %arg5: memref<4096x128xf32, #tpu.memory_space<vmem>>) attributes {dimension_semantics = [#tpu.dimension_semantics<arbitrary>], iteration_bounds = array<i64: 25>, scalar_prefetch = 0 : i64, scratch_operands = 0 : i64, tpu.core_type = #tpu.core_type<tc>, window_params = [{transform_indices = @transform_0, window_bounds = array<i64: 4096, 128>}, {pipeline_mode = #tpu.pipeline_mode<synchronous>, transform_indices = @transform_1, window_bounds = array<i64: 128, 128>}, {pipeline_mode = #tpu.pipeline_mode<synchronous>, transform_indices = @transform_2, window_bounds = array<i64: 1, 128>}, {}, {transform_indices = @transform_4, window_bounds = array<i64: 4096, 128>}]} {
    %get3A = arith.constant 0 : index
    %get3A_0 = arith.constant 0 : index
    %get3A_1 = vector.load %arg1[%get3A, %get3A_0] : memref<4096x128xf32, #tpu.memory_space<vmem>>, vector<4096x128xf32>
    %get3A_2 = arith.constant 0 : index
    %get3A_3 = arith.constant 0 : index
    %get3A_4 = vector.load %arg2[%get3A_2, %get3A_3] : memref<128x128xf32, #tpu.memory_space<vmem>>, vector<128x128xf32>
    %dot_general3A = arith.constant dense<0.000000e+00> : vector<4096x128xf32>
    %dot_general3A_5 = tpu.matmul %get3A_1, %get3A_4, %dot_general3A {dimension_numbers = #tpu.dot_dimension_numbers<[1], [1], [0], [0], [0, 0, 1, 0], [], []>, transpose_lhs_hint = false} : vector<4096x128xf32>, vector<128x128xf32>, vector<4096x128xf32> -> vector<4096x128xf32>
    %get3A_6 = arith.constant 0 : index
    %get3A_7 = arith.constant 0 : index
    %get3A_8 = vector.load %arg3[%get3A_6, %get3A_7] : memref<1x128xf32, #tpu.memory_space<vmem>>, vector<1x128xf32>
    %add3A = vector.broadcast %get3A_8 : vector<1x128xf32> to vector<4096x128xf32>
    %add3A_9 = arith.addf %dot_general3A_5, %add3A : vector<4096x128xf32>
    %swap3A = arith.constant 0 : index
    %swap3A_10 = arith.constant 0 : index
    %swap3A_11 = vector.load %arg5[%swap3A, %swap3A_10] : memref<4096x128xf32, #tpu.memory_space<vmem>>, vector<4096x128xf32>
    tpu.vector_store %arg5[%swap3A, %swap3A_10], %add3A_9 {strides = array<i32>} : memref<4096x128xf32, #tpu.memory_space<vmem>>, vector<4096x128xf32>,
    return
  }
  func.func @transform_0(%arg0: i32) -> (i32, i32) {
    %c0_i32 = arith.constant 0 : i32
    %c0_i32_0 = arith.constant 0 : i32
    return %arg0, %c0_i32 : i32, i32
  }
  func.func @transform_1(%arg0: i32) -> (i32, i32) {
    %c0_i32 = arith.constant 0 : i32
    %c0_i32_0 = arith.constant 0 : i32
    %c0_i32_1 = arith.constant 0 : i32
    return %c0_i32, %c0_i32_0 : i32, i32
  }
  func.func @transform_2(%arg0: i32) -> (i32, i32) {
    %c0_i32 = arith.constant 0 : i32
    %c0_i32_0 = arith.constant 0 : i32
    %c0_i32_1 = arith.constant 0 : i32
    return %c0_i32, %c0_i32_0 : i32, i32
  }
  func.func @transform_4(%arg0: i32) -> (i32, i32) {
    %add3A = arith.constant 100 : i32
    %add3A_0 = arith.addi %arg0, %add3A : i32
    %c0_i32 = arith.constant 0 : i32
    %c0_i32_1 = arith.constant 0 : i32
    return %add3A_0, %c0_i32 : i32, i32
  }
}

module attributes {stable_mosaic.version = 14 : i64} {
  func.func @body(%arg0: i32, %arg1: memref<4096x128xf32, #tpu.memory_space<vmem>>, %arg2: memref<128x128xf32, #tpu.memory_space<vmem>>, %arg3: memref<1x128xf32, #tpu.memory_space<vmem>>, %arg4: memref<819200x128xf32, #tpu.memory_space<any>>, %arg5: memref<4096x128xf32, #tpu.memory_space<vmem>>) attributes {dimension_semantics = [#tpu.dimension_semantics<arbitrary>], iteration_bounds = array<i64: 25>, scalar_prefetch = 0 : i64, scratch_operands = 0 : i64, tpu.core_type = #tpu.core_type<tc>, window_params = [{transform_indices = @transform_0, window_bounds = array<i64: 4096, 128>}, {pipeline_mode = #tpu.pipeline_mode<synchronous>, transform_indices = @transform_1, window_bounds = array<i64: 128, 128>}, {pipeline_mode = #tpu.pipeline_mode<synchronous>, transform_indices = @transform_2, window_bounds = array<i64: 1, 128>}, {}, {transform_indices = @transform_4, window_bounds = array<i64: 4096, 128>}]} {
    %get3A = arith.constant 0 : index
    %get3A_0 = arith.constant 0 : index
    %get3A_1 = vector.load %arg1[%get3A, %get3A_0] : memref<4096x128xf32, #tpu.memory_space<vmem>>, vector<4096x128xf32>
    %get3A_2 = arith.constant 0 : index
    %get3A_3 = arith.constant 0 : index
    %get3A_4 = vector.load %arg2[%get3A_2, %get3A_3] : memref<128x128xf32, #tpu.memory_space<vmem>>, vector<128x128xf32>
    %dot_general3A = arith.constant dense<0.000000e+00> : vector<4096x128xf32>
    %dot_general3A_5 = tpu.matmul %get3A_1, %get3A_4, %dot_general3A {dimension_numbers = #tpu.dot_dimension_numbers<[1], [1], [0], [0], [0, 0, 1, 0], [], []>, transpose_lhs_hint = false} : vector<4096x128xf32>, vector<128x128xf32>, vector<4096x128xf32> -> vector<4096x128xf32>
    %get3A_6 = arith.constant 0 : index
    %get3A_7 = arith.constant 0 : index
    %get3A_8 = vector.load %arg3[%get3A_6, %get3A_7] : memref<1x128xf32, #tpu.memory_space<vmem>>, vector<1x128xf32>
    %add3A = vector.broadcast %get3A_8 : vector<1x128xf32> to vector<4096x128xf32>
    %add3A_9 = arith.addf %dot_general3A_5, %add3A : vector<4096x128xf32>
    %swap3A = arith.constant 0 : index
    %swap3A_10 = arith.constant 0 : index
    %swap3A_11 = vector.load %arg5[%swap3A, %swap3A_10] : memref<4096x128xf32, #tpu.memory_space<vmem>>, vector<4096x128xf32>
    tpu.vector_store %arg5[%swap3A, %swap3A_10], %add3A_9 {strides = array<i32>} : memref<4096x128xf32, #tpu.memory_space<vmem>>, vector<4096x128xf32>,
    return
  }
  func.func @transform_0(%arg0: i32) -> (i32, i32) {
    %c0_i32 = arith.constant 0 : i32
    %c0_i32_0 = arith.constant 0 : i32
    return %arg0, %c0_i32 : i32, i32
  }
  func.func @transform_1(%arg0: i32) -> (i32, i32) {
    %c0_i32 = arith.constant 0 : i32
    %c0_i32_0 = arith.constant 0 : i32
    %c0_i32_1 = arith.constant 0 : i32
    return %c0_i32, %c0_i32_0 : i32, i32
  }
  func.func @transform_2(%arg0: i32) -> (i32, i32) {
    %c0_i32 = arith.constant 0 : i32
    %c0_i32_0 = arith.constant 0 : i32
    %c0_i32_1 = arith.constant 0 : i32
    return %c0_i32, %c0_i32_0 : i32, i32
  }
  func.func @transform_4(%arg0: i32) -> (i32, i32) {
    %add3A = arith.constant 125 : i32
    %add3A_0 = arith.addi %arg0, %add3A : i32
    %c0_i32 = arith.constant 0 : i32
    %c0_i32_1 = arith.constant 0 : i32
    return %add3A_0, %c0_i32 : i32, i32
  }
}

module attributes {stable_mosaic.version = 14 : i64} {
  func.func @body(%arg0: i32, %arg1: memref<4096x128xf32, #tpu.memory_space<vmem>>, %arg2: memref<128x128xf32, #tpu.memory_space<vmem>>, %arg3: memref<1x128xf32, #tpu.memory_space<vmem>>, %arg4: memref<819200x128xf32, #tpu.memory_space<any>>, %arg5: memref<4096x128xf32, #tpu.memory_space<vmem>>) attributes {dimension_semantics = [#tpu.dimension_semantics<arbitrary>], iteration_bounds = array<i64: 25>, scalar_prefetch = 0 : i64, scratch_operands = 0 : i64, tpu.core_type = #tpu.core_type<tc>, window_params = [{transform_indices = @transform_0, window_bounds = array<i64: 4096, 128>}, {pipeline_mode = #tpu.pipeline_mode<synchronous>, transform_indices = @transform_1, window_bounds = array<i64: 128, 128>}, {pipeline_mode = #tpu.pipeline_mode<synchronous>, transform_indices = @transform_2, window_bounds = array<i64: 1, 128>}, {}, {transform_indices = @transform_4, window_bounds = array<i64: 4096, 128>}]} {
    %get3A = arith.constant 0 : index
    %get3A_0 = arith.constant 0 : index
    %get3A_1 = vector.load %arg1[%get3A, %get3A_0] : memref<4096x128xf32, #tpu.memory_space<vmem>>, vector<4096x128xf32>
    %get3A_2 = arith.constant 0 : index
    %get3A_3 = arith.constant 0 : index
    %get3A_4 = vector.load %arg2[%get3A_2, %get3A_3] : memref<128x128xf32, #tpu.memory_space<vmem>>, vector<128x128xf32>
    %dot_general3A = arith.constant dense<0.000000e+00> : vector<4096x128xf32>
    %dot_general3A_5 = tpu.matmul %get3A_1, %get3A_4, %dot_general3A {dimension_numbers = #tpu.dot_dimension_numbers<[1], [1], [0], [0], [0, 0, 1, 0], [], []>, transpose_lhs_hint = false} : vector<4096x128xf32>, vector<128x128xf32>, vector<4096x128xf32> -> vector<4096x128xf32>
    %get3A_6 = arith.constant 0 : index
    %get3A_7 = arith.constant 0 : index
    %get3A_8 = vector.load %arg3[%get3A_6, %get3A_7] : memref<1x128xf32, #tpu.memory_space<vmem>>, vector<1x128xf32>
    %add3A = vector.broadcast %get3A_8 : vector<1x128xf32> to vector<4096x128xf32>
    %add3A_9 = arith.addf %dot_general3A_5, %add3A : vector<4096x128xf32>
    %swap3A = arith.constant 0 : index
    %swap3A_10 = arith.constant 0 : index
    %swap3A_11 = vector.load %arg5[%swap3A, %swap3A_10] : memref<4096x128xf32, #tpu.memory_space<vmem>>, vector<4096x128xf32>
    tpu.vector_store %arg5[%swap3A, %swap3A_10], %add3A_9 {strides = array<i32>} : memref<4096x128xf32, #tpu.memory_space<vmem>>, vector<4096x128xf32>,
    return
  }
  func.func @transform_0(%arg0: i32) -> (i32, i32) {
    %c0_i32 = arith.constant 0 : i32
    %c0_i32_0 = arith.constant 0 : i32
    return %arg0, %c0_i32 : i32, i32
  }
  func.func @transform_1(%arg0: i32) -> (i32, i32) {
    %c0_i32 = arith.constant 0 : i32
    %c0_i32_0 = arith.constant 0 : i32
    %c0_i32_1 = arith.constant 0 : i32
    return %c0_i32, %c0_i32_0 : i32, i32
  }
  func.func @transform_2(%arg0: i32) -> (i32, i32) {
    %c0_i32 = arith.constant 0 : i32
    %c0_i32_0 = arith.constant 0 : i32
    %c0_i32_1 = arith.constant 0 : i32
    return %c0_i32, %c0_i32_0 : i32, i32
  }
  func.func @transform_4(%arg0: i32) -> (i32, i32) {
    %add3A = arith.constant 150 : i32
    %add3A_0 = arith.addi %arg0, %add3A : i32
    %c0_i32 = arith.constant 0 : i32
    %c0_i32_1 = arith.constant 0 : i32
    return %add3A_0, %c0_i32 : i32, i32
  }
}

module attributes {stable_mosaic.version = 14 : i64} {
  func.func @body(%arg0: i32, %arg1: memref<4096x128xf32, #tpu.memory_space<vmem>>, %arg2: memref<128x128xf32, #tpu.memory_space<vmem>>, %arg3: memref<1x128xf32, #tpu.memory_space<vmem>>, %arg4: memref<819200x128xf32, #tpu.memory_space<any>>, %arg5: memref<4096x128xf32, #tpu.memory_space<vmem>>) attributes {dimension_semantics = [#tpu.dimension_semantics<arbitrary>], iteration_bounds = array<i64: 25>, scalar_prefetch = 0 : i64, scratch_operands = 0 : i64, tpu.core_type = #tpu.core_type<tc>, window_params = [{transform_indices = @transform_0, window_bounds = array<i64: 4096, 128>}, {pipeline_mode = #tpu.pipeline_mode<synchronous>, transform_indices = @transform_1, window_bounds = array<i64: 128, 128>}, {pipeline_mode = #tpu.pipeline_mode<synchronous>, transform_indices = @transform_2, window_bounds = array<i64: 1, 128>}, {}, {transform_indices = @transform_4, window_bounds = array<i64: 4096, 128>}]} {
    %get3A = arith.constant 0 : index
    %get3A_0 = arith.constant 0 : index
    %get3A_1 = vector.load %arg1[%get3A, %get3A_0] : memref<4096x128xf32, #tpu.memory_space<vmem>>, vector<4096x128xf32>
    %get3A_2 = arith.constant 0 : index
    %get3A_3 = arith.constant 0 : index
    %get3A_4 = vector.load %arg2[%get3A_2, %get3A_3] : memref<128x128xf32, #tpu.memory_space<vmem>>, vector<128x128xf32>
    %dot_general3A = arith.constant dense<0.000000e+00> : vector<4096x128xf32>
    %dot_general3A_5 = tpu.matmul %get3A_1, %get3A_4, %dot_general3A {dimension_numbers = #tpu.dot_dimension_numbers<[1], [1], [0], [0], [0, 0, 1, 0], [], []>, transpose_lhs_hint = false} : vector<4096x128xf32>, vector<128x128xf32>, vector<4096x128xf32> -> vector<4096x128xf32>
    %get3A_6 = arith.constant 0 : index
    %get3A_7 = arith.constant 0 : index
    %get3A_8 = vector.load %arg3[%get3A_6, %get3A_7] : memref<1x128xf32, #tpu.memory_space<vmem>>, vector<1x128xf32>
    %add3A = vector.broadcast %get3A_8 : vector<1x128xf32> to vector<4096x128xf32>
    %add3A_9 = arith.addf %dot_general3A_5, %add3A : vector<4096x128xf32>
    %swap3A = arith.constant 0 : index
    %swap3A_10 = arith.constant 0 : index
    %swap3A_11 = vector.load %arg5[%swap3A, %swap3A_10] : memref<4096x128xf32, #tpu.memory_space<vmem>>, vector<4096x128xf32>
    tpu.vector_store %arg5[%swap3A, %swap3A_10], %add3A_9 {strides = array<i32>} : memref<4096x128xf32, #tpu.memory_space<vmem>>, vector<4096x128xf32>,
    return
  }
  func.func @transform_0(%arg0: i32) -> (i32, i32) {
    %c0_i32 = arith.constant 0 : i32
    %c0_i32_0 = arith.constant 0 : i32
    return %arg0, %c0_i32 : i32, i32
  }
  func.func @transform_1(%arg0: i32) -> (i32, i32) {
    %c0_i32 = arith.constant 0 : i32
    %c0_i32_0 = arith.constant 0 : i32
    %c0_i32_1 = arith.constant 0 : i32
    return %c0_i32, %c0_i32_0 : i32, i32
  }
  func.func @transform_2(%arg0: i32) -> (i32, i32) {
    %c0_i32 = arith.constant 0 : i32
    %c0_i32_0 = arith.constant 0 : i32
    %c0_i32_1 = arith.constant 0 : i32
    return %c0_i32, %c0_i32_0 : i32, i32
  }
  func.func @transform_4(%arg0: i32) -> (i32, i32) {
    %add3A = arith.constant 175 : i32
    %add3A_0 = arith.addi %arg0, %add3A : i32
    %c0_i32 = arith.constant 0 : i32
    %c0_i32_1 = arith.constant 0 : i32
    return %add3A_0, %c0_i32 : i32, i32
  }
}

</mosaic_0001>

<sc_bundles>
// kernel: kernel.19.cloned.1.call-start
scs
__scs_entry_jumppad:
0x0: {  	(pc) =	sbr.rel $0x88, $3  }
0x1: {  	(tag) =	ssettag $0x0;
	lr =	simm.s32 $0x1  }
0x2: {  	[smem:$0x3F9D] =	sst lr;
	_ =	strace $0xD0000000  }
0x3: {  	_ = 	snop  }
0x4: {  	_ = 	snop  }
0x5: {  	_ = 	snop  }
0x6: {  	_ = 	snop  }
0x7: {  	_ = 	snop  }
__scs_overlays_trampoline_lowered:
0x8: {  	[smem:$0x3FAC] =	sst s0  }
0x9: {  	[smem:$0x3FAD] =	sst s1  }
0xa: {  	[smem:$0x3FAE] =	sst s2  }
0xb: {  	[smem:$0x3FAF] =	sst s3  }
0xc: {  	[smem:$0x3FB0] =	sst s4  }
0xd: {  	[smem:$0x3FB1] =	sst s5  }
0xe: {  	[smem:$0x3FB2] =	sst s6  }
0xf: {  	[smem:$0x3FB3] =	sst s7  }
0x10: {  	[smem:$0x3FB4] =	sst s8  }
0x11: {  	[smem:$0x3FB5] =	sst s9;
	s0 =	simm.s32 @!p0 $0x0  }
0x12: {  	s1 =	sld [smem:$0x3F9B];
	s0 =	simm.s32 @p0 $0x1  }
0x13: {  	[smem:$0x3FB6] =	sst s0;
	s0 =	simm.s32 @!p1 $0x0  }
0x14: {  	s2 =	sld [smem:$0x3F9A];
	s0 =	simm.s32 @p1 $0x1  }
0x15: {  	[smem:$0x3FB7] =	sst s0;
	s0 =	simm.s32 @!p2 $0x0  }
0x16: {  	s3 =	sld [smem:$0x3FDB];
	s0 =	simm.s32 @p2 $0x1  }
0x17: {  	s4 =	simm.s32 $0x1BF5;
	[smem:$0x3FB9] =	sst s0  }
0x18: {  	s0 =	sld [smem:$0x3F9C];
	_ =	swait.ge [sflag:s4], $0x0  }
0x19: {  	s7 =	sld [smem:$0x3F9D]  }
0x1a: {  	s8 =	sadd.s32 $0xFFFFE003, lr  }
0x1b: {  	s9 =	sadd.s32 $0xFFFFFEF7, lr;
	s5 =	simm.s32 $0xFFFFFFFF;
	p2 =	slt.u32 s8, $0xFFFFF086  }
0x1c: {  	p1 =	slt.u32 s9, $0xF7A;
	s5 =	simm.s32 @!p2 $0x0  }
0x1d: {  	s5 =	simm.s32 @p1 $0x1;
	p0 =	seq.s32 s7, s2  }
0x1e: {  	s7 =	smul.u32 @!p0 $0xF7A, s2;
	p2 =	seq.s32 @!p0 s5, $0x0  }
0x1f: {  	s9 =	smul.u32 $0xF7A, s1;
	s8 =	simm.s32 @!p0 $0x1BF5;
	p2 =	por !p2, p0  }
0x20: {  	[sflag:s8] =	ssyncset.s32 @!p0 $0xFFFFF086;
	s6 =	sadd.s32 @!p0 s3, s7;
	s7 =	simm.s32 @!p0 $0x108  }
0x21: {  	s3 =	sadd.s32 s3, s9;
	s6 =	sadd.s32 @!p0 $0x88, s6;
	s7 =	simm.s32 @p2 $0x1082  }
0x22: {  	[simem:s7], [sflag:s8] =	dma.local @!p0 [hbm:s6], $0xF7A  }
0x23: {  	s9 =	sor.u32 $0xD0000000, s2;
	s6 =	simm.s32 $0x108;
	_ =	swait.ge @!p0 [sflag:s8], $0x0  }
0x24: {  	s3 =	sadd.s32 $0x88, s3;
	s6 =	simm.s32 @!p1 $0x1082;
	[sflag:s4] =	ssyncset.s32 $0xFFFFF086  }
0x25: {  	[simem:s6], [sflag:s4] =	dma.local [hbm:s3], $0xF7A  }
0x26: {  	[smem:$0x3F9D] =	sst s1;
	(tag) =	ssettag s2;
	_ =	strace s9  }
0x27: {  	s1 =	sld [smem:$0x3FAD]  }
0x28: {  	s2 =	sld [smem:$0x3FAE]  }
0x29: {  	s4 =	sld [smem:$0x3FB0]  }
0x2a: {  	p0 =	seq.s32 s5, $0x0;
	s5 =	sld [smem:$0x3FB1]  }
0x2b: {  	s6 =	sld [smem:$0x3FB2]  }
0x2c: {  	s7 =	sld [smem:$0x3FB3]  }
0x2d: {  	s3 =	simm.s32 $0x108;
	s8 =	sld [smem:$0x3FB4]  }
0x2e: {  	s3 =	simm.s32 @!p0 $0x1082;
	s9 =	sld [smem:$0x3FB5]  }
0x2f: {  	lr =	sadd.s32 s0, s3;
	s0 =	sld [smem:$0x3FAC]  }
0x30: {  	s3 =	sld [smem:$0x3FAF]  }
0x31: {  	[smem:$0x3FB8] =	sst s10  }
0x32: {  	s10 =	sld [smem:$0x3FB6];
	_ =	sdelay $0x3  }
0x33: {  	p0 =	seq.s32 s10, $0x1;
	s10 =	sld [smem:$0x3FB8];
	_ =	sdelay $0x3  }
0x34: {  	[smem:$0x3FB8] =	sst s10  }
0x35: {  	s10 =	sld [smem:$0x3FB7];
	_ =	sdelay $0x3  }
0x36: {  	p1 =	seq.s32 s10, $0x1;
	s10 =	sld [smem:$0x3FB8];
	_ =	sdelay $0x3  }
0x37: {  	[smem:$0x3FB8] =	sst s10  }
0x38: {  	s10 =	sld [smem:$0x3FB9]  }
0x39: {  	_ = 	snop;
	(pc) =	sbr.ind lr, $3  }
0x3a: {  	_ = 	snop  }
0x3b: {  	_ = 	snop  }
0x3c: {  	p2 =	seq.s32 s10, $0x1;
	s10 =	sld [smem:$0x3FB8]  }
0x3d: {  	_ =	shalt  }
0x3e: {  	_ =	shalt  }
0x3f: {  	_ =	shalt  }
0x40: {  	_ =	shalt  }
0x41: {  	_ =	shalt  }
0x42: {  	_ =	shalt  }
0x43: {  	_ =	shalt  }
0x44: {  	_ =	shalt  }
0x45: {  	_ =	shalt  }
0x46: {  	_ =	shalt  }
0x47: {  	_ =	shalt  }
0x48: {  	_ =	shalt  }
0x49: {  	_ =	shalt  }
0x4a: {  	_ =	shalt  }
0x4b: {  	_ =	shalt  }
0x4c: {  	_ =	shalt  }
0x4d: {  	_ =	shalt  }
0x4e: {  	_ =	shalt  }
0x4f: {  	_ =	shalt  }
0x50: {  	_ =	shalt  }
0x51: {  	_ =	shalt  }
0x52: {  	_ =	shalt  }
0x53: {  	_ =	shalt  }
0x54: {  	_ =	shalt  }
0x55: {  	_ =	shalt  }
0x56: {  	_ =	shalt  }
0x57: {  	_ =	shalt  }
0x58: {  	_ =	shalt  }
0x59: {  	_ =	shalt  }
0x5a: {  	_ =	shalt  }
0x5b: {  	_ =	shalt  }
0x5c: {  	_ =	shalt  }
0x5d: {  	_ =	shalt  }
0x5e: {  	_ =	shalt  }
0x5f: {  	_ =	shalt  }
0x60: {  	_ =	shalt  }
0x61: {  	_ =	shalt  }
0x62: {  	_ =	shalt  }
0x63: {  	_ =	shalt  }
0x64: {  	_ =	shalt  }
0x65: {  	_ =	shalt  }
0x66: {  	_ =	shalt  }
0x67: {  	_ =	shalt  }
0x68: {  	_ =	shalt  }
0x69: {  	_ =	shalt  }
0x6a: {  	_ =	shalt  }
0x6b: {  	_ =	shalt  }
0x6c: {  	_ =	shalt  }
0x6d: {  	_ =	shalt  }
0x6e: {  	_ =	shalt  }
0x6f: {  	_ =	shalt  }
0x70: {  	_ =	shalt  }
0x71: {  	_ =	shalt  }
0x72: {  	_ =	shalt  }
0x73: {  	_ =	shalt  }
0x74: {  	_ =	shalt  }
0x75: {  	_ =	shalt  }
0x76: {  	_ =	shalt  }
0x77: {  	_ =	shalt  }
0x78: {  	_ =	shalt  }
0x79: {  	_ =	shalt  }
0x7a: {  	_ =	shalt  }
0x7b: {  	_ =	shalt  }
0x7c: {  	_ =	shalt  }
0x7d: {  	_ =	shalt  }
0x7e: {  	_ =	shalt  }
0x7f: {  	_ =	shalt  }
0x80: {  	_ =	shalt  }
0x81: {  	_ =	shalt  }
0x82: {  	_ =	shalt  }
0x83: {  	_ =	shalt  }
0x84: {  	_ =	shalt  }
0x85: {  	_ =	shalt  }
0x86: {  	_ =	shalt  }
0x87: {  	_ =	shalt  }
.Lfunc_end0:
.L_simem_size_0:
called_computation.1_lowered:
.L_overlay_start_0:
0x88: {  	s2 =	sld [smem:$0x3FD9]  }
0x89: {  	s3 =	sld [smem:$0x3FFE];
	_ =	sdelay $0x1  }
0x8a: {  	s1 =	srdreg.scid  }
0x8b: {  	s0 =	sand.u32 $0x1, s1  }
0x8c: {  	s16 =	sshll.u32 s0, $0xA;
	s2 =	sadd.s32 s3, s2  }
0x8d: {  	s2 =	sadd.s32 s2, s16  }
0x8e: {  	[smem:$0x3FC4] =	sst s2  }
0x8f: {  	_ = 	snop  }
0x90: {  	(tm) =	ssettm $0x1  }
0x91: {  	s17 =	sld [smem:$0x3FFB];
	_ =	sdelay $0x3  }
0x92: {  	_ =	strace s17  }
0x93: {  	s2 =	sld [smem:$0x3FFC];
	_ =	sdelay $0x3  }
0x94: {  	_ =	strace s2  }
0x95: {  	s2 =	sld [smem:$0x3FFD];
	_ =	sdelay $0x3  }
0x96: {  	_ =	strace s2  }
0x97: {  	_ =	strace $0x8FFFFFFF  }
0x98: {  	s18 =	sld [smem:$0x3FDB];
	_ =	sdelay $0x1  }
0x99: {  	s19 =	simm.s32 $_scs_section_size  }
0x9a: {  	s4 =	simm.s32 $_size__tile_overlayer_lowered;
	s5 =	simm.s32 $_tile_overlayer_lowered  }
0x9b: {  	s22 =	simm.s32 $0x1BFF;
	s21 =	sshll.u32 s5, $0x1;
	s2 =	sadd.s32 s19, s18  }
0x9c: {  	s6 =	simm.s32 $0x0;
	s20 =	sshll.u32 s4, $0x1;
	s4 =	sadd.s32 s21, s2  }
0x9d: {  	[timem:s6], [sflag:s22] =	dma.local [hbm:s4], s20  }
0x9e: {  	_ =	swait.ge [sflag:s22], s20  }
0x9f: {  	s3 =	ssub.s32 $0x0, s20;
	[sflag:s22] =	ssyncset.done $0x0  }
0xa0: {  	[sflag:s22] =	ssyncadd.s32 s3;
	_ =	sdelay $0x1  }
0xa1: {  	s23 =	simm.s32 $0x1B8B  }
0xa2: {  	_ =	swait.ge [sflag:s23], $0x1  }
0xa3: {  	[sflag:s23] =	ssyncset.done $0x0  }
0xa4: {  	s25 =	simm.s32 $0x1B8E;
	s24 =	sld [smem:$0x3FFE];
	[sflag:s23] =	ssyncadd.s32 $0xFFFFFFFF  }
0xa5: {  	s26 =	simm.s32 $execute0_lowered;
	[smem:$0x3FD2] =	sst s25  }
0xa6: {  	s4 =	sshll.u32 s26, $0x1;
	_ =	strace $0x80000049;
	[dreg:$0x1] =	wrdreg $0xFFFFFFFF  }
0xa7: {  	s28 =	simm.s32 $_size_execute0_lowered;
	s2 =	sadd.s32 s2, s4;
	[dreg:$0x0] =	wrdreg $0x0  }
0xa8: {  	s4 =	sshll.u32 s28, $0x1;
	[dreg:$0x2] =	wrdreg s2  }
0xa9: {  	[dreg:$0x3] =	wrdreg s4  }
0xaa: {  	[dreg:$0x4] =	wrdreg $0xC0  }
0xab: {  	_ =	task [dreg:s6], $0x5FFFF  }
0xac: {  	[dreg:$0x1] =	wrdreg $0xFFFFFFFF  }
0xad: {  	[dreg:$0x0] =	wrdreg $0x60  }
0xae: {  	[dreg:$0x2] =	wrdreg s24  }
0xaf: {  	[dreg:$0x3] =	wrdreg $0x9  }
0xb0: {  	_ =	task.clear_ibuf [dreg:s6], $0x4FFFF;
	_ =	strace $0x90000049  }
0xb1: {  	s29 =	simm.s32 $0x9;
	_ =	strace $0x8000004B  }
0xb2: {  	_ =	swait.ge [sflag:s29], $0x1  }
0xb3: {  	[sflag:s29] =	ssyncadd.s32 $0xFFFFFFFF  }
0xb4: {  	_ =	strace $0x9000004B  }
0xb5: {  	_ =	sfence  }
0xb6: {  	s30 =	sld [smem:$0x0];
	_ =	sdelay $0x2  }
0xb7: {  	s31 =	sshll.u32 s1, $0xD;
	s1 =	sshrl.u32 s1, $0x2  }
0xb8: {  	s3 =	sand.u32 $0x4000, s31;
	s1 =	sadd.s32 s1, s30  }
0xb9: {  	s0 =	sor.u32 s3, s0;
	s1 =	sshll.u32 s1, $0x11  }
0xba: {  	s0 =	sor.u32 s1, s0  }
0xbb: {  	s0 =	sadd.s32 $0x8F2B, s0  }
0xbc: {  	[sflag:s0] =	ssyncadd.remote.s32 $0x1  }
0xbd: {  	_ =	sfence.sel $0xFFFF  }
0xbe: {  	[dreg:$0x0] =	wrdreg $0xFFFFFFFF;
	(pc) =	sbr.abs _section_cstart, $3  }
0xbf: {  	[dreg:$0x1] =	wrdreg $0xFFFFFFFF  }
0xc0: {  	_ =	task.clear_ibuf [dreg:s6], $0x2FFFF;
	_ =	strace $0x9FFFFFFF  }
0xc1: {  	(tm) =	ssettm $0x7FFFFFFF  }
tec
execute0_lowered:
.L_overlay_start_1:
0x0: {  	(tag) =	ssettag $0x1  }
0x1: {  	s4 =	rddreg [dreg:$0x0]  }
0x2: {  	s0 =	rddreg [dreg:$0x1];
	s2 =	simm.s32 $0x0  }
0x3: {  	s3 =	srdreg.scid;
	s1 =	stileid.u32;
	s13 =	simm.s32 $0xE100  }
0x4: {  	s14 =	simm.s32 $0x2;
	s15 =	simm.s32 $0x0;
	s6 =	smul.u32 $0x19000, s1  }
0x5: {  	[smem:$0x7FF] =	sst s2;
	s5 =	sand.u32 $0x1, s3;
	s9 =	smul.u32 $0xC800, s1  }
0x6: {  	s8 =	sadd.s32 $0xD2800, s4;
	s3 =	sadd.s32 $0x19A800, s4;
	s11 =	smul.u32 $0x6400, s5  }
0x7: {  	s12 =	sadd.s32 $0xDCF800, s4;
	s7 =	ssub.s32 $0x2, s5;
	s5 =	smul.u32 $0xC800, s5  }
0x8: {  	_ =	strace $0x8000004A;
	s10 =	sshrl.u32 s7, $0x1;
	s6 =	sadd.s32 s6, s12  }
0x9: {  	s26 =	ssub.s32 s7, s10;
	s28 =	sadd.s32 s11, s9;
	s5 =	sadd.s32 s5, s6  }
0xa: {  	s9 =	simm.s32 $0x3;
	s10 =	simm.s32 $0xC80;
	s11 =	simm.s32 $0x1900  }
0xb: {  	s4 =	smax.u32 s26, $0x1;
	s29 =	sshrl.u32 s28, $0x3;
	s7 =	sadd.s32 $0xC80, s28  }
0xc: {  	s6 =	sadd.s32 s29, s8;
	s30 =	sshll.u32 s7, $0x1;
	s31 =	sshrl.u32 s7, $0x3  }
0xd: {  	s7 =	sadd.s32 s30, s12;
	s8 =	sadd.s32 s31, s8;
	s12 =	simm.s32 $0x1  }
.LBB2_1:
0xe: {  	s16 =	sadd.s32 $0x0, s6  }
0xf: {  	[tilespmem:s2], [sflag:$0x3] =	stream.linear.gather [hbm4b:s16+s2], $0xC80, $0x38;
	[tilespmem:$0x1A900] =	vst v63  }
0x10: {  	_ =	swait.ge [sflag:s9], $0xC80  }
0x11: {  	[sflag:s9] =	ssyncset.done $0x0  }
0x12: {  	[sflag:s9] =	ssyncadd.s32 $0xFFFFF380  }
0x13: {  	[tilespmem:s11], [sflag:$0x1] =	stream.indirect.gather [hbm4b:s3+s10], $0x10, s2, s10, $0xb8;
	[tilespmem:$0x1A900] =	vst v63  }
0x14: {  	s31 =	sadd.s32 $0x0, s8  }
0x15: {  	[tilespmem:s10], [sflag:$0x3] =	stream.linear.gather [hbm4b:s31+s2], $0xC80, $0x38;
	[tilespmem:$0x1A900] =	vst v63  }
0x16: {  	_ =	swait.ge [sflag:s9], $0xC80  }
0x17: {  	[sflag:s9] =	ssyncset.done $0x0  }
0x18: {  	[sflag:s9] =	ssyncadd.s32 $0xFFFFF380  }
0x19: {  	_ =	swait.ge [sflag:s12], $0xC800  }
0x1a: {  	[sflag:s12] =	ssyncset.done $0x0  }
0x1b: {  	[sflag:s12] =	ssyncadd.s32 $0xFFFF3800  }
0x1c: {  	[hbm4b:s5+s2] =	stream.linear.scatter [tilespmem:s11], [sflag:$0x2], $0xC800, $0x38;
	[tilespmem:$0x1A900] =	vst v63  }
0x1d: {  	_ = 	snop  }
0x1e: {  	[tilespmem:s13], [sflag:$0x1] =	stream.indirect.gather [hbm4b:s3+s10], $0x10, s10, s10, $0xb8;
	[tilespmem:$0x1A900] =	vst v63  }
0x1f: {  	_ =	swait.ge [sflag:s12], $0xC800  }
0x20: {  	[sflag:s12] =	ssyncset.done $0x0  }
0x21: {  	[sflag:s12] =	ssyncadd.s32 $0xFFFF3800  }
0x22: {  	[hbm4b:s7+s2] =	stream.linear.scatter [tilespmem:s13], [sflag:$0x2], $0xC800, $0x38;
	[tilespmem:$0x1A900] =	vst v63  }
0x23: {  	_ =	swait.ge [sflag:s14], $0xC800  }
0x24: {  	[sflag:s14] =	ssyncset.done $0x0  }
0x25: {  	[sflag:s14] =	ssyncadd.s32 $0xFFFF3800  }
0x26: {  	s18 =	simm.s32 $0x320;
	s19 =	simm.s32 $0x640;
	_ =	swait.ge [sflag:s14], $0xC800  }
0x27: {  	s17 =	sadd.s32 $0x3200, s5;
	s16 =	sadd.s32 $0x3200, s7;
	[sflag:s14] =	ssyncset.done $0x0  }
.LBB2_2:
0x28: {  	s20 =	sadd.s32 s18, s6  }
0x29: {  	[sflag:s14] =	ssyncadd.s32 $0xFFFF3800;
	s21 =	smov.u32 s19;
	s22 =	sadd.s32 $0x320, s19  }
0x2a: {  	[tilespmem:s2], [sflag:$0x3] =	stream.linear.gather [hbm4b:s20+s2], $0xC80, $0x38;
	[tilespmem:$0x1A900] =	vst v63  }
0x2b: {  	p0 =	sne.s32 s19, $0x960;
	_ =	swait.ge [sflag:s9], $0xC80  }
0x2c: {  	[sflag:s9] =	ssyncset.done $0x0  }
0x2d: {  	[sflag:s9] =	ssyncadd.s32 $0xFFFFF380  }
0x2e: {  	[tilespmem:s11], [sflag:$0x1] =	stream.indirect.gather [hbm4b:s3+s10], $0x10, s2, s10, $0xb8;
	[tilespmem:$0x1A900] =	vst v63  }
0x2f: {  	s19 =	sadd.s32 s18, s8;
	s18 =	smov.u32 s21  }
0x30: {  	[tilespmem:s10], [sflag:$0x3] =	stream.linear.gather [hbm4b:s19+s2], $0xC80, $0x38;
	[tilespmem:$0x1A900] =	vst v63  }
0x31: {  	_ =	swait.ge [sflag:s9], $0xC80  }
0x32: {  	[sflag:s9] =	ssyncset.done $0x0  }
0x33: {  	[sflag:s9] =	ssyncadd.s32 $0xFFFFF380  }
0x34: {  	_ =	swait.ge [sflag:s12], $0xC800  }
0x35: {  	[sflag:s12] =	ssyncset.done $0x0  }
0x36: {  	[sflag:s12] =	ssyncadd.s32 $0xFFFF3800  }
0x37: {  	[hbm4b:s17+s2] =	stream.linear.scatter [tilespmem:s11], [sflag:$0x2], $0xC800, $0x38;
	[tilespmem:$0x1A900] =	vst v63  }
0x38: {  	_ = 	snop  }
0x39: {  	[tilespmem:s13], [sflag:$0x1] =	stream.indirect.gather [hbm4b:s3+s10], $0x10, s10, s10, $0xb8;
	[tilespmem:$0x1A900] =	vst v63  }
0x3a: {  	_ =	swait.ge [sflag:s12], $0xC800  }
0x3b: {  	[sflag:s12] =	ssyncset.done $0x0  }
0x3c: {  	[sflag:s12] =	ssyncadd.s32 $0xFFFF3800  }
0x3d: {  	[hbm4b:s16+s2] =	stream.linear.scatter [tilespmem:s13], [sflag:$0x2], $0xC800, $0x38;
	[tilespmem:$0x1A900] =	vst v63  }
.Ltmp0:
0x3e: {  	_ =	swait.ge [sflag:s14], $0xC800;
	(pc) =	sbr.rel @p0 .LBB2_2-.Ltmp0, $4  }
0x3f: {  	[sflag:s14] =	ssyncset.done $0x0  }
0x40: {  	[sflag:s14] =	ssyncadd.s32 $0xFFFF3800  }
0x41: {  	s19 =	smov.u32 s22;
	_ =	swait.ge [sflag:s14], $0xC800  }
0x42: {  	s17 =	sadd.s32 $0x3200, s17;
	s16 =	sadd.s32 $0x3200, s16;
	[sflag:s14] =	ssyncset.done $0x0  }
0x43: {  	s19 =	sadd.s32 s18, s6;
	[sflag:s14] =	ssyncadd.s32 $0xFFFF3800  }
0x44: {  	[tilespmem:s2], [sflag:$0x3] =	stream.linear.gather [hbm4b:s19+s2], $0xC80, $0x38;
	[tilespmem:$0x1A900] =	vst v63  }
0x45: {  	_ =	swait.ge [sflag:s9], $0xC80  }
0x46: {  	[sflag:s9] =	ssyncset.done $0x0  }
0x47: {  	[sflag:s9] =	ssyncadd.s32 $0xFFFFF380  }
0x48: {  	[tilespmem:s11], [sflag:$0x1] =	stream.indirect.gather [hbm4b:s3+s10], $0x10, s2, s10, $0xb8;
	[tilespmem:$0x1A900] =	vst v63  }
0x49: {  	s31 =	sadd.s32 s18, s8  }
0x4a: {  	[tilespmem:s10], [sflag:$0x3] =	stream.linear.gather [hbm4b:s31+s2], $0xC80, $0x38;
	[tilespmem:$0x1A900] =	vst v63  }
0x4b: {  	_ =	swait.ge [sflag:s9], $0xC80  }
0x4c: {  	[sflag:s9] =	ssyncset.done $0x0  }
0x4d: {  	[sflag:s9] =	ssyncadd.s32 $0xFFFFF380  }
0x4e: {  	_ =	swait.ge [sflag:s12], $0xC800  }
0x4f: {  	[sflag:s12] =	ssyncset.done $0x0  }
0x50: {  	[sflag:s12] =	ssyncadd.s32 $0xFFFF3800  }
0x51: {  	[hbm4b:s17+s2] =	stream.linear.scatter [tilespmem:s11], [sflag:$0x2], $0xC800, $0x38;
	[tilespmem:$0x1A900] =	vst v63  }
0x52: {  	_ = 	snop  }
0x53: {  	[tilespmem:s13], [sflag:$0x1] =	stream.indirect.gather [hbm4b:s3+s10], $0x10, s10, s10, $0xb8;
	[tilespmem:$0x1A900] =	vst v63  }
0x54: {  	_ =	swait.ge [sflag:s12], $0xC800  }
0x55: {  	[sflag:s12] =	ssyncset.done $0x0  }
0x56: {  	s15 =	sadd.s32 $0x1, s15;
	[sflag:s12] =	ssyncadd.s32 $0xFFFF3800  }
0x57: {  	[hbm4b:s16+s2] =	stream.linear.scatter [tilespmem:s13], [sflag:$0x2], $0xC800, $0x38;
	[tilespmem:$0x1A900] =	vst v63  }
0x58: {  	p0 =	sne.s32 s15, s4;
	_ =	swait.ge [sflag:s14], $0xC800  }
.Ltmp1:
0x59: {  	[sflag:s14] =	ssyncset.done $0x0;
	(pc) =	sbr.rel @p0 .LBB2_1-.Ltmp1, $4  }
0x5a: {  	[sflag:s14] =	ssyncadd.s32 $0xFFFF3800  }
0x5b: {  	_ =	swait.ge [sflag:s14], $0xC800  }
0x5c: {  	[sflag:s14] =	ssyncset.done $0x0  }
0x5d: {  	[sflag:s14] =	ssyncadd.s32 $0xFFFF3800  }
0x5e: {  	_ =	sfence.sel $0x180000  }
0x5f: {  	[bflag:$0x0] =	sbarrier.arrive $0xFFFF  }
0x60: {  	p0 =	sne.s32 s1, $0x0;
	_ =	strace $0x9000004A  }
0x61: {  	s0 =	sadd.s32 @!p0 $0x100000, s0;
	[bflag:$0x2] =	sbarrier.arrive $0xFFFF  }
0x62: {  	[sflag:s0] =	ssyncadd.tile.s32 @!p0 $0x1;
	_ =	shalt  }
.Lfunc_end2:
_tile_overlayer_lowered:
.L_overlay_start_2:
0x63: {  	(tag) =	ssettag $0x2  }
0x64: {  	s0 =	rddreg [dreg:$0x0];
	s2 =	stileid.u32  }
0x65: {  	s1 =	rddreg [dreg:$0x1];
	p0 =	sne.s32 s2, $0x0  }
0x66: {  	s3 =	rddreg [dreg:$0x2];
	[bflag:$0x3] =	sbarrier.arrive $0xFFFF;
	s2 =	simm.s32 @!p0 $0x1C03  }
0x67: {  	[timem:s3], [sflag:s2] =	dma.local @!p0 [hbm:s0], s1  }
0x68: {  	s0 =	simm.s32 @!p0 $0x3  }
0x69: {  	_ =	swait.ge @!p0 [sflag:s0], s1  }
0x6a: {  	s1 =	ssub.s32 @!p0 $0x0, s1;
	[sflag:s0] =	ssyncset.done @!p0 $0x0  }
0x6b: {  	[sflag:s0] =	ssyncadd.s32 @!p0 s1  }
0x6c: {  	[bflag:$0x3] =	sbarrier.arrive $0xFFFF  }
0x6d: {  	_ =	shalt  }

// kernel: kernel.22.cloned.1.call-start
scs
__scs_entry_jumppad:
0x0: {  	(pc) =	sbr.rel $0x88, $3  }
0x1: {  	(tag) =	ssettag $0x0;
	lr =	simm.s32 $0x1  }
0x2: {  	[smem:$0x3F9D] =	sst lr;
	_ =	strace $0xD0000000  }
0x3: {  	_ = 	snop  }
0x4: {  	_ = 	snop  }
0x5: {  	_ = 	snop  }
0x6: {  	_ = 	snop  }
0x7: {  	_ = 	snop  }
__scs_overlays_trampoline_lowered:
0x8: {  	[smem:$0x3FAC] =	sst s0  }
0x9: {  	[smem:$0x3FAD] =	sst s1  }
0xa: {  	[smem:$0x3FAE] =	sst s2  }
0xb: {  	[smem:$0x3FAF] =	sst s3  }
0xc: {  	[smem:$0x3FB0] =	sst s4  }
0xd: {  	[smem:$0x3FB1] =	sst s5  }
0xe: {  	[smem:$0x3FB2] =	sst s6  }
0xf: {  	[smem:$0x3FB3] =	sst s7  }
0x10: {  	[smem:$0x3FB4] =	sst s8  }
0x11: {  	[smem:$0x3FB5] =	sst s9;
	s0 =	simm.s32 @!p0 $0x0  }
0x12: {  	s1 =	sld [smem:$0x3F9B];
	s0 =	simm.s32 @p0 $0x1  }
0x13: {  	[smem:$0x3FB6] =	sst s0;
	s0 =	simm.s32 @!p1 $0x0  }
0x14: {  	s2 =	sld [smem:$0x3F9A];
	s0 =	simm.s32 @p1 $0x1  }
0x15: {  	[smem:$0x3FB7] =	sst s0;
	s0 =	simm.s32 @!p2 $0x0  }
0x16: {  	s3 =	sld [smem:$0x3FDB];
	s0 =	simm.s32 @p2 $0x1  }
0x17: {  	s4 =	simm.s32 $0x1BF5;
	[smem:$0x3FB9] =	sst s0  }
0x18: {  	s0 =	sld [smem:$0x3F9C];
	_ =	swait.ge [sflag:s4], $0x0  }
0x19: {  	s7 =	sld [smem:$0x3F9D]  }
0x1a: {  	s8 =	sadd.s32 $0xFFFFE003, lr  }
0x1b: {  	s9 =	sadd.s32 $0xFFFFFEF7, lr;
	s5 =	simm.s32 $0xFFFFFFFF;
	p2 =	slt.u32 s8, $0xFFFFF086  }
0x1c: {  	p1 =	slt.u32 s9, $0xF7A;
	s5 =	simm.s32 @!p2 $0x0  }
0x1d: {  	s5 =	simm.s32 @p1 $0x1;
	p0 =	seq.s32 s7, s2  }
0x1e: {  	s7 =	smul.u32 @!p0 $0xF7A, s2;
	p2 =	seq.s32 @!p0 s5, $0x0  }
0x1f: {  	s9 =	smul.u32 $0xF7A, s1;
	s8 =	simm.s32 @!p0 $0x1BF5;
	p2 =	por !p2, p0  }
0x20: {  	[sflag:s8] =	ssyncset.s32 @!p0 $0xFFFFF086;
	s6 =	sadd.s32 @!p0 s3, s7;
	s7 =	simm.s32 @!p0 $0x108  }
0x21: {  	s3 =	sadd.s32 s3, s9;
	s6 =	sadd.s32 @!p0 $0x88, s6;
	s7 =	simm.s32 @p2 $0x1082  }
0x22: {  	[simem:s7], [sflag:s8] =	dma.local @!p0 [hbm:s6], $0xF7A  }
0x23: {  	s9 =	sor.u32 $0xD0000000, s2;
	s6 =	simm.s32 $0x108;
	_ =	swait.ge @!p0 [sflag:s8], $0x0  }
0x24: {  	s3 =	sadd.s32 $0x88, s3;
	s6 =	simm.s32 @!p1 $0x1082;
	[sflag:s4] =	ssyncset.s32 $0xFFFFF086  }
0x25: {  	[simem:s6], [sflag:s4] =	dma.local [hbm:s3], $0xF7A  }
0x26: {  	[smem:$0x3F9D] =	sst s1;
	(tag) =	ssettag s2;
	_ =	strace s9  }
0x27: {  	s1 =	sld [smem:$0x3FAD]  }
0x28: {  	s2 =	sld [smem:$0x3FAE]  }
0x29: {  	s4 =	sld [smem:$0x3FB0]  }
0x2a: {  	p0 =	seq.s32 s5, $0x0;
	s5 =	sld [smem:$0x3FB1]  }
0x2b: {  	s6 =	sld [smem:$0x3FB2]  }
0x2c: {  	s7 =	sld [smem:$0x3FB3]  }
0x2d: {  	s3 =	simm.s32 $0x108;
	s8 =	sld [smem:$0x3FB4]  }
0x2e: {  	s3 =	simm.s32 @!p0 $0x1082;
	s9 =	sld [smem:$0x3FB5]  }
0x2f: {  	lr =	sadd.s32 s0, s3;
	s0 =	sld [smem:$0x3FAC]  }
0x30: {  	s3 =	sld [smem:$0x3FAF]  }
0x31: {  	[smem:$0x3FB8] =	sst s10  }
0x32: {  	s10 =	sld [smem:$0x3FB6];
	_ =	sdelay $0x3  }
0x33: {  	p0 =	seq.s32 s10, $0x1;
	s10 =	sld [smem:$0x3FB8];
	_ =	sdelay $0x3  }
0x34: {  	[smem:$0x3FB8] =	sst s10  }
0x35: {  	s10 =	sld [smem:$0x3FB7];
	_ =	sdelay $0x3  }
0x36: {  	p1 =	seq.s32 s10, $0x1;
	s10 =	sld [smem:$0x3FB8];
	_ =	sdelay $0x3  }
0x37: {  	[smem:$0x3FB8] =	sst s10  }
0x38: {  	s10 =	sld [smem:$0x3FB9]  }
0x39: {  	_ = 	snop;
	(pc) =	sbr.ind lr, $3  }
0x3a: {  	_ = 	snop  }
0x3b: {  	_ = 	snop  }
0x3c: {  	p2 =	seq.s32 s10, $0x1;
	s10 =	sld [smem:$0x3FB8]  }
0x3d: {  	_ =	shalt  }
0x3e: {  	_ =	shalt  }
0x3f: {  	_ =	shalt  }
0x40: {  	_ =	shalt  }
0x41: {  	_ =	shalt  }
0x42: {  	_ =	shalt  }
0x43: {  	_ =	shalt  }
0x44: {  	_ =	shalt  }
0x45: {  	_ =	shalt  }
0x46: {  	_ =	shalt  }
0x47: {  	_ =	shalt  }
0x48: {  	_ =	shalt  }
0x49: {  	_ =	shalt  }
0x4a: {  	_ =	shalt  }
0x4b: {  	_ =	shalt  }
0x4c: {  	_ =	shalt  }
0x4d: {  	_ =	shalt  }
0x4e: {  	_ =	shalt  }
0x4f: {  	_ =	shalt  }
0x50: {  	_ =	shalt  }
0x51: {  	_ =	shalt  }
0x52: {  	_ =	shalt  }
0x53: {  	_ =	shalt  }
0x54: {  	_ =	shalt  }
0x55: {  	_ =	shalt  }
0x56: {  	_ =	shalt  }
0x57: {  	_ =	shalt  }
0x58: {  	_ =	shalt  }
0x59: {  	_ =	shalt  }
0x5a: {  	_ =	shalt  }
0x5b: {  	_ =	shalt  }
0x5c: {  	_ =	shalt  }
0x5d: {  	_ =	shalt  }
0x5e: {  	_ =	shalt  }
0x5f: {  	_ =	shalt  }
0x60: {  	_ =	shalt  }
0x61: {  	_ =	shalt  }
0x62: {  	_ =	shalt  }
0x63: {  	_ =	shalt  }
0x64: {  	_ =	shalt  }
0x65: {  	_ =	shalt  }
0x66: {  	_ =	shalt  }
0x67: {  	_ =	shalt  }
0x68: {  	_ =	shalt  }
0x69: {  	_ =	shalt  }
0x6a: {  	_ =	shalt  }
0x6b: {  	_ =	shalt  }
0x6c: {  	_ =	shalt  }
0x6d: {  	_ =	shalt  }
0x6e: {  	_ =	shalt  }
0x6f: {  	_ =	shalt  }
0x70: {  	_ =	shalt  }
0x71: {  	_ =	shalt  }
0x72: {  	_ =	shalt  }
0x73: {  	_ =	shalt  }
0x74: {  	_ =	shalt  }
0x75: {  	_ =	shalt  }
0x76: {  	_ =	shalt  }
0x77: {  	_ =	shalt  }
0x78: {  	_ =	shalt  }
0x79: {  	_ =	shalt  }
0x7a: {  	_ =	shalt  }
0x7b: {  	_ =	shalt  }
0x7c: {  	_ =	shalt  }
0x7d: {  	_ =	shalt  }
0x7e: {  	_ =	shalt  }
0x7f: {  	_ =	shalt  }
0x80: {  	_ =	shalt  }
0x81: {  	_ =	shalt  }
0x82: {  	_ =	shalt  }
0x83: {  	_ =	shalt  }
0x84: {  	_ =	shalt  }
0x85: {  	_ =	shalt  }
0x86: {  	_ =	shalt  }
0x87: {  	_ =	shalt  }
.Lfunc_end0:
.L_simem_size_0:
called_computation.2_lowered:
.L_overlay_start_0:
0x88: {  	s2 =	sld [smem:$0x3FD9]  }
0x89: {  	s3 =	sld [smem:$0x3FFE];
	_ =	sdelay $0x1  }
0x8a: {  	s1 =	srdreg.scid  }
0x8b: {  	s0 =	sand.u32 $0x1, s1  }
0x8c: {  	s17 =	sshll.u32 s0, $0xA;
	s2 =	sadd.s32 s3, s2  }
0x8d: {  	s2 =	sadd.s32 s2, s17  }
0x8e: {  	[smem:$0x3FC4] =	sst s2  }
0x8f: {  	_ = 	snop  }
0x90: {  	(tm) =	ssettm $0x1  }
0x91: {  	s18 =	sld [smem:$0x3FFB];
	_ =	sdelay $0x3  }
0x92: {  	_ =	strace s18  }
0x93: {  	s2 =	sld [smem:$0x3FFC];
	_ =	sdelay $0x3  }
0x94: {  	_ =	strace s2  }
0x95: {  	s2 =	sld [smem:$0x3FFD];
	_ =	sdelay $0x3  }
0x96: {  	_ =	strace s2  }
0x97: {  	_ =	strace $0x8FFFFFFF  }
0x98: {  	s19 =	sld [smem:$0x3FDB];
	_ =	sdelay $0x1  }
0x99: {  	s20 =	simm.s32 $_scs_section_size  }
0x9a: {  	s4 =	simm.s32 $_size__tile_overlayer_lowered;
	s5 =	simm.s32 $_tile_overlayer_lowered  }
0x9b: {  	s6 =	simm.s32 $0x1BFF;
	s21 =	sshll.u32 s5, $0x1;
	s3 =	sadd.s32 s20, s19  }
0x9c: {  	s22 =	simm.s32 $0x0;
	s4 =	sshll.u32 s4, $0x1;
	s5 =	sadd.s32 s21, s3  }
0x9d: {  	[timem:s22], [sflag:s6] =	dma.local [hbm:s5], s4  }
0x9e: {  	_ =	swait.ge [sflag:s6], s4  }
0x9f: {  	s4 =	ssub.s32 $0x0, s4;
	[sflag:s6] =	ssyncset.done $0x0  }
0xa0: {  	[sflag:s6] =	ssyncadd.s32 s4;
	_ =	sdelay $0x1  }
0xa1: {  	s23 =	simm.s32 $0x1B8B  }
0xa2: {  	_ =	swait.ge [sflag:s23], $0x1  }
0xa3: {  	[sflag:s23] =	ssyncset.done $0x0  }
0xa4: {  	[sflag:s23] =	ssyncadd.s32 $0xFFFFFFFF  }
0xa5: {  	s4 =	sld [smem:$0x0]  }
0xa6: {  	s5 =	sand.u32 $0xFFFFFFFE, s1  }
0xa7: {  	p0 =	sne.s32 s1, s5  }
0xa8: {  	s5 =	sshll.u32 @p0 s5, $0xE  }
0xa9: {  	s5 =	sadd.s32 @p0 $0x11B8D, s5;
	s6 =	sshll.u32 @p0 s4, $0x11  }
0xaa: {  	s5 =	sor.u32 @p0 s6, s5  }
0xab: {  	[sflag:s5] =	ssyncadd.remote.s32 @p0 $0x1;
	_ =	sdelay $0x1  }
0xac: {  	s5 =	simm.s32 @p0 $0x1B8D  }
0xad: {  	_ =	swait.eq @p0 [sflag:s5], $0x1  }
0xae: {  	[sflag:s5] =	ssyncadd.s32 @p0 $0xFFFFFFFF  }
0xaf: {  	s6 =	sshll.u32 @!p0 s1, $0xE  }
0xb0: {  	s6 =	sor.u32 @!p0 $0x4000, s6;
	s5 =	simm.s32 @!p0 $0x1B8D  }
0xb1: {  	s4 =	sshll.u32 @!p0 s4, $0x11;
	s6 =	sadd.s32 @!p0 $0x11B8D, s6;
	_ =	swait.eq @!p0 [sflag:s5], $0x1  }
0xb2: {  	s4 =	sor.u32 @!p0 s4, s6;
	[sflag:s5] =	ssyncadd.s32 @!p0 $0xFFFFFFFF  }
0xb3: {  	s25 =	simm.s32 $0x1B8E;
	s24 =	sld [smem:$0x3FFE];
	[sflag:s4] =	ssyncadd.remote.s32 @!p0 $0x1  }
0xb4: {  	s26 =	simm.s32 $execute0_lowered;
	[smem:$0x3FD2] =	sst s25  }
0xb5: {  	s5 =	sshll.u32 s26, $0x1;
	_ =	strace $0x8000004C;
	[dreg:$0x1] =	wrdreg $0xFFFFFFFF  }
0xb6: {  	s28 =	simm.s32 $_size_execute0_lowered;
	s3 =	sadd.s32 s3, s5;
	[dreg:$0x0] =	wrdreg $0x0  }
0xb7: {  	s5 =	sshll.u32 s28, $0x1;
	[dreg:$0x2] =	wrdreg s3  }
0xb8: {  	[dreg:$0x3] =	wrdreg s5  }
0xb9: {  	[dreg:$0x4] =	wrdreg $0xC0  }
0xba: {  	_ =	task [dreg:s22], $0x5FFFF  }
0xbb: {  	[dreg:$0x1] =	wrdreg $0xFFFFFFFF  }
0xbc: {  	[dreg:$0x0] =	wrdreg $0x60  }
0xbd: {  	[dreg:$0x2] =	wrdreg s24  }
0xbe: {  	[dreg:$0x3] =	wrdreg $0xA  }
0xbf: {  	_ =	task.clear_ibuf [dreg:s22], $0x4FFFF;
	_ =	strace $0x9000004C  }
0xc0: {  	s29 =	simm.s32 $0xA;
	_ =	strace $0x8000004E  }
0xc1: {  	_ =	swait.ge [sflag:s29], $0x1  }
0xc2: {  	[sflag:s29] =	ssyncadd.s32 $0xFFFFFFFF  }
0xc3: {  	_ =	strace $0x9000004E  }
0xc4: {  	_ =	sfence  }
0xc5: {  	s30 =	sld [smem:$0x0];
	_ =	sdelay $0x2  }
0xc6: {  	s31 =	sshll.u32 s1, $0xD;
	s1 =	sshrl.u32 s1, $0x2  }
0xc7: {  	s4 =	sand.u32 $0x4000, s31;
	s1 =	sadd.s32 s1, s30  }
0xc8: {  	s0 =	sor.u32 s4, s0;
	s1 =	sshll.u32 s1, $0x11  }
0xc9: {  	s0 =	sor.u32 s1, s0  }
0xca: {  	s0 =	sadd.s32 $0x8F2B, s0  }
0xcb: {  	[sflag:s0] =	ssyncadd.remote.s32 $0x1  }
0xcc: {  	_ =	sfence.sel $0xFFFF  }
0xcd: {  	[dreg:$0x0] =	wrdreg $0xFFFFFFFF;
	(pc) =	sbr.abs _section_cstart, $3  }
0xce: {  	[dreg:$0x1] =	wrdreg $0xFFFFFFFF  }
0xcf: {  	_ =	task.clear_ibuf [dreg:s22], $0x2FFFF;
	_ =	strace $0x9FFFFFFF  }
0xd0: {  	(tm) =	ssettm $0x7FFFFFFF  }
0xd1: {  	_ =	shalt  }
tec
execute0_lowered:
.L_overlay_start_1:
0x0: {  	(tag) =	ssettag $0x1  }
0x1: {  	s4 =	rddreg [dreg:$0x0]  }
0x2: {  	s0 =	rddreg [dreg:$0x1]  }
0x3: {  	s2 =	simm.s32 $0x0;
	s1 =	stileid.u32;
	s3 =	srdreg.scid  }
0x4: {  	s12 =	simm.s32 $0xE100;
	s13 =	simm.s32 $0x2;
	s5 =	smul.u32 $0x19000, s1  }
0x5: {  	s14 =	simm.s32 $0x0;
	s6 =	sand.u32 $0x1, s3;
	s8 =	smul.u32 $0xC800, s1  }
0x6: {  	[smem:$0x7FF] =	sst s2;
	s9 =	sadd.s32 $0xD2800, s4;
	s11 =	smul.u32 $0x6400, s6  }
0x7: {  	s3 =	sadd.s32 $0x19A800, s4;
	s7 =	ssub.s32 $0x2, s6;
	s6 =	smul.u32 $0xC800, s6  }
0x8: {  	_ =	strace $0x8000004D;
	s10 =	sshrl.u32 s7, $0x1;
	s5 =	sadd.s32 s5, s4  }
0x9: {  	s7 =	ssub.s32 s7, s10;
	s30 =	sadd.s32 s11, s8;
	s5 =	sadd.s32 s6, s5  }
0xa: {  	s8 =	simm.s32 $0x3;
	s10 =	simm.s32 $0x1900;
	s11 =	simm.s32 $0x1  }
0xb: {  	s4 =	smax.u32 s7, $0x1;
	s31 =	sadd.s32 $0xC8C80, s30;
	s7 =	sadd.s32 $0xC8000, s30  }
0xc: {  	s5 =	sadd.s32 $0xF5F800, s5;
	s6 =	sshrl.u32 s31, $0x3;
	s7 =	sshrl.u32 s7, $0x3  }
0xd: {  	s6 =	sadd.s32 s6, s9;
	s7 =	sadd.s32 s7, s9;
	s9 =	simm.s32 $0xC80  }
.LBB2_1:
0xe: {  	s15 =	sadd.s32 $0x0, s7  }
0xf: {  	[tilespmem:s2], [sflag:$0x3] =	stream.linear.gather [hbm4b:s15+s2], $0xC80, $0x38;
	[tilespmem:$0x1A900] =	vst v63  }
0x10: {  	_ =	swait.ge [sflag:s8], $0xC80  }
0x11: {  	[sflag:s8] =	ssyncset.done $0x0  }
0x12: {  	[sflag:s8] =	ssyncadd.s32 $0xFFFFF380  }
0x13: {  	[tilespmem:s10], [sflag:$0x1] =	stream.indirect.gather [hbm4b:s3+s9], $0x10, s2, s9, $0xb8;
	[tilespmem:$0x1A900] =	vst v63  }
0x14: {  	s30 =	sadd.s32 $0x0, s6  }
0x15: {  	[tilespmem:s9], [sflag:$0x3] =	stream.linear.gather [hbm4b:s30+s2], $0xC80, $0x38;
	[tilespmem:$0x1A900] =	vst v63  }
0x16: {  	_ =	swait.ge [sflag:s8], $0xC80  }
0x17: {  	[sflag:s8] =	ssyncset.done $0x0  }
0x18: {  	[sflag:s8] =	ssyncadd.s32 $0xFFFFF380  }
0x19: {  	_ =	swait.ge [sflag:s11], $0xC800  }
0x1a: {  	[sflag:s11] =	ssyncset.done $0x0  }
0x1b: {  	[sflag:s11] =	ssyncadd.s32 $0xFFFF3800  }
0x1c: {  	[hbm4b:s5+s2] =	stream.linear.scatter [tilespmem:s10], [sflag:$0x2], $0xC800, $0x38;
	[tilespmem:$0x1A900] =	vst v63  }
0x1d: {  	_ = 	snop  }
0x1e: {  	[tilespmem:s12], [sflag:$0x1] =	stream.indirect.gather [hbm4b:s3+s9], $0x10, s9, s9, $0xb8;
	[tilespmem:$0x1A900] =	vst v63  }
0x1f: {  	_ =	swait.ge [sflag:s11], $0xC800  }
0x20: {  	[sflag:s11] =	ssyncset.done $0x0  }
0x21: {  	s31 =	sadd.s32 $0x1900, s5;
	[sflag:s11] =	ssyncadd.s32 $0xFFFF3800  }
0x22: {  	[hbm4b:s31+s2] =	stream.linear.scatter [tilespmem:s12], [sflag:$0x2], $0xC800, $0x38;
	[tilespmem:$0x1A900] =	vst v63  }
0x23: {  	_ =	swait.ge [sflag:s13], $0xC800  }
0x24: {  	[sflag:s13] =	ssyncset.done $0x0  }
0x25: {  	[sflag:s13] =	ssyncadd.s32 $0xFFFF3800  }
0x26: {  	s16 =	simm.s32 $0x320;
	_ =	swait.ge [sflag:s13], $0xC800  }
0x27: {  	s17 =	simm.s32 $0x640;
	s15 =	sadd.s32 $0x3200, s5;
	[sflag:s13] =	ssyncset.done $0x0  }
.LBB2_2:
0x28: {  	s18 =	sadd.s32 s16, s7  }
0x29: {  	[sflag:s13] =	ssyncadd.s32 $0xFFFF3800;
	s19 =	smov.u32 s17;
	s20 =	sadd.s32 $0x320, s17  }
0x2a: {  	[tilespmem:s2], [sflag:$0x3] =	stream.linear.gather [hbm4b:s18+s2], $0xC80, $0x38;
	[tilespmem:$0x1A900] =	vst v63  }
0x2b: {  	p0 =	sne.s32 s17, $0x960;
	_ =	swait.ge [sflag:s8], $0xC80  }
0x2c: {  	[sflag:s8] =	ssyncset.done $0x0  }
0x2d: {  	[sflag:s8] =	ssyncadd.s32 $0xFFFFF380  }
0x2e: {  	[tilespmem:s10], [sflag:$0x1] =	stream.indirect.gather [hbm4b:s3+s9], $0x10, s2, s9, $0xb8;
	[tilespmem:$0x1A900] =	vst v63  }
0x2f: {  	s17 =	sadd.s32 s16, s6;
	s16 =	smov.u32 s19  }
0x30: {  	[tilespmem:s9], [sflag:$0x3] =	stream.linear.gather [hbm4b:s17+s2], $0xC80, $0x38;
	[tilespmem:$0x1A900] =	vst v63  }
0x31: {  	_ =	swait.ge [sflag:s8], $0xC80  }
0x32: {  	[sflag:s8] =	ssyncset.done $0x0  }
0x33: {  	[sflag:s8] =	ssyncadd.s32 $0xFFFFF380  }
0x34: {  	_ =	swait.ge [sflag:s11], $0xC800  }
0x35: {  	[sflag:s11] =	ssyncset.done $0x0  }
0x36: {  	[sflag:s11] =	ssyncadd.s32 $0xFFFF3800  }
0x37: {  	[hbm4b:s15+s2] =	stream.linear.scatter [tilespmem:s10], [sflag:$0x2], $0xC800, $0x38;
	[tilespmem:$0x1A900] =	vst v63  }
0x38: {  	_ = 	snop  }
0x39: {  	[tilespmem:s12], [sflag:$0x1] =	stream.indirect.gather [hbm4b:s3+s9], $0x10, s9, s9, $0xb8;
	[tilespmem:$0x1A900] =	vst v63  }
0x3a: {  	_ =	swait.ge [sflag:s11], $0xC800  }
0x3b: {  	[sflag:s11] =	ssyncset.done $0x0  }
0x3c: {  	s17 =	sadd.s32 $0x1900, s15;
	[sflag:s11] =	ssyncadd.s32 $0xFFFF3800  }
0x3d: {  	[hbm4b:s17+s2] =	stream.linear.scatter [tilespmem:s12], [sflag:$0x2], $0xC800, $0x38;
	[tilespmem:$0x1A900] =	vst v63  }
.Ltmp0:
0x3e: {  	_ =	swait.ge [sflag:s13], $0xC800;
	(pc) =	sbr.rel @p0 .LBB2_2-.Ltmp0, $4  }
0x3f: {  	[sflag:s13] =	ssyncset.done $0x0  }
0x40: {  	[sflag:s13] =	ssyncadd.s32 $0xFFFF3800  }
0x41: {  	_ =	swait.ge [sflag:s13], $0xC800  }
0x42: {  	s15 =	sadd.s32 $0x3200, s15;
	s17 =	smov.u32 s20;
	[sflag:s13] =	ssyncset.done $0x0  }
0x43: {  	s17 =	sadd.s32 s16, s7;
	[sflag:s13] =	ssyncadd.s32 $0xFFFF3800  }
0x44: {  	[tilespmem:s2], [sflag:$0x3] =	stream.linear.gather [hbm4b:s17+s2], $0xC80, $0x38;
	[tilespmem:$0x1A900] =	vst v63  }
0x45: {  	_ =	swait.ge [sflag:s8], $0xC80  }
0x46: {  	[sflag:s8] =	ssyncset.done $0x0  }
0x47: {  	[sflag:s8] =	ssyncadd.s32 $0xFFFFF380  }
0x48: {  	[tilespmem:s10], [sflag:$0x1] =	stream.indirect.gather [hbm4b:s3+s9], $0x10, s2, s9, $0xb8;
	[tilespmem:$0x1A900] =	vst v63  }
0x49: {  	s30 =	sadd.s32 s16, s6  }
0x4a: {  	[tilespmem:s9], [sflag:$0x3] =	stream.linear.gather [hbm4b:s30+s2], $0xC80, $0x38;
	[tilespmem:$0x1A900] =	vst v63  }
0x4b: {  	_ =	swait.ge [sflag:s8], $0xC80  }
0x4c: {  	[sflag:s8] =	ssyncset.done $0x0  }
0x4d: {  	[sflag:s8] =	ssyncadd.s32 $0xFFFFF380  }
0x4e: {  	_ =	swait.ge [sflag:s11], $0xC800  }
0x4f: {  	[sflag:s11] =	ssyncset.done $0x0  }
0x50: {  	[sflag:s11] =	ssyncadd.s32 $0xFFFF3800  }
0x51: {  	[hbm4b:s15+s2] =	stream.linear.scatter [tilespmem:s10], [sflag:$0x2], $0xC800, $0x38;
	[tilespmem:$0x1A900] =	vst v63  }
0x52: {  	_ = 	snop  }
0x53: {  	[tilespmem:s12], [sflag:$0x1] =	stream.indirect.gather [hbm4b:s3+s9], $0x10, s9, s9, $0xb8;
	[tilespmem:$0x1A900] =	vst v63  }
0x54: {  	_ =	swait.ge [sflag:s11], $0xC800  }
0x55: {  	[sflag:s11] =	ssyncset.done $0x0  }
0x56: {  	s31 =	sadd.s32 $0x1900, s15;
	s14 =	sadd.s32 $0x1, s14;
	[sflag:s11] =	ssyncadd.s32 $0xFFFF3800  }
0x57: {  	[hbm4b:s31+s2] =	stream.linear.scatter [tilespmem:s12], [sflag:$0x2], $0xC800, $0x38;
	[tilespmem:$0x1A900] =	vst v63  }
0x58: {  	p0 =	sne.s32 s14, s4;
	_ =	swait.ge [sflag:s13], $0xC800  }
.Ltmp1:
0x59: {  	[sflag:s13] =	ssyncset.done $0x0;
	(pc) =	sbr.rel @p0 .LBB2_1-.Ltmp1, $4  }
0x5a: {  	[sflag:s13] =	ssyncadd.s32 $0xFFFF3800  }
0x5b: {  	_ =	swait.ge [sflag:s13], $0xC800  }
0x5c: {  	[sflag:s13] =	ssyncset.done $0x0  }
0x5d: {  	[sflag:s13] =	ssyncadd.s32 $0xFFFF3800  }
0x5e: {  	_ =	sfence.sel $0x180000  }
0x5f: {  	[bflag:$0x0] =	sbarrier.arrive $0xFFFF  }
0x60: {  	p0 =	sne.s32 s1, $0x0;
	_ =	strace $0x9000004D  }
0x61: {  	s0 =	sadd.s32 @!p0 $0x100000, s0;
	[bflag:$0x2] =	sbarrier.arrive $0xFFFF  }
0x62: {  	[sflag:s0] =	ssyncadd.tile.s32 @!p0 $0x1;
	_ =	shalt  }
.Lfunc_end2:
_tile_overlayer_lowered:
.L_overlay_start_2:
0x63: {  	(tag) =	ssettag $0x2  }
0x64: {  	s0 =	rddreg [dreg:$0x0];
	s2 =	stileid.u32  }
0x65: {  	s1 =	rddreg [dreg:$0x1];
	p0 =	sne.s32 s2, $0x0  }
0x66: {  	s3 =	rddreg [dreg:$0x2];
	[bflag:$0x3] =	sbarrier.arrive $0xFFFF;
	s2 =	simm.s32 @!p0 $0x1C03  }
0x67: {  	[timem:s3], [sflag:s2] =	dma.local @!p0 [hbm:s0], s1  }
0x68: {  	s0 =	simm.s32 @!p0 $0x3  }
0x69: {  	_ =	swait.ge @!p0 [sflag:s0], s1  }
0x6a: {  	s1 =	ssub.s32 @!p0 $0x0, s1;
	[sflag:s0] =	ssyncset.done @!p0 $0x0  }
0x6b: {  	[sflag:s0] =	ssyncadd.s32 @!p0 s1  }
0x6c: {  	[bflag:$0x3] =	sbarrier.arrive $0xFFFF  }
0x6d: {  	_ =	shalt  }

// kernel: kernel.25.cloned.1.call-start
scs
__scs_entry_jumppad:
0x0: {  	(pc) =	sbr.rel $0x88, $3  }
0x1: {  	(tag) =	ssettag $0x0;
	lr =	simm.s32 $0x1  }
0x2: {  	[smem:$0x3F9D] =	sst lr;
	_ =	strace $0xD0000000  }
0x3: {  	_ = 	snop  }
0x4: {  	_ = 	snop  }
0x5: {  	_ = 	snop  }
0x6: {  	_ = 	snop  }
0x7: {  	_ = 	snop  }
__scs_overlays_trampoline_lowered:
0x8: {  	[smem:$0x3FAC] =	sst s0  }
0x9: {  	[smem:$0x3FAD] =	sst s1  }
0xa: {  	[smem:$0x3FAE] =	sst s2  }
0xb: {  	[smem:$0x3FAF] =	sst s3  }
0xc: {  	[smem:$0x3FB0] =	sst s4  }
0xd: {  	[smem:$0x3FB1] =	sst s5  }
0xe: {  	[smem:$0x3FB2] =	sst s6  }
0xf: {  	[smem:$0x3FB3] =	sst s7  }
0x10: {  	[smem:$0x3FB4] =	sst s8  }
0x11: {  	[smem:$0x3FB5] =	sst s9;
	s0 =	simm.s32 @!p0 $0x0  }
0x12: {  	s1 =	sld [smem:$0x3F9B];
	s0 =	simm.s32 @p0 $0x1  }
0x13: {  	[smem:$0x3FB6] =	sst s0;
	s0 =	simm.s32 @!p1 $0x0  }
0x14: {  	s2 =	sld [smem:$0x3F9A];
	s0 =	simm.s32 @p1 $0x1  }
0x15: {  	[smem:$0x3FB7] =	sst s0;
	s0 =	simm.s32 @!p2 $0x0  }
0x16: {  	s3 =	sld [smem:$0x3FDB];
	s0 =	simm.s32 @p2 $0x1  }
0x17: {  	s4 =	simm.s32 $0x1BF5;
	[smem:$0x3FB9] =	sst s0  }
0x18: {  	s0 =	sld [smem:$0x3F9C];
	_ =	swait.ge [sflag:s4], $0x0  }
0x19: {  	s7 =	sld [smem:$0x3F9D]  }
0x1a: {  	s8 =	sadd.s32 $0xFFFFE003, lr  }
0x1b: {  	s9 =	sadd.s32 $0xFFFFFEF7, lr;
	s5 =	simm.s32 $0xFFFFFFFF;
	p2 =	slt.u32 s8, $0xFFFFF086  }
0x1c: {  	p1 =	slt.u32 s9, $0xF7A;
	s5 =	simm.s32 @!p2 $0x0  }
0x1d: {  	s5 =	simm.s32 @p1 $0x1;
	p0 =	seq.s32 s7, s2  }
0x1e: {  	s7 =	smul.u32 @!p0 $0xF7A, s2;
	p2 =	seq.s32 @!p0 s5, $0x0  }
0x1f: {  	s9 =	smul.u32 $0xF7A, s1;
	s8 =	simm.s32 @!p0 $0x1BF5;
	p2 =	por !p2, p0  }
0x20: {  	[sflag:s8] =	ssyncset.s32 @!p0 $0xFFFFF086;
	s6 =	sadd.s32 @!p0 s3, s7;
	s7 =	simm.s32 @!p0 $0x108  }
0x21: {  	s3 =	sadd.s32 s3, s9;
	s6 =	sadd.s32 @!p0 $0x88, s6;
	s7 =	simm.s32 @p2 $0x1082  }
0x22: {  	[simem:s7], [sflag:s8] =	dma.local @!p0 [hbm:s6], $0xF7A  }
0x23: {  	s9 =	sor.u32 $0xD0000000, s2;
	s6 =	simm.s32 $0x108;
	_ =	swait.ge @!p0 [sflag:s8], $0x0  }
0x24: {  	s3 =	sadd.s32 $0x88, s3;
	s6 =	simm.s32 @!p1 $0x1082;
	[sflag:s4] =	ssyncset.s32 $0xFFFFF086  }
0x25: {  	[simem:s6], [sflag:s4] =	dma.local [hbm:s3], $0xF7A  }
0x26: {  	[smem:$0x3F9D] =	sst s1;
	(tag) =	ssettag s2;
	_ =	strace s9  }
0x27: {  	s1 =	sld [smem:$0x3FAD]  }
0x28: {  	s2 =	sld [smem:$0x3FAE]  }
0x29: {  	s4 =	sld [smem:$0x3FB0]  }
0x2a: {  	p0 =	seq.s32 s5, $0x0;
	s5 =	sld [smem:$0x3FB1]  }
0x2b: {  	s6 =	sld [smem:$0x3FB2]  }
0x2c: {  	s7 =	sld [smem:$0x3FB3]  }
0x2d: {  	s3 =	simm.s32 $0x108;
	s8 =	sld [smem:$0x3FB4]  }
0x2e: {  	s3 =	simm.s32 @!p0 $0x1082;
	s9 =	sld [smem:$0x3FB5]  }
0x2f: {  	lr =	sadd.s32 s0, s3;
	s0 =	sld [smem:$0x3FAC]  }
0x30: {  	s3 =	sld [smem:$0x3FAF]  }
0x31: {  	[smem:$0x3FB8] =	sst s10  }
0x32: {  	s10 =	sld [smem:$0x3FB6];
	_ =	sdelay $0x3  }
0x33: {  	p0 =	seq.s32 s10, $0x1;
	s10 =	sld [smem:$0x3FB8];
	_ =	sdelay $0x3  }
0x34: {  	[smem:$0x3FB8] =	sst s10  }
0x35: {  	s10 =	sld [smem:$0x3FB7];
	_ =	sdelay $0x3  }
0x36: {  	p1 =	seq.s32 s10, $0x1;
	s10 =	sld [smem:$0x3FB8];
	_ =	sdelay $0x3  }
0x37: {  	[smem:$0x3FB8] =	sst s10  }
0x38: {  	s10 =	sld [smem:$0x3FB9]  }
0x39: {  	_ = 	snop;
	(pc) =	sbr.ind lr, $3  }
0x3a: {  	_ = 	snop  }
0x3b: {  	_ = 	snop  }
0x3c: {  	p2 =	seq.s32 s10, $0x1;
	s10 =	sld [smem:$0x3FB8]  }
0x3d: {  	_ =	shalt  }
0x3e: {  	_ =	shalt  }
0x3f: {  	_ =	shalt  }
0x40: {  	_ =	shalt  }
0x41: {  	_ =	shalt  }
0x42: {  	_ =	shalt  }
0x43: {  	_ =	shalt  }
0x44: {  	_ =	shalt  }
0x45: {  	_ =	shalt  }
0x46: {  	_ =	shalt  }
0x47: {  	_ =	shalt  }
0x48: {  	_ =	shalt  }
0x49: {  	_ =	shalt  }
0x4a: {  	_ =	shalt  }
0x4b: {  	_ =	shalt  }
0x4c: {  	_ =	shalt  }
0x4d: {  	_ =	shalt  }
0x4e: {  	_ =	shalt  }
0x4f: {  	_ =	shalt  }
0x50: {  	_ =	shalt  }
0x51: {  	_ =	shalt  }
0x52: {  	_ =	shalt  }
0x53: {  	_ =	shalt  }
0x54: {  	_ =	shalt  }
0x55: {  	_ =	shalt  }
0x56: {  	_ =	shalt  }
0x57: {  	_ =	shalt  }
0x58: {  	_ =	shalt  }
0x59: {  	_ =	shalt  }
0x5a: {  	_ =	shalt  }
0x5b: {  	_ =	shalt  }
0x5c: {  	_ =	shalt  }
0x5d: {  	_ =	shalt  }
0x5e: {  	_ =	shalt  }
0x5f: {  	_ =	shalt  }
0x60: {  	_ =	shalt  }
0x61: {  	_ =	shalt  }
0x62: {  	_ =	shalt  }
0x63: {  	_ =	shalt  }
0x64: {  	_ =	shalt  }
0x65: {  	_ =	shalt  }
0x66: {  	_ =	shalt  }
0x67: {  	_ =	shalt  }
0x68: {  	_ =	shalt  }
0x69: {  	_ =	shalt  }
0x6a: {  	_ =	shalt  }
0x6b: {  	_ =	shalt  }
0x6c: {  	_ =	shalt  }
0x6d: {  	_ =	shalt  }
0x6e: {  	_ =	shalt  }
0x6f: {  	_ =	shalt  }
0x70: {  	_ =	shalt  }
0x71: {  	_ =	shalt  }
0x72: {  	_ =	shalt  }
0x73: {  	_ =	shalt  }
0x74: {  	_ =	shalt  }
0x75: {  	_ =	shalt  }
0x76: {  	_ =	shalt  }
0x77: {  	_ =	shalt  }
0x78: {  	_ =	shalt  }
0x79: {  	_ =	shalt  }
0x7a: {  	_ =	shalt  }
0x7b: {  	_ =	shalt  }
0x7c: {  	_ =	shalt  }
0x7d: {  	_ =	shalt  }
0x7e: {  	_ =	shalt  }
0x7f: {  	_ =	shalt  }
0x80: {  	_ =	shalt  }
0x81: {  	_ =	shalt  }
0x82: {  	_ =	shalt  }
0x83: {  	_ =	shalt  }
0x84: {  	_ =	shalt  }
0x85: {  	_ =	shalt  }
0x86: {  	_ =	shalt  }
0x87: {  	_ =	shalt  }
.Lfunc_end0:
.L_simem_size_0:
called_computation.3_lowered:
.L_overlay_start_0:
0x88: {  	s2 =	sld [smem:$0x3FD9]  }
0x89: {  	s3 =	sld [smem:$0x3FFE];
	_ =	sdelay $0x1  }
0x8a: {  	s1 =	srdreg.scid  }
0x8b: {  	s0 =	sand.u32 $0x1, s1  }
0x8c: {  	s17 =	sshll.u32 s0, $0xA;
	s2 =	sadd.s32 s3, s2  }
0x8d: {  	s2 =	sadd.s32 s2, s17  }
0x8e: {  	[smem:$0x3FC4] =	sst s2  }
0x8f: {  	_ = 	snop  }
0x90: {  	(tm) =	ssettm $0x1  }
0x91: {  	s18 =	sld [smem:$0x3FFB];
	_ =	sdelay $0x3  }
0x92: {  	_ =	strace s18  }
0x93: {  	s2 =	sld [smem:$0x3FFC];
	_ =	sdelay $0x3  }
0x94: {  	_ =	strace s2  }
0x95: {  	s2 =	sld [smem:$0x3FFD];
	_ =	sdelay $0x3  }
0x96: {  	_ =	strace s2  }
0x97: {  	_ =	strace $0x8FFFFFFF  }
0x98: {  	s19 =	sld [smem:$0x3FDB];
	_ =	sdelay $0x1  }
0x99: {  	s20 =	simm.s32 $_scs_section_size  }
0x9a: {  	s4 =	simm.s32 $_size__tile_overlayer_lowered;
	s5 =	simm.s32 $_tile_overlayer_lowered  }
0x9b: {  	s6 =	simm.s32 $0x1BFF;
	s21 =	sshll.u32 s5, $0x1;
	s3 =	sadd.s32 s20, s19  }
0x9c: {  	s22 =	simm.s32 $0x0;
	s4 =	sshll.u32 s4, $0x1;
	s5 =	sadd.s32 s21, s3  }
0x9d: {  	[timem:s22], [sflag:s6] =	dma.local [hbm:s5], s4  }
0x9e: {  	_ =	swait.ge [sflag:s6], s4  }
0x9f: {  	s4 =	ssub.s32 $0x0, s4;
	[sflag:s6] =	ssyncset.done $0x0  }
0xa0: {  	[sflag:s6] =	ssyncadd.s32 s4;
	_ =	sdelay $0x1  }
0xa1: {  	s23 =	simm.s32 $0x1B8B  }
0xa2: {  	_ =	swait.ge [sflag:s23], $0x1  }
0xa3: {  	[sflag:s23] =	ssyncset.done $0x0  }
0xa4: {  	[sflag:s23] =	ssyncadd.s32 $0xFFFFFFFF  }
0xa5: {  	s4 =	sld [smem:$0x0]  }
0xa6: {  	s5 =	sand.u32 $0xFFFFFFFE, s1  }
0xa7: {  	p0 =	sne.s32 s1, s5  }
0xa8: {  	s5 =	sshll.u32 @p0 s5, $0xE  }
0xa9: {  	s5 =	sadd.s32 @p0 $0x11B8D, s5;
	s6 =	sshll.u32 @p0 s4, $0x11  }
0xaa: {  	s5 =	sor.u32 @p0 s6, s5  }
0xab: {  	[sflag:s5] =	ssyncadd.remote.s32 @p0 $0x1;
	_ =	sdelay $0x1  }
0xac: {  	s5 =	simm.s32 @p0 $0x1B8D  }
0xad: {  	_ =	swait.eq @p0 [sflag:s5], $0x1  }
0xae: {  	[sflag:s5] =	ssyncadd.s32 @p0 $0xFFFFFFFF  }
0xaf: {  	s6 =	sshll.u32 @!p0 s1, $0xE  }
0xb0: {  	s6 =	sor.u32 @!p0 $0x4000, s6;
	s5 =	simm.s32 @!p0 $0x1B8D  }
0xb1: {  	s4 =	sshll.u32 @!p0 s4, $0x11;
	s6 =	sadd.s32 @!p0 $0x11B8D, s6;
	_ =	swait.eq @!p0 [sflag:s5], $0x1  }
0xb2: {  	s4 =	sor.u32 @!p0 s4, s6;
	[sflag:s5] =	ssyncadd.s32 @!p0 $0xFFFFFFFF  }
0xb3: {  	s25 =	simm.s32 $0x1B8E;
	s24 =	sld [smem:$0x3FFE];
	[sflag:s4] =	ssyncadd.remote.s32 @!p0 $0x1  }
0xb4: {  	s26 =	simm.s32 $execute0_lowered;
	[smem:$0x3FD2] =	sst s25  }
0xb5: {  	s5 =	sshll.u32 s26, $0x1;
	_ =	strace $0x8000004F;
	[dreg:$0x1] =	wrdreg $0xFFFFFFFF  }
0xb6: {  	s28 =	simm.s32 $_size_execute0_lowered;
	s3 =	sadd.s32 s3, s5;
	[dreg:$0x0] =	wrdreg $0x0  }
0xb7: {  	s5 =	sshll.u32 s28, $0x1;
	[dreg:$0x2] =	wrdreg s3  }
0xb8: {  	[dreg:$0x3] =	wrdreg s5  }
0xb9: {  	[dreg:$0x4] =	wrdreg $0xC0  }
0xba: {  	_ =	task [dreg:s22], $0x5FFFF  }
0xbb: {  	[dreg:$0x1] =	wrdreg $0xFFFFFFFF  }
0xbc: {  	[dreg:$0x0] =	wrdreg $0x60  }
0xbd: {  	[dreg:$0x2] =	wrdreg s24  }
0xbe: {  	[dreg:$0x3] =	wrdreg $0xB  }
0xbf: {  	_ =	task.clear_ibuf [dreg:s22], $0x4FFFF;
	_ =	strace $0x9000004F  }
0xc0: {  	s29 =	simm.s32 $0xB;
	_ =	strace $0x80000051  }
0xc1: {  	_ =	swait.ge [sflag:s29], $0x1  }
0xc2: {  	[sflag:s29] =	ssyncadd.s32 $0xFFFFFFFF  }
0xc3: {  	_ =	strace $0x90000051  }
0xc4: {  	_ =	sfence  }
0xc5: {  	s30 =	sld [smem:$0x0];
	_ =	sdelay $0x2  }
0xc6: {  	s31 =	sshll.u32 s1, $0xD;
	s1 =	sshrl.u32 s1, $0x2  }
0xc7: {  	s4 =	sand.u32 $0x4000, s31;
	s1 =	sadd.s32 s1, s30  }
0xc8: {  	s0 =	sor.u32 s4, s0;
	s1 =	sshll.u32 s1, $0x11  }
0xc9: {  	s0 =	sor.u32 s1, s0  }
0xca: {  	s0 =	sadd.s32 $0x8F2B, s0  }
0xcb: {  	[sflag:s0] =	ssyncadd.remote.s32 $0x1  }
0xcc: {  	_ =	sfence.sel $0xFFFF  }
0xcd: {  	[dreg:$0x0] =	wrdreg $0xFFFFFFFF;
	(pc) =	sbr.abs _section_cstart, $3  }
0xce: {  	[dreg:$0x1] =	wrdreg $0xFFFFFFFF  }
0xcf: {  	_ =	task.clear_ibuf [dreg:s22], $0x2FFFF;
	_ =	strace $0x9FFFFFFF  }
0xd0: {  	(tm) =	ssettm $0x7FFFFFFF  }
0xd1: {  	_ =	shalt  }
tec
execute0_lowered:
.L_overlay_start_1:
0x0: {  	(tag) =	ssettag $0x1  }
0x1: {  	s4 =	rddreg [dreg:$0x0]  }
0x2: {  	s0 =	rddreg [dreg:$0x1]  }
0x3: {  	s2 =	simm.s32 $0x0;
	s1 =	stileid.u32;
	s3 =	srdreg.scid  }
0x4: {  	s12 =	simm.s32 $0xE100;
	s13 =	simm.s32 $0x2;
	s5 =	smul.u32 $0x19000, s1  }
0x5: {  	s14 =	simm.s32 $0x0;
	s6 =	sand.u32 $0x1, s3;
	s8 =	smul.u32 $0xC800, s1  }
0x6: {  	[smem:$0x7FF] =	sst s2;
	s9 =	sadd.s32 $0xD2800, s4;
	s11 =	smul.u32 $0x6400, s6  }
0x7: {  	s3 =	sadd.s32 $0x19A800, s4;
	s7 =	ssub.s32 $0x2, s6;
	s6 =	smul.u32 $0xC800, s6  }
0x8: {  	_ =	strace $0x80000050;
	s10 =	sshrl.u32 s7, $0x1;
	s5 =	sadd.s32 s5, s4  }
0x9: {  	s7 =	ssub.s32 s7, s10;
	s30 =	sadd.s32 s11, s8;
	s5 =	sadd.s32 s6, s5  }
0xa: {  	s8 =	simm.s32 $0x3;
	s10 =	simm.s32 $0x1900;
	s11 =	simm.s32 $0x1  }
0xb: {  	s4 =	smax.u32 s7, $0x1;
	s31 =	sadd.s32 $0x190C80, s30;
	s7 =	sadd.s32 $0x190000, s30  }
0xc: {  	s5 =	sadd.s32 $0x10EF800, s5;
	s6 =	sshrl.u32 s31, $0x3;
	s7 =	sshrl.u32 s7, $0x3  }
0xd: {  	s6 =	sadd.s32 s6, s9;
	s7 =	sadd.s32 s7, s9;
	s9 =	simm.s32 $0xC80  }
.LBB2_1:
0xe: {  	s15 =	sadd.s32 $0x0, s7  }
0xf: {  	[tilespmem:s2], [sflag:$0x3] =	stream.linear.gather [hbm4b:s15+s2], $0xC80, $0x38;
	[tilespmem:$0x1A900] =	vst v63  }
0x10: {  	_ =	swait.ge [sflag:s8], $0xC80  }
0x11: {  	[sflag:s8] =	ssyncset.done $0x0  }
0x12: {  	[sflag:s8] =	ssyncadd.s32 $0xFFFFF380  }
0x13: {  	[tilespmem:s10], [sflag:$0x1] =	stream.indirect.gather [hbm4b:s3+s9], $0x10, s2, s9, $0xb8;
	[tilespmem:$0x1A900] =	vst v63  }
0x14: {  	s30 =	sadd.s32 $0x0, s6  }
0x15: {  	[tilespmem:s9], [sflag:$0x3] =	stream.linear.gather [hbm4b:s30+s2], $0xC80, $0x38;
	[tilespmem:$0x1A900] =	vst v63  }
0x16: {  	_ =	swait.ge [sflag:s8], $0xC80  }
0x17: {  	[sflag:s8] =	ssyncset.done $0x0  }
0x18: {  	[sflag:s8] =	ssyncadd.s32 $0xFFFFF380  }
0x19: {  	_ =	swait.ge [sflag:s11], $0xC800  }
0x1a: {  	[sflag:s11] =	ssyncset.done $0x0  }
0x1b: {  	[sflag:s11] =	ssyncadd.s32 $0xFFFF3800  }
0x1c: {  	[hbm4b:s5+s2] =	stream.linear.scatter [tilespmem:s10], [sflag:$0x2], $0xC800, $0x38;
	[tilespmem:$0x1A900] =	vst v63  }
0x1d: {  	_ = 	snop  }
0x1e: {  	[tilespmem:s12], [sflag:$0x1] =	stream.indirect.gather [hbm4b:s3+s9], $0x10, s9, s9, $0xb8;
	[tilespmem:$0x1A900] =	vst v63  }
0x1f: {  	_ =	swait.ge [sflag:s11], $0xC800  }
0x20: {  	[sflag:s11] =	ssyncset.done $0x0  }
0x21: {  	s31 =	sadd.s32 $0x1900, s5;
	[sflag:s11] =	ssyncadd.s32 $0xFFFF3800  }
0x22: {  	[hbm4b:s31+s2] =	stream.linear.scatter [tilespmem:s12], [sflag:$0x2], $0xC800, $0x38;
	[tilespmem:$0x1A900] =	vst v63  }
0x23: {  	_ =	swait.ge [sflag:s13], $0xC800  }
0x24: {  	[sflag:s13] =	ssyncset.done $0x0  }
0x25: {  	[sflag:s13] =	ssyncadd.s32 $0xFFFF3800  }
0x26: {  	s16 =	simm.s32 $0x320;
	_ =	swait.ge [sflag:s13], $0xC800  }
0x27: {  	s17 =	simm.s32 $0x640;
	s15 =	sadd.s32 $0x3200, s5;
	[sflag:s13] =	ssyncset.done $0x0  }
.LBB2_2:
0x28: {  	s18 =	sadd.s32 s16, s7  }
0x29: {  	[sflag:s13] =	ssyncadd.s32 $0xFFFF3800;
	s19 =	smov.u32 s17;
	s20 =	sadd.s32 $0x320, s17  }
0x2a: {  	[tilespmem:s2], [sflag:$0x3] =	stream.linear.gather [hbm4b:s18+s2], $0xC80, $0x38;
	[tilespmem:$0x1A900] =	vst v63  }
0x2b: {  	p0 =	sne.s32 s17, $0x960;
	_ =	swait.ge [sflag:s8], $0xC80  }
0x2c: {  	[sflag:s8] =	ssyncset.done $0x0  }
0x2d: {  	[sflag:s8] =	ssyncadd.s32 $0xFFFFF380  }
0x2e: {  	[tilespmem:s10], [sflag:$0x1] =	stream.indirect.gather [hbm4b:s3+s9], $0x10, s2, s9, $0xb8;
	[tilespmem:$0x1A900] =	vst v63  }
0x2f: {  	s17 =	sadd.s32 s16, s6;
	s16 =	smov.u32 s19  }
0x30: {  	[tilespmem:s9], [sflag:$0x3] =	stream.linear.gather [hbm4b:s17+s2], $0xC80, $0x38;
	[tilespmem:$0x1A900] =	vst v63  }
0x31: {  	_ =	swait.ge [sflag:s8], $0xC80  }
0x32: {  	[sflag:s8] =	ssyncset.done $0x0  }
0x33: {  	[sflag:s8] =	ssyncadd.s32 $0xFFFFF380  }
0x34: {  	_ =	swait.ge [sflag:s11], $0xC800  }
0x35: {  	[sflag:s11] =	ssyncset.done $0x0  }
0x36: {  	[sflag:s11] =	ssyncadd.s32 $0xFFFF3800  }
0x37: {  	[hbm4b:s15+s2] =	stream.linear.scatter [tilespmem:s10], [sflag:$0x2], $0xC800, $0x38;
	[tilespmem:$0x1A900] =	vst v63  }
0x38: {  	_ = 	snop  }
0x39: {  	[tilespmem:s12], [sflag:$0x1] =	stream.indirect.gather [hbm4b:s3+s9], $0x10, s9, s9, $0xb8;
	[tilespmem:$0x1A900] =	vst v63  }
0x3a: {  	_ =	swait.ge [sflag:s11], $0xC800  }
0x3b: {  	[sflag:s11] =	ssyncset.done $0x0  }
0x3c: {  	s17 =	sadd.s32 $0x1900, s15;
	[sflag:s11] =	ssyncadd.s32 $0xFFFF3800  }
0x3d: {  	[hbm4b:s17+s2] =	stream.linear.scatter [tilespmem:s12], [sflag:$0x2], $0xC800, $0x38;
	[tilespmem:$0x1A900] =	vst v63  }
.Ltmp0:
0x3e: {  	_ =	swait.ge [sflag:s13], $0xC800;
	(pc) =	sbr.rel @p0 .LBB2_2-.Ltmp0, $4  }
0x3f: {  	[sflag:s13] =	ssyncset.done $0x0  }
0x40: {  	[sflag:s13] =	ssyncadd.s32 $0xFFFF3800  }
0x41: {  	_ =	swait.ge [sflag:s13], $0xC800  }
0x42: {  	s15 =	sadd.s32 $0x3200, s15;
	s17 =	smov.u32 s20;
	[sflag:s13] =	ssyncset.done $0x0  }
0x43: {  	s17 =	sadd.s32 s16, s7;
	[sflag:s13] =	ssyncadd.s32 $0xFFFF3800  }
0x44: {  	[tilespmem:s2], [sflag:$0x3] =	stream.linear.gather [hbm4b:s17+s2], $0xC80, $0x38;
	[tilespmem:$0x1A900] =	vst v63  }
0x45: {  	_ =	swait.ge [sflag:s8], $0xC80  }
0x46: {  	[sflag:s8] =	ssyncset.done $0x0  }
0x47: {  	[sflag:s8] =	ssyncadd.s32 $0xFFFFF380  }
0x48: {  	[tilespmem:s10], [sflag:$0x1] =	stream.indirect.gather [hbm4b:s3+s9], $0x10, s2, s9, $0xb8;
	[tilespmem:$0x1A900] =	vst v63  }
0x49: {  	s30 =	sadd.s32 s16, s6  }
0x4a: {  	[tilespmem:s9], [sflag:$0x3] =	stream.linear.gather [hbm4b:s30+s2], $0xC80, $0x38;
	[tilespmem:$0x1A900] =	vst v63  }
0x4b: {  	_ =	swait.ge [sflag:s8], $0xC80  }
0x4c: {  	[sflag:s8] =	ssyncset.done $0x0  }
0x4d: {  	[sflag:s8] =	ssyncadd.s32 $0xFFFFF380  }
0x4e: {  	_ =	swait.ge [sflag:s11], $0xC800  }
0x4f: {  	[sflag:s11] =	ssyncset.done $0x0  }
0x50: {  	[sflag:s11] =	ssyncadd.s32 $0xFFFF3800  }
0x51: {  	[hbm4b:s15+s2] =	stream.linear.scatter [tilespmem:s10], [sflag:$0x2], $0xC800, $0x38;
	[tilespmem:$0x1A900] =	vst v63  }
0x52: {  	_ = 	snop  }
0x53: {  	[tilespmem:s12], [sflag:$0x1] =	stream.indirect.gather [hbm4b:s3+s9], $0x10, s9, s9, $0xb8;
	[tilespmem:$0x1A900] =	vst v63  }
0x54: {  	_ =	swait.ge [sflag:s11], $0xC800  }
0x55: {  	[sflag:s11] =	ssyncset.done $0x0  }
0x56: {  	s31 =	sadd.s32 $0x1900, s15;
	s14 =	sadd.s32 $0x1, s14;
	[sflag:s11] =	ssyncadd.s32 $0xFFFF3800  }
0x57: {  	[hbm4b:s31+s2] =	stream.linear.scatter [tilespmem:s12], [sflag:$0x2], $0xC800, $0x38;
	[tilespmem:$0x1A900] =	vst v63  }
0x58: {  	p0 =	sne.s32 s14, s4;
	_ =	swait.ge [sflag:s13], $0xC800  }
.Ltmp1:
0x59: {  	[sflag:s13] =	ssyncset.done $0x0;
	(pc) =	sbr.rel @p0 .LBB2_1-.Ltmp1, $4  }
0x5a: {  	[sflag:s13] =	ssyncadd.s32 $0xFFFF3800  }
0x5b: {  	_ =	swait.ge [sflag:s13], $0xC800  }
0x5c: {  	[sflag:s13] =	ssyncset.done $0x0  }
0x5d: {  	[sflag:s13] =	ssyncadd.s32 $0xFFFF3800  }
0x5e: {  	_ =	sfence.sel $0x180000  }
0x5f: {  	[bflag:$0x0] =	sbarrier.arrive $0xFFFF  }
0x60: {  	p0 =	sne.s32 s1, $0x0;
	_ =	strace $0x90000050  }
0x61: {  	s0 =	sadd.s32 @!p0 $0x100000, s0;
	[bflag:$0x2] =	sbarrier.arrive $0xFFFF  }
0x62: {  	[sflag:s0] =	ssyncadd.tile.s32 @!p0 $0x1;
	_ =	shalt  }
.Lfunc_end2:
_tile_overlayer_lowered:
.L_overlay_start_2:
0x63: {  	(tag) =	ssettag $0x2  }
0x64: {  	s0 =	rddreg [dreg:$0x0];
	s2 =	stileid.u32  }
0x65: {  	s1 =	rddreg [dreg:$0x1];
	p0 =	sne.s32 s2, $0x0  }
0x66: {  	s3 =	rddreg [dreg:$0x2];
	[bflag:$0x3] =	sbarrier.arrive $0xFFFF;
	s2 =	simm.s32 @!p0 $0x1C03  }
0x67: {  	[timem:s3], [sflag:s2] =	dma.local @!p0 [hbm:s0], s1  }
0x68: {  	s0 =	simm.s32 @!p0 $0x3  }
0x69: {  	_ =	swait.ge @!p0 [sflag:s0], s1  }
0x6a: {  	s1 =	ssub.s32 @!p0 $0x0, s1;
	[sflag:s0] =	ssyncset.done @!p0 $0x0  }
0x6b: {  	[sflag:s0] =	ssyncadd.s32 @!p0 s1  }
0x6c: {  	[bflag:$0x3] =	sbarrier.arrive $0xFFFF  }
0x6d: {  	_ =	shalt  }

// kernel: kernel.28.cloned.1.call-start
scs
__scs_entry_jumppad:
0x0: {  	(pc) =	sbr.rel $0x88, $3  }
0x1: {  	(tag) =	ssettag $0x0;
	lr =	simm.s32 $0x1  }
0x2: {  	[smem:$0x3F9D] =	sst lr;
	_ =	strace $0xD0000000  }
0x3: {  	_ = 	snop  }
0x4: {  	_ = 	snop  }
0x5: {  	_ = 	snop  }
0x6: {  	_ = 	snop  }
0x7: {  	_ = 	snop  }
__scs_overlays_trampoline_lowered:
0x8: {  	[smem:$0x3FAC] =	sst s0  }
0x9: {  	[smem:$0x3FAD] =	sst s1  }
0xa: {  	[smem:$0x3FAE] =	sst s2  }
0xb: {  	[smem:$0x3FAF] =	sst s3  }
0xc: {  	[smem:$0x3FB0] =	sst s4  }
0xd: {  	[smem:$0x3FB1] =	sst s5  }
0xe: {  	[smem:$0x3FB2] =	sst s6  }
0xf: {  	[smem:$0x3FB3] =	sst s7  }
0x10: {  	[smem:$0x3FB4] =	sst s8  }
0x11: {  	[smem:$0x3FB5] =	sst s9;
	s0 =	simm.s32 @!p0 $0x0  }
0x12: {  	s1 =	sld [smem:$0x3F9B];
	s0 =	simm.s32 @p0 $0x1  }
0x13: {  	[smem:$0x3FB6] =	sst s0;
	s0 =	simm.s32 @!p1 $0x0  }
0x14: {  	s2 =	sld [smem:$0x3F9A];
	s0 =	simm.s32 @p1 $0x1  }
0x15: {  	[smem:$0x3FB7] =	sst s0;
	s0 =	simm.s32 @!p2 $0x0  }
0x16: {  	s3 =	sld [smem:$0x3FDB];
	s0 =	simm.s32 @p2 $0x1  }
0x17: {  	s4 =	simm.s32 $0x1BF5;
	[smem:$0x3FB9] =	sst s0  }
0x18: {  	s0 =	sld [smem:$0x3F9C];
	_ =	swait.ge [sflag:s4], $0x0  }
0x19: {  	s7 =	sld [smem:$0x3F9D]  }
0x1a: {  	s8 =	sadd.s32 $0xFFFFE003, lr  }
0x1b: {  	s9 =	sadd.s32 $0xFFFFFEF7, lr;
	s5 =	simm.s32 $0xFFFFFFFF;
	p2 =	slt.u32 s8, $0xFFFFF086  }
0x1c: {  	p1 =	slt.u32 s9, $0xF7A;
	s5 =	simm.s32 @!p2 $0x0  }
0x1d: {  	s5 =	simm.s32 @p1 $0x1;
	p0 =	seq.s32 s7, s2  }
0x1e: {  	s7 =	smul.u32 @!p0 $0xF7A, s2;
	p2 =	seq.s32 @!p0 s5, $0x0  }
0x1f: {  	s9 =	smul.u32 $0xF7A, s1;
	s8 =	simm.s32 @!p0 $0x1BF5;
	p2 =	por !p2, p0  }
0x20: {  	[sflag:s8] =	ssyncset.s32 @!p0 $0xFFFFF086;
	s6 =	sadd.s32 @!p0 s3, s7;
	s7 =	simm.s32 @!p0 $0x108  }
0x21: {  	s3 =	sadd.s32 s3, s9;
	s6 =	sadd.s32 @!p0 $0x88, s6;
	s7 =	simm.s32 @p2 $0x1082  }
0x22: {  	[simem:s7], [sflag:s8] =	dma.local @!p0 [hbm:s6], $0xF7A  }
0x23: {  	s9 =	sor.u32 $0xD0000000, s2;
	s6 =	simm.s32 $0x108;
	_ =	swait.ge @!p0 [sflag:s8], $0x0  }
0x24: {  	s3 =	sadd.s32 $0x88, s3;
	s6 =	simm.s32 @!p1 $0x1082;
	[sflag:s4] =	ssyncset.s32 $0xFFFFF086  }
0x25: {  	[simem:s6], [sflag:s4] =	dma.local [hbm:s3], $0xF7A  }
0x26: {  	[smem:$0x3F9D] =	sst s1;
	(tag) =	ssettag s2;
	_ =	strace s9  }
0x27: {  	s1 =	sld [smem:$0x3FAD]  }
0x28: {  	s2 =	sld [smem:$0x3FAE]  }
0x29: {  	s4 =	sld [smem:$0x3FB0]  }
0x2a: {  	p0 =	seq.s32 s5, $0x0;
	s5 =	sld [smem:$0x3FB1]  }
0x2b: {  	s6 =	sld [smem:$0x3FB2]  }
0x2c: {  	s7 =	sld [smem:$0x3FB3]  }
0x2d: {  	s3 =	simm.s32 $0x108;
	s8 =	sld [smem:$0x3FB4]  }
0x2e: {  	s3 =	simm.s32 @!p0 $0x1082;
	s9 =	sld [smem:$0x3FB5]  }
0x2f: {  	lr =	sadd.s32 s0, s3;
	s0 =	sld [smem:$0x3FAC]  }
0x30: {  	s3 =	sld [smem:$0x3FAF]  }
0x31: {  	[smem:$0x3FB8] =	sst s10  }
0x32: {  	s10 =	sld [smem:$0x3FB6];
	_ =	sdelay $0x3  }
0x33: {  	p0 =	seq.s32 s10, $0x1;
	s10 =	sld [smem:$0x3FB8];
	_ =	sdelay $0x3  }
0x34: {  	[smem:$0x3FB8] =	sst s10  }
0x35: {  	s10 =	sld [smem:$0x3FB7];
	_ =	sdelay $0x3  }
0x36: {  	p1 =	seq.s32 s10, $0x1;
	s10 =	sld [smem:$0x3FB8];
	_ =	sdelay $0x3  }
0x37: {  	[smem:$0x3FB8] =	sst s10  }
0x38: {  	s10 =	sld [smem:$0x3FB9]  }
0x39: {  	_ = 	snop;
	(pc) =	sbr.ind lr, $3  }
0x3a: {  	_ = 	snop  }
0x3b: {  	_ = 	snop  }
0x3c: {  	p2 =	seq.s32 s10, $0x1;
	s10 =	sld [smem:$0x3FB8]  }
0x3d: {  	_ =	shalt  }
0x3e: {  	_ =	shalt  }
0x3f: {  	_ =	shalt  }
0x40: {  	_ =	shalt  }
0x41: {  	_ =	shalt  }
0x42: {  	_ =	shalt  }
0x43: {  	_ =	shalt  }
0x44: {  	_ =	shalt  }
0x45: {  	_ =	shalt  }
0x46: {  	_ =	shalt  }
0x47: {  	_ =	shalt  }
0x48: {  	_ =	shalt  }
0x49: {  	_ =	shalt  }
0x4a: {  	_ =	shalt  }
0x4b: {  	_ =	shalt  }
0x4c: {  	_ =	shalt  }
0x4d: {  	_ =	shalt  }
0x4e: {  	_ =	shalt  }
0x4f: {  	_ =	shalt  }
0x50: {  	_ =	shalt  }
0x51: {  	_ =	shalt  }
0x52: {  	_ =	shalt  }
0x53: {  	_ =	shalt  }
0x54: {  	_ =	shalt  }
0x55: {  	_ =	shalt  }
0x56: {  	_ =	shalt  }
0x57: {  	_ =	shalt  }
0x58: {  	_ =	shalt  }
0x59: {  	_ =	shalt  }
0x5a: {  	_ =	shalt  }
0x5b: {  	_ =	shalt  }
0x5c: {  	_ =	shalt  }
0x5d: {  	_ =	shalt  }
0x5e: {  	_ =	shalt  }
0x5f: {  	_ =	shalt  }
0x60: {  	_ =	shalt  }
0x61: {  	_ =	shalt  }
0x62: {  	_ =	shalt  }
0x63: {  	_ =	shalt  }
0x64: {  	_ =	shalt  }
0x65: {  	_ =	shalt  }
0x66: {  	_ =	shalt  }
0x67: {  	_ =	shalt  }
0x68: {  	_ =	shalt  }
0x69: {  	_ =	shalt  }
0x6a: {  	_ =	shalt  }
0x6b: {  	_ =	shalt  }
0x6c: {  	_ =	shalt  }
0x6d: {  	_ =	shalt  }
0x6e: {  	_ =	shalt  }
0x6f: {  	_ =	shalt  }
0x70: {  	_ =	shalt  }
0x71: {  	_ =	shalt  }
0x72: {  	_ =	shalt  }
0x73: {  	_ =	shalt  }
0x74: {  	_ =	shalt  }
0x75: {  	_ =	shalt  }
0x76: {  	_ =	shalt  }
0x77: {  	_ =	shalt  }
0x78: {  	_ =	shalt  }
0x79: {  	_ =	shalt  }
0x7a: {  	_ =	shalt  }
0x7b: {  	_ =	shalt  }
0x7c: {  	_ =	shalt  }
0x7d: {  	_ =	shalt  }
0x7e: {  	_ =	shalt  }
0x7f: {  	_ =	shalt  }
0x80: {  	_ =	shalt  }
0x81: {  	_ =	shalt  }
0x82: {  	_ =	shalt  }
0x83: {  	_ =	shalt  }
0x84: {  	_ =	shalt  }
0x85: {  	_ =	shalt  }
0x86: {  	_ =	shalt  }
0x87: {  	_ =	shalt  }
.Lfunc_end0:
.L_simem_size_0:
called_computation.4_lowered:
.L_overlay_start_0:
0x88: {  	s2 =	sld [smem:$0x3FD9]  }
0x89: {  	s3 =	sld [smem:$0x3FFE];
	_ =	sdelay $0x1  }
0x8a: {  	s1 =	srdreg.scid  }
0x8b: {  	s0 =	sand.u32 $0x1, s1  }
0x8c: {  	s17 =	sshll.u32 s0, $0xA;
	s2 =	sadd.s32 s3, s2  }
0x8d: {  	s2 =	sadd.s32 s2, s17  }
0x8e: {  	[smem:$0x3FC4] =	sst s2  }
0x8f: {  	_ = 	snop  }
0x90: {  	(tm) =	ssettm $0x1  }
0x91: {  	s18 =	sld [smem:$0x3FFB];
	_ =	sdelay $0x3  }
0x92: {  	_ =	strace s18  }
0x93: {  	s2 =	sld [smem:$0x3FFC];
	_ =	sdelay $0x3  }
0x94: {  	_ =	strace s2  }
0x95: {  	s2 =	sld [smem:$0x3FFD];
	_ =	sdelay $0x3  }
0x96: {  	_ =	strace s2  }
0x97: {  	_ =	strace $0x8FFFFFFF  }
0x98: {  	s19 =	sld [smem:$0x3FDB];
	_ =	sdelay $0x1  }
0x99: {  	s20 =	simm.s32 $_scs_section_size  }
0x9a: {  	s4 =	simm.s32 $_size__tile_overlayer_lowered;
	s5 =	simm.s32 $_tile_overlayer_lowered  }
0x9b: {  	s6 =	simm.s32 $0x1BFF;
	s21 =	sshll.u32 s5, $0x1;
	s3 =	sadd.s32 s20, s19  }
0x9c: {  	s22 =	simm.s32 $0x0;
	s4 =	sshll.u32 s4, $0x1;
	s5 =	sadd.s32 s21, s3  }
0x9d: {  	[timem:s22], [sflag:s6] =	dma.local [hbm:s5], s4  }
0x9e: {  	_ =	swait.ge [sflag:s6], s4  }
0x9f: {  	s4 =	ssub.s32 $0x0, s4;
	[sflag:s6] =	ssyncset.done $0x0  }
0xa0: {  	[sflag:s6] =	ssyncadd.s32 s4;
	_ =	sdelay $0x1  }
0xa1: {  	s23 =	simm.s32 $0x1B8B  }
0xa2: {  	_ =	swait.ge [sflag:s23], $0x1  }
0xa3: {  	[sflag:s23] =	ssyncset.done $0x0  }
0xa4: {  	[sflag:s23] =	ssyncadd.s32 $0xFFFFFFFF  }
0xa5: {  	s4 =	sld [smem:$0x0]  }
0xa6: {  	s5 =	sand.u32 $0xFFFFFFFE, s1  }
0xa7: {  	p0 =	sne.s32 s1, s5  }
0xa8: {  	s5 =	sshll.u32 @p0 s5, $0xE  }
0xa9: {  	s5 =	sadd.s32 @p0 $0x11B8D, s5;
	s6 =	sshll.u32 @p0 s4, $0x11  }
0xaa: {  	s5 =	sor.u32 @p0 s6, s5  }
0xab: {  	[sflag:s5] =	ssyncadd.remote.s32 @p0 $0x1;
	_ =	sdelay $0x1  }
0xac: {  	s5 =	simm.s32 @p0 $0x1B8D  }
0xad: {  	_ =	swait.eq @p0 [sflag:s5], $0x1  }
0xae: {  	[sflag:s5] =	ssyncadd.s32 @p0 $0xFFFFFFFF  }
0xaf: {  	s6 =	sshll.u32 @!p0 s1, $0xE  }
0xb0: {  	s6 =	sor.u32 @!p0 $0x4000, s6;
	s5 =	simm.s32 @!p0 $0x1B8D  }
0xb1: {  	s4 =	sshll.u32 @!p0 s4, $0x11;
	s6 =	sadd.s32 @!p0 $0x11B8D, s6;
	_ =	swait.eq @!p0 [sflag:s5], $0x1  }
0xb2: {  	s4 =	sor.u32 @!p0 s4, s6;
	[sflag:s5] =	ssyncadd.s32 @!p0 $0xFFFFFFFF  }
0xb3: {  	s25 =	simm.s32 $0x1B8E;
	s24 =	sld [smem:$0x3FFE];
	[sflag:s4] =	ssyncadd.remote.s32 @!p0 $0x1  }
0xb4: {  	s26 =	simm.s32 $execute0_lowered;
	[smem:$0x3FD2] =	sst s25  }
0xb5: {  	s5 =	sshll.u32 s26, $0x1;
	_ =	strace $0x80000052;
	[dreg:$0x1] =	wrdreg $0xFFFFFFFF  }
0xb6: {  	s28 =	simm.s32 $_size_execute0_lowered;
	s3 =	sadd.s32 s3, s5;
	[dreg:$0x0] =	wrdreg $0x0  }
0xb7: {  	s5 =	sshll.u32 s28, $0x1;
	[dreg:$0x2] =	wrdreg s3  }
0xb8: {  	[dreg:$0x3] =	wrdreg s5  }
0xb9: {  	[dreg:$0x4] =	wrdreg $0xC0  }
0xba: {  	_ =	task [dreg:s22], $0x5FFFF  }
0xbb: {  	[dreg:$0x1] =	wrdreg $0xFFFFFFFF  }
0xbc: {  	[dreg:$0x0] =	wrdreg $0x60  }
0xbd: {  	[dreg:$0x2] =	wrdreg s24  }
0xbe: {  	[dreg:$0x3] =	wrdreg $0xC  }
0xbf: {  	_ =	task.clear_ibuf [dreg:s22], $0x4FFFF;
	_ =	strace $0x90000052  }
0xc0: {  	s29 =	simm.s32 $0xC;
	_ =	strace $0x80000054  }
0xc1: {  	_ =	swait.ge [sflag:s29], $0x1  }
0xc2: {  	[sflag:s29] =	ssyncadd.s32 $0xFFFFFFFF  }
0xc3: {  	_ =	strace $0x90000054  }
0xc4: {  	_ =	sfence  }
0xc5: {  	s30 =	sld [smem:$0x0];
	_ =	sdelay $0x2  }
0xc6: {  	s31 =	sshll.u32 s1, $0xD;
	s1 =	sshrl.u32 s1, $0x2  }
0xc7: {  	s4 =	sand.u32 $0x4000, s31;
	s1 =	sadd.s32 s1, s30  }
0xc8: {  	s0 =	sor.u32 s4, s0;
	s1 =	sshll.u32 s1, $0x11  }
0xc9: {  	s0 =	sor.u32 s1, s0  }
0xca: {  	s0 =	sadd.s32 $0x8F2B, s0  }
0xcb: {  	[sflag:s0] =	ssyncadd.remote.s32 $0x1  }
0xcc: {  	_ =	sfence.sel $0xFFFF  }
0xcd: {  	[dreg:$0x0] =	wrdreg $0xFFFFFFFF;
	(pc) =	sbr.abs _section_cstart, $3  }
0xce: {  	[dreg:$0x1] =	wrdreg $0xFFFFFFFF  }
0xcf: {  	_ =	task.clear_ibuf [dreg:s22], $0x2FFFF;
	_ =	strace $0x9FFFFFFF  }
0xd0: {  	(tm) =	ssettm $0x7FFFFFFF  }
0xd1: {  	_ =	shalt  }
tec
execute0_lowered:
.L_overlay_start_1:
0x0: {  	(tag) =	ssettag $0x1  }
0x1: {  	s4 =	rddreg [dreg:$0x0]  }
0x2: {  	s0 =	rddreg [dreg:$0x1]  }
0x3: {  	s2 =	simm.s32 $0x0;
	s1 =	stileid.u32;
	s3 =	srdreg.scid  }
0x4: {  	s12 =	simm.s32 $0xE100;
	s13 =	simm.s32 $0x2;
	s5 =	smul.u32 $0x19000, s1  }
0x5: {  	s14 =	simm.s32 $0x0;
	s6 =	sand.u32 $0x1, s3;
	s8 =	smul.u32 $0xC800, s1  }
0x6: {  	[smem:$0x7FF] =	sst s2;
	s9 =	sadd.s32 $0xD2800, s4;
	s11 =	smul.u32 $0x6400, s6  }
0x7: {  	s3 =	sadd.s32 $0x19A800, s4;
	s7 =	ssub.s32 $0x2, s6;
	s6 =	smul.u32 $0xC800, s6  }
0x8: {  	_ =	strace $0x80000053;
	s10 =	sshrl.u32 s7, $0x1;
	s5 =	sadd.s32 s5, s4  }
0x9: {  	s7 =	ssub.s32 s7, s10;
	s30 =	sadd.s32 s11, s8;
	s5 =	sadd.s32 s6, s5  }
0xa: {  	s8 =	simm.s32 $0x3;
	s10 =	simm.s32 $0x1900;
	s11 =	simm.s32 $0x1  }
0xb: {  	s4 =	smax.u32 s7, $0x1;
	s31 =	sadd.s32 $0x258C80, s30;
	s7 =	sadd.s32 $0x258000, s30  }
0xc: {  	s5 =	sadd.s32 $0x127F800, s5;
	s6 =	sshrl.u32 s31, $0x3;
	s7 =	sshrl.u32 s7, $0x3  }
0xd: {  	s6 =	sadd.s32 s6, s9;
	s7 =	sadd.s32 s7, s9;
	s9 =	simm.s32 $0xC80  }
.LBB2_1:
0xe: {  	s15 =	sadd.s32 $0x0, s7  }
0xf: {  	[tilespmem:s2], [sflag:$0x3] =	stream.linear.gather [hbm4b:s15+s2], $0xC80, $0x38;
	[tilespmem:$0x1A900] =	vst v63  }
0x10: {  	_ =	swait.ge [sflag:s8], $0xC80  }
0x11: {  	[sflag:s8] =	ssyncset.done $0x0  }
0x12: {  	[sflag:s8] =	ssyncadd.s32 $0xFFFFF380  }
0x13: {  	[tilespmem:s10], [sflag:$0x1] =	stream.indirect.gather [hbm4b:s3+s9], $0x10, s2, s9, $0xb8;
	[tilespmem:$0x1A900] =	vst v63  }
0x14: {  	s30 =	sadd.s32 $0x0, s6  }
0x15: {  	[tilespmem:s9], [sflag:$0x3] =	stream.linear.gather [hbm4b:s30+s2], $0xC80, $0x38;
	[tilespmem:$0x1A900] =	vst v63  }
0x16: {  	_ =	swait.ge [sflag:s8], $0xC80  }
0x17: {  	[sflag:s8] =	ssyncset.done $0x0  }
0x18: {  	[sflag:s8] =	ssyncadd.s32 $0xFFFFF380  }
0x19: {  	_ =	swait.ge [sflag:s11], $0xC800  }
0x1a: {  	[sflag:s11] =	ssyncset.done $0x0  }
0x1b: {  	[sflag:s11] =	ssyncadd.s32 $0xFFFF3800  }
0x1c: {  	[hbm4b:s5+s2] =	stream.linear.scatter [tilespmem:s10], [sflag:$0x2], $0xC800, $0x38;
	[tilespmem:$0x1A900] =	vst v63  }
0x1d: {  	_ = 	snop  }
0x1e: {  	[tilespmem:s12], [sflag:$0x1] =	stream.indirect.gather [hbm4b:s3+s9], $0x10, s9, s9, $0xb8;
	[tilespmem:$0x1A900] =	vst v63  }
0x1f: {  	_ =	swait.ge [sflag:s11], $0xC800  }
0x20: {  	[sflag:s11] =	ssyncset.done $0x0  }
0x21: {  	s31 =	sadd.s32 $0x1900, s5;
	[sflag:s11] =	ssyncadd.s32 $0xFFFF3800  }
0x22: {  	[hbm4b:s31+s2] =	stream.linear.scatter [tilespmem:s12], [sflag:$0x2], $0xC800, $0x38;
	[tilespmem:$0x1A900] =	vst v63  }
0x23: {  	_ =	swait.ge [sflag:s13], $0xC800  }
0x24: {  	[sflag:s13] =	ssyncset.done $0x0  }
0x25: {  	[sflag:s13] =	ssyncadd.s32 $0xFFFF3800  }
0x26: {  	s16 =	simm.s32 $0x320;
	_ =	swait.ge [sflag:s13], $0xC800  }
0x27: {  	s17 =	simm.s32 $0x640;
	s15 =	sadd.s32 $0x3200, s5;
	[sflag:s13] =	ssyncset.done $0x0  }
.LBB2_2:
0x28: {  	s18 =	sadd.s32 s16, s7  }
0x29: {  	[sflag:s13] =	ssyncadd.s32 $0xFFFF3800;
	s19 =	smov.u32 s17;
	s20 =	sadd.s32 $0x320, s17  }
0x2a: {  	[tilespmem:s2], [sflag:$0x3] =	stream.linear.gather [hbm4b:s18+s2], $0xC80, $0x38;
	[tilespmem:$0x1A900] =	vst v63  }
0x2b: {  	p0 =	sne.s32 s17, $0x960;
	_ =	swait.ge [sflag:s8], $0xC80  }
0x2c: {  	[sflag:s8] =	ssyncset.done $0x0  }
0x2d: {  	[sflag:s8] =	ssyncadd.s32 $0xFFFFF380  }
0x2e: {  	[tilespmem:s10], [sflag:$0x1] =	stream.indirect.gather [hbm4b:s3+s9], $0x10, s2, s9, $0xb8;
	[tilespmem:$0x1A900] =	vst v63  }
0x2f: {  	s17 =	sadd.s32 s16, s6;
	s16 =	smov.u32 s19  }
0x30: {  	[tilespmem:s9], [sflag:$0x3] =	stream.linear.gather [hbm4b:s17+s2], $0xC80, $0x38;
	[tilespmem:$0x1A900] =	vst v63  }
0x31: {  	_ =	swait.ge [sflag:s8], $0xC80  }
0x32: {  	[sflag:s8] =	ssyncset.done $0x0  }
0x33: {  	[sflag:s8] =	ssyncadd.s32 $0xFFFFF380  }
0x34: {  	_ =	swait.ge [sflag:s11], $0xC800  }
0x35: {  	[sflag:s11] =	ssyncset.done $0x0  }
0x36: {  	[sflag:s11] =	ssyncadd.s32 $0xFFFF3800  }
0x37: {  	[hbm4b:s15+s2] =	stream.linear.scatter [tilespmem:s10], [sflag:$0x2], $0xC800, $0x38;
	[tilespmem:$0x1A900] =	vst v63  }
0x38: {  	_ = 	snop  }
0x39: {  	[tilespmem:s12], [sflag:$0x1] =	stream.indirect.gather [hbm4b:s3+s9], $0x10, s9, s9, $0xb8;
	[tilespmem:$0x1A900] =	vst v63  }
0x3a: {  	_ =	swait.ge [sflag:s11], $0xC800  }
0x3b: {  	[sflag:s11] =	ssyncset.done $0x0  }
0x3c: {  	s17 =	sadd.s32 $0x1900, s15;
	[sflag:s11] =	ssyncadd.s32 $0xFFFF3800  }
0x3d: {  	[hbm4b:s17+s2] =	stream.linear.scatter [tilespmem:s12], [sflag:$0x2], $0xC800, $0x38;
	[tilespmem:$0x1A900] =	vst v63  }
.Ltmp0:
0x3e: {  	_ =	swait.ge [sflag:s13], $0xC800;
	(pc) =	sbr.rel @p0 .LBB2_2-.Ltmp0, $4  }
0x3f: {  	[sflag:s13] =	ssyncset.done $0x0  }
0x40: {  	[sflag:s13] =	ssyncadd.s32 $0xFFFF3800  }
0x41: {  	_ =	swait.ge [sflag:s13], $0xC800  }
0x42: {  	s15 =	sadd.s32 $0x3200, s15;
	s17 =	smov.u32 s20;
	[sflag:s13] =	ssyncset.done $0x0  }
0x43: {  	s17 =	sadd.s32 s16, s7;
	[sflag:s13] =	ssyncadd.s32 $0xFFFF3800  }
0x44: {  	[tilespmem:s2], [sflag:$0x3] =	stream.linear.gather [hbm4b:s17+s2], $0xC80, $0x38;
	[tilespmem:$0x1A900] =	vst v63  }
0x45: {  	_ =	swait.ge [sflag:s8], $0xC80  }
0x46: {  	[sflag:s8] =	ssyncset.done $0x0  }
0x47: {  	[sflag:s8] =	ssyncadd.s32 $0xFFFFF380  }
0x48: {  	[tilespmem:s10], [sflag:$0x1] =	stream.indirect.gather [hbm4b:s3+s9], $0x10, s2, s9, $0xb8;
	[tilespmem:$0x1A900] =	vst v63  }
0x49: {  	s30 =	sadd.s32 s16, s6  }
0x4a: {  	[tilespmem:s9], [sflag:$0x3] =	stream.linear.gather [hbm4b:s30+s2], $0xC80, $0x38;
	[tilespmem:$0x1A900] =	vst v63  }
0x4b: {  	_ =	swait.ge [sflag:s8], $0xC80  }
0x4c: {  	[sflag:s8] =	ssyncset.done $0x0  }
0x4d: {  	[sflag:s8] =	ssyncadd.s32 $0xFFFFF380  }
0x4e: {  	_ =	swait.ge [sflag:s11], $0xC800  }
0x4f: {  	[sflag:s11] =	ssyncset.done $0x0  }
0x50: {  	[sflag:s11] =	ssyncadd.s32 $0xFFFF3800  }
0x51: {  	[hbm4b:s15+s2] =	stream.linear.scatter [tilespmem:s10], [sflag:$0x2], $0xC800, $0x38;
	[tilespmem:$0x1A900] =	vst v63  }
0x52: {  	_ = 	snop  }
0x53: {  	[tilespmem:s12], [sflag:$0x1] =	stream.indirect.gather [hbm4b:s3+s9], $0x10, s9, s9, $0xb8;
	[tilespmem:$0x1A900] =	vst v63  }
0x54: {  	_ =	swait.ge [sflag:s11], $0xC800  }
0x55: {  	[sflag:s11] =	ssyncset.done $0x0  }
0x56: {  	s31 =	sadd.s32 $0x1900, s15;
	s14 =	sadd.s32 $0x1, s14;
	[sflag:s11] =	ssyncadd.s32 $0xFFFF3800  }
0x57: {  	[hbm4b:s31+s2] =	stream.linear.scatter [tilespmem:s12], [sflag:$0x2], $0xC800, $0x38;
	[tilespmem:$0x1A900] =	vst v63  }
0x58: {  	p0 =	sne.s32 s14, s4;
	_ =	swait.ge [sflag:s13], $0xC800  }
.Ltmp1:
0x59: {  	[sflag:s13] =	ssyncset.done $0x0;
	(pc) =	sbr.rel @p0 .LBB2_1-.Ltmp1, $4  }
0x5a: {  	[sflag:s13] =	ssyncadd.s32 $0xFFFF3800  }
0x5b: {  	_ =	swait.ge [sflag:s13], $0xC800  }
0x5c: {  	[sflag:s13] =	ssyncset.done $0x0  }
0x5d: {  	[sflag:s13] =	ssyncadd.s32 $0xFFFF3800  }
0x5e: {  	_ =	sfence.sel $0x180000  }
0x5f: {  	[bflag:$0x0] =	sbarrier.arrive $0xFFFF  }
0x60: {  	p0 =	sne.s32 s1, $0x0;
	_ =	strace $0x90000053  }
0x61: {  	s0 =	sadd.s32 @!p0 $0x100000, s0;
	[bflag:$0x2] =	sbarrier.arrive $0xFFFF  }
0x62: {  	[sflag:s0] =	ssyncadd.tile.s32 @!p0 $0x1;
	_ =	shalt  }
.Lfunc_end2:
_tile_overlayer_lowered:
.L_overlay_start_2:
0x63: {  	(tag) =	ssettag $0x2  }
0x64: {  	s0 =	rddreg [dreg:$0x0];
	s2 =	stileid.u32  }
0x65: {  	s1 =	rddreg [dreg:$0x1];
	p0 =	sne.s32 s2, $0x0  }
0x66: {  	s3 =	rddreg [dreg:$0x2];
	[bflag:$0x3] =	sbarrier.arrive $0xFFFF;
	s2 =	simm.s32 @!p0 $0x1C03  }
0x67: {  	[timem:s3], [sflag:s2] =	dma.local @!p0 [hbm:s0], s1  }
0x68: {  	s0 =	simm.s32 @!p0 $0x3  }
0x69: {  	_ =	swait.ge @!p0 [sflag:s0], s1  }
0x6a: {  	s1 =	ssub.s32 @!p0 $0x0, s1;
	[sflag:s0] =	ssyncset.done @!p0 $0x0  }
0x6b: {  	[sflag:s0] =	ssyncadd.s32 @!p0 s1  }
0x6c: {  	[bflag:$0x3] =	sbarrier.arrive $0xFFFF  }
0x6d: {  	_ =	shalt  }

// kernel: kernel.31.cloned.1.call-start
scs
__scs_entry_jumppad:
0x0: {  	(pc) =	sbr.rel $0x88, $3  }
0x1: {  	(tag) =	ssettag $0x0;
	lr =	simm.s32 $0x1  }
0x2: {  	[smem:$0x3F9D] =	sst lr;
	_ =	strace $0xD0000000  }
0x3: {  	_ = 	snop  }
0x4: {  	_ = 	snop  }
0x5: {  	_ = 	snop  }
0x6: {  	_ = 	snop  }
0x7: {  	_ = 	snop  }
__scs_overlays_trampoline_lowered:
0x8: {  	[smem:$0x3FAC] =	sst s0  }
0x9: {  	[smem:$0x3FAD] =	sst s1  }
0xa: {  	[smem:$0x3FAE] =	sst s2  }
0xb: {  	[smem:$0x3FAF] =	sst s3  }
0xc: {  	[smem:$0x3FB0] =	sst s4  }
0xd: {  	[smem:$0x3FB1] =	sst s5  }
0xe: {  	[smem:$0x3FB2] =	sst s6  }
0xf: {  	[smem:$0x3FB3] =	sst s7  }
0x10: {  	[smem:$0x3FB4] =	sst s8  }
0x11: {  	[smem:$0x3FB5] =	sst s9;
	s0 =	simm.s32 @!p0 $0x0  }
0x12: {  	s1 =	sld [smem:$0x3F9B];
	s0 =	simm.s32 @p0 $0x1  }
0x13: {  	[smem:$0x3FB6] =	sst s0;
	s0 =	simm.s32 @!p1 $0x0  }
0x14: {  	s2 =	sld [smem:$0x3F9A];
	s0 =	simm.s32 @p1 $0x1  }
0x15: {  	[smem:$0x3FB7] =	sst s0;
	s0 =	simm.s32 @!p2 $0x0  }
0x16: {  	s3 =	sld [smem:$0x3FDB];
	s0 =	simm.s32 @p2 $0x1  }
0x17: {  	s4 =	simm.s32 $0x1BF5;
	[smem:$0x3FB9] =	sst s0  }
0x18: {  	s0 =	sld [smem:$0x3F9C];
	_ =	swait.ge [sflag:s4], $0x0  }
0x19: {  	s7 =	sld [smem:$0x3F9D]  }
0x1a: {  	s8 =	sadd.s32 $0xFFFFE003, lr  }
0x1b: {  	s9 =	sadd.s32 $0xFFFFFEF7, lr;
	s5 =	simm.s32 $0xFFFFFFFF;
	p2 =	slt.u32 s8, $0xFFFFF086  }
0x1c: {  	p1 =	slt.u32 s9, $0xF7A;
	s5 =	simm.s32 @!p2 $0x0  }
0x1d: {  	s5 =	simm.s32 @p1 $0x1;
	p0 =	seq.s32 s7, s2  }
0x1e: {  	s7 =	smul.u32 @!p0 $0xF7A, s2;
	p2 =	seq.s32 @!p0 s5, $0x0  }
0x1f: {  	s9 =	smul.u32 $0xF7A, s1;
	s8 =	simm.s32 @!p0 $0x1BF5;
	p2 =	por !p2, p0  }
0x20: {  	[sflag:s8] =	ssyncset.s32 @!p0 $0xFFFFF086;
	s6 =	sadd.s32 @!p0 s3, s7;
	s7 =	simm.s32 @!p0 $0x108  }
0x21: {  	s3 =	sadd.s32 s3, s9;
	s6 =	sadd.s32 @!p0 $0x88, s6;
	s7 =	simm.s32 @p2 $0x1082  }
0x22: {  	[simem:s7], [sflag:s8] =	dma.local @!p0 [hbm:s6], $0xF7A  }
0x23: {  	s9 =	sor.u32 $0xD0000000, s2;
	s6 =	simm.s32 $0x108;
	_ =	swait.ge @!p0 [sflag:s8], $0x0  }
0x24: {  	s3 =	sadd.s32 $0x88, s3;
	s6 =	simm.s32 @!p1 $0x1082;
	[sflag:s4] =	ssyncset.s32 $0xFFFFF086  }
0x25: {  	[simem:s6], [sflag:s4] =	dma.local [hbm:s3], $0xF7A  }
0x26: {  	[smem:$0x3F9D] =	sst s1;
	(tag) =	ssettag s2;
	_ =	strace s9  }
0x27: {  	s1 =	sld [smem:$0x3FAD]  }
0x28: {  	s2 =	sld [smem:$0x3FAE]  }
0x29: {  	s4 =	sld [smem:$0x3FB0]  }
0x2a: {  	p0 =	seq.s32 s5, $0x0;
	s5 =	sld [smem:$0x3FB1]  }
0x2b: {  	s6 =	sld [smem:$0x3FB2]  }
0x2c: {  	s7 =	sld [smem:$0x3FB3]  }
0x2d: {  	s3 =	simm.s32 $0x108;
	s8 =	sld [smem:$0x3FB4]  }
0x2e: {  	s3 =	simm.s32 @!p0 $0x1082;
	s9 =	sld [smem:$0x3FB5]  }
0x2f: {  	lr =	sadd.s32 s0, s3;
	s0 =	sld [smem:$0x3FAC]  }
0x30: {  	s3 =	sld [smem:$0x3FAF]  }
0x31: {  	[smem:$0x3FB8] =	sst s10  }
0x32: {  	s10 =	sld [smem:$0x3FB6];
	_ =	sdelay $0x3  }
0x33: {  	p0 =	seq.s32 s10, $0x1;
	s10 =	sld [smem:$0x3FB8];
	_ =	sdelay $0x3  }
0x34: {  	[smem:$0x3FB8] =	sst s10  }
0x35: {  	s10 =	sld [smem:$0x3FB7];
	_ =	sdelay $0x3  }
0x36: {  	p1 =	seq.s32 s10, $0x1;
	s10 =	sld [smem:$0x3FB8];
	_ =	sdelay $0x3  }
0x37: {  	[smem:$0x3FB8] =	sst s10  }
0x38: {  	s10 =	sld [smem:$0x3FB9]  }
0x39: {  	_ = 	snop;
	(pc) =	sbr.ind lr, $3  }
0x3a: {  	_ = 	snop  }
0x3b: {  	_ = 	snop  }
0x3c: {  	p2 =	seq.s32 s10, $0x1;
	s10 =	sld [smem:$0x3FB8]  }
0x3d: {  	_ =	shalt  }
0x3e: {  	_ =	shalt  }
0x3f: {  	_ =	shalt  }
0x40: {  	_ =	shalt  }
0x41: {  	_ =	shalt  }
0x42: {  	_ =	shalt  }
0x43: {  	_ =	shalt  }
0x44: {  	_ =	shalt  }
0x45: {  	_ =	shalt  }
0x46: {  	_ =	shalt  }
0x47: {  	_ =	shalt  }
0x48: {  	_ =	shalt  }
0x49: {  	_ =	shalt  }
0x4a: {  	_ =	shalt  }
0x4b: {  	_ =	shalt  }
0x4c: {  	_ =	shalt  }
0x4d: {  	_ =	shalt  }
0x4e: {  	_ =	shalt  }
0x4f: {  	_ =	shalt  }
0x50: {  	_ =	shalt  }
0x51: {  	_ =	shalt  }
0x52: {  	_ =	shalt  }
0x53: {  	_ =	shalt  }
0x54: {  	_ =	shalt  }
0x55: {  	_ =	shalt  }
0x56: {  	_ =	shalt  }
0x57: {  	_ =	shalt  }
0x58: {  	_ =	shalt  }
0x59: {  	_ =	shalt  }
0x5a: {  	_ =	shalt  }
0x5b: {  	_ =	shalt  }
0x5c: {  	_ =	shalt  }
0x5d: {  	_ =	shalt  }
0x5e: {  	_ =	shalt  }
0x5f: {  	_ =	shalt  }
0x60: {  	_ =	shalt  }
0x61: {  	_ =	shalt  }
0x62: {  	_ =	shalt  }
0x63: {  	_ =	shalt  }
0x64: {  	_ =	shalt  }
0x65: {  	_ =	shalt  }
0x66: {  	_ =	shalt  }
0x67: {  	_ =	shalt  }
0x68: {  	_ =	shalt  }
0x69: {  	_ =	shalt  }
0x6a: {  	_ =	shalt  }
0x6b: {  	_ =	shalt  }
0x6c: {  	_ =	shalt  }
0x6d: {  	_ =	shalt  }
0x6e: {  	_ =	shalt  }
0x6f: {  	_ =	shalt  }
0x70: {  	_ =	shalt  }
0x71: {  	_ =	shalt  }
0x72: {  	_ =	shalt  }
0x73: {  	_ =	shalt  }
0x74: {  	_ =	shalt  }
0x75: {  	_ =	shalt  }
0x76: {  	_ =	shalt  }
0x77: {  	_ =	shalt  }
0x78: {  	_ =	shalt  }
0x79: {  	_ =	shalt  }
0x7a: {  	_ =	shalt  }
0x7b: {  	_ =	shalt  }
0x7c: {  	_ =	shalt  }
0x7d: {  	_ =	shalt  }
0x7e: {  	_ =	shalt  }
0x7f: {  	_ =	shalt  }
0x80: {  	_ =	shalt  }
0x81: {  	_ =	shalt  }
0x82: {  	_ =	shalt  }
0x83: {  	_ =	shalt  }
0x84: {  	_ =	shalt  }
0x85: {  	_ =	shalt  }
0x86: {  	_ =	shalt  }
0x87: {  	_ =	shalt  }
.Lfunc_end0:
.L_simem_size_0:
called_computation.5_lowered:
.L_overlay_start_0:
0x88: {  	s2 =	sld [smem:$0x3FD9]  }
0x89: {  	s3 =	sld [smem:$0x3FFE];
	_ =	sdelay $0x1  }
0x8a: {  	s1 =	srdreg.scid  }
0x8b: {  	s0 =	sand.u32 $0x1, s1  }
0x8c: {  	s17 =	sshll.u32 s0, $0xA;
	s2 =	sadd.s32 s3, s2  }
0x8d: {  	s2 =	sadd.s32 s2, s17  }
0x8e: {  	[smem:$0x3FC4] =	sst s2  }
0x8f: {  	_ = 	snop  }
0x90: {  	(tm) =	ssettm $0x1  }
0x91: {  	s18 =	sld [smem:$0x3FFB];
	_ =	sdelay $0x3  }
0x92: {  	_ =	strace s18  }
0x93: {  	s2 =	sld [smem:$0x3FFC];
	_ =	sdelay $0x3  }
0x94: {  	_ =	strace s2  }
0x95: {  	s2 =	sld [smem:$0x3FFD];
	_ =	sdelay $0x3  }
0x96: {  	_ =	strace s2  }
0x97: {  	_ =	strace $0x8FFFFFFF  }
0x98: {  	s19 =	sld [smem:$0x3FDB];
	_ =	sdelay $0x1  }
0x99: {  	s20 =	simm.s32 $_scs_section_size  }
0x9a: {  	s4 =	simm.s32 $_size__tile_overlayer_lowered;
	s5 =	simm.s32 $_tile_overlayer_lowered  }
0x9b: {  	s6 =	simm.s32 $0x1BFF;
	s21 =	sshll.u32 s5, $0x1;
	s3 =	sadd.s32 s20, s19  }
0x9c: {  	s22 =	simm.s32 $0x0;
	s4 =	sshll.u32 s4, $0x1;
	s5 =	sadd.s32 s21, s3  }
0x9d: {  	[timem:s22], [sflag:s6] =	dma.local [hbm:s5], s4  }
0x9e: {  	_ =	swait.ge [sflag:s6], s4  }
0x9f: {  	s4 =	ssub.s32 $0x0, s4;
	[sflag:s6] =	ssyncset.done $0x0  }
0xa0: {  	[sflag:s6] =	ssyncadd.s32 s4;
	_ =	sdelay $0x1  }
0xa1: {  	s23 =	simm.s32 $0x1B8B  }
0xa2: {  	_ =	swait.ge [sflag:s23], $0x1  }
0xa3: {  	[sflag:s23] =	ssyncset.done $0x0  }
0xa4: {  	[sflag:s23] =	ssyncadd.s32 $0xFFFFFFFF  }
0xa5: {  	s4 =	sld [smem:$0x0]  }
0xa6: {  	s5 =	sand.u32 $0xFFFFFFFE, s1  }
0xa7: {  	p0 =	sne.s32 s1, s5  }
0xa8: {  	s5 =	sshll.u32 @p0 s5, $0xE  }
0xa9: {  	s5 =	sadd.s32 @p0 $0x11B8D, s5;
	s6 =	sshll.u32 @p0 s4, $0x11  }
0xaa: {  	s5 =	sor.u32 @p0 s6, s5  }
0xab: {  	[sflag:s5] =	ssyncadd.remote.s32 @p0 $0x1;
	_ =	sdelay $0x1  }
0xac: {  	s5 =	simm.s32 @p0 $0x1B8D  }
0xad: {  	_ =	swait.eq @p0 [sflag:s5], $0x1  }
0xae: {  	[sflag:s5] =	ssyncadd.s32 @p0 $0xFFFFFFFF  }
0xaf: {  	s6 =	sshll.u32 @!p0 s1, $0xE  }
0xb0: {  	s6 =	sor.u32 @!p0 $0x4000, s6;
	s5 =	simm.s32 @!p0 $0x1B8D  }
0xb1: {  	s4 =	sshll.u32 @!p0 s4, $0x11;
	s6 =	sadd.s32 @!p0 $0x11B8D, s6;
	_ =	swait.eq @!p0 [sflag:s5], $0x1  }
0xb2: {  	s4 =	sor.u32 @!p0 s4, s6;
	[sflag:s5] =	ssyncadd.s32 @!p0 $0xFFFFFFFF  }
0xb3: {  	s25 =	simm.s32 $0x1B8E;
	s24 =	sld [smem:$0x3FFE];
	[sflag:s4] =	ssyncadd.remote.s32 @!p0 $0x1  }
0xb4: {  	s26 =	simm.s32 $execute0_lowered;
	[smem:$0x3FD2] =	sst s25  }
0xb5: {  	s5 =	sshll.u32 s26, $0x1;
	_ =	strace $0x80000055;
	[dreg:$0x1] =	wrdreg $0xFFFFFFFF  }
0xb6: {  	s28 =	simm.s32 $_size_execute0_lowered;
	s3 =	sadd.s32 s3, s5;
	[dreg:$0x0] =	wrdreg $0x0  }
0xb7: {  	s5 =	sshll.u32 s28, $0x1;
	[dreg:$0x2] =	wrdreg s3  }
0xb8: {  	[dreg:$0x3] =	wrdreg s5  }
0xb9: {  	[dreg:$0x4] =	wrdreg $0xC0  }
0xba: {  	_ =	task [dreg:s22], $0x5FFFF  }
0xbb: {  	[dreg:$0x1] =	wrdreg $0xFFFFFFFF  }
0xbc: {  	[dreg:$0x0] =	wrdreg $0x60  }
0xbd: {  	[dreg:$0x2] =	wrdreg s24  }
0xbe: {  	[dreg:$0x3] =	wrdreg $0xD  }
0xbf: {  	_ =	task.clear_ibuf [dreg:s22], $0x4FFFF;
	_ =	strace $0x90000055  }
0xc0: {  	s29 =	simm.s32 $0xD;
	_ =	strace $0x80000057  }
0xc1: {  	_ =	swait.ge [sflag:s29], $0x1  }
0xc2: {  	[sflag:s29] =	ssyncadd.s32 $0xFFFFFFFF  }
0xc3: {  	_ =	strace $0x90000057  }
0xc4: {  	_ =	sfence  }
0xc5: {  	s30 =	sld [smem:$0x0];
	_ =	sdelay $0x2  }
0xc6: {  	s31 =	sshll.u32 s1, $0xD;
	s1 =	sshrl.u32 s1, $0x2  }
0xc7: {  	s4 =	sand.u32 $0x4000, s31;
	s1 =	sadd.s32 s1, s30  }
0xc8: {  	s0 =	sor.u32 s4, s0;
	s1 =	sshll.u32 s1, $0x11  }
0xc9: {  	s0 =	sor.u32 s1, s0  }
0xca: {  	s0 =	sadd.s32 $0x8F2B, s0  }
0xcb: {  	[sflag:s0] =	ssyncadd.remote.s32 $0x1  }
0xcc: {  	_ =	sfence.sel $0xFFFF  }
0xcd: {  	[dreg:$0x0] =	wrdreg $0xFFFFFFFF;
	(pc) =	sbr.abs _section_cstart, $3  }
0xce: {  	[dreg:$0x1] =	wrdreg $0xFFFFFFFF  }
0xcf: {  	_ =	task.clear_ibuf [dreg:s22], $0x2FFFF;
	_ =	strace $0x9FFFFFFF  }
0xd0: {  	(tm) =	ssettm $0x7FFFFFFF  }
0xd1: {  	_ =	shalt  }
tec
execute0_lowered:
.L_overlay_start_1:
0x0: {  	(tag) =	ssettag $0x1  }
0x1: {  	s4 =	rddreg [dreg:$0x0]  }
0x2: {  	s0 =	rddreg [dreg:$0x1]  }
0x3: {  	s2 =	simm.s32 $0x0;
	s1 =	stileid.u32;
	s3 =	srdreg.scid  }
0x4: {  	s12 =	simm.s32 $0xE100;
	s13 =	simm.s32 $0x2;
	s5 =	smul.u32 $0x19000, s1  }
0x5: {  	s14 =	simm.s32 $0x0;
	s6 =	sand.u32 $0x1, s3;
	s8 =	smul.u32 $0xC800, s1  }
0x6: {  	[smem:$0x7FF] =	sst s2;
	s9 =	sadd.s32 $0xD2800, s4;
	s11 =	smul.u32 $0x6400, s6  }
0x7: {  	s3 =	sadd.s32 $0x19A800, s4;
	s7 =	ssub.s32 $0x2, s6;
	s6 =	smul.u32 $0xC800, s6  }
0x8: {  	_ =	strace $0x80000056;
	s10 =	sshrl.u32 s7, $0x1;
	s5 =	sadd.s32 s5, s4  }
0x9: {  	s7 =	ssub.s32 s7, s10;
	s30 =	sadd.s32 s11, s8;
	s5 =	sadd.s32 s6, s5  }
0xa: {  	s8 =	simm.s32 $0x3;
	s10 =	simm.s32 $0x1900;
	s11 =	simm.s32 $0x1  }
0xb: {  	s4 =	smax.u32 s7, $0x1;
	s31 =	sadd.s32 $0x320C80, s30;
	s7 =	sadd.s32 $0x320000, s30  }
0xc: {  	s5 =	sadd.s32 $0x140F800, s5;
	s6 =	sshrl.u32 s31, $0x3;
	s7 =	sshrl.u32 s7, $0x3  }
0xd: {  	s6 =	sadd.s32 s6, s9;
	s7 =	sadd.s32 s7, s9;
	s9 =	simm.s32 $0xC80  }
.LBB2_1:
0xe: {  	s15 =	sadd.s32 $0x0, s7  }
0xf: {  	[tilespmem:s2], [sflag:$0x3] =	stream.linear.gather [hbm4b:s15+s2], $0xC80, $0x38;
	[tilespmem:$0x1A900] =	vst v63  }
0x10: {  	_ =	swait.ge [sflag:s8], $0xC80  }
0x11: {  	[sflag:s8] =	ssyncset.done $0x0  }
0x12: {  	[sflag:s8] =	ssyncadd.s32 $0xFFFFF380  }
0x13: {  	[tilespmem:s10], [sflag:$0x1] =	stream.indirect.gather [hbm4b:s3+s9], $0x10, s2, s9, $0xb8;
	[tilespmem:$0x1A900] =	vst v63  }
0x14: {  	s30 =	sadd.s32 $0x0, s6  }
0x15: {  	[tilespmem:s9], [sflag:$0x3] =	stream.linear.gather [hbm4b:s30+s2], $0xC80, $0x38;
	[tilespmem:$0x1A900] =	vst v63  }
0x16: {  	_ =	swait.ge [sflag:s8], $0xC80  }
0x17: {  	[sflag:s8] =	ssyncset.done $0x0  }
0x18: {  	[sflag:s8] =	ssyncadd.s32 $0xFFFFF380  }
0x19: {  	_ =	swait.ge [sflag:s11], $0xC800  }
0x1a: {  	[sflag:s11] =	ssyncset.done $0x0  }
0x1b: {  	[sflag:s11] =	ssyncadd.s32 $0xFFFF3800  }
0x1c: {  	[hbm4b:s5+s2] =	stream.linear.scatter [tilespmem:s10], [sflag:$0x2], $0xC800, $0x38;
	[tilespmem:$0x1A900] =	vst v63  }
0x1d: {  	_ = 	snop  }
0x1e: {  	[tilespmem:s12], [sflag:$0x1] =	stream.indirect.gather [hbm4b:s3+s9], $0x10, s9, s9, $0xb8;
	[tilespmem:$0x1A900] =	vst v63  }
0x1f: {  	_ =	swait.ge [sflag:s11], $0xC800  }
0x20: {  	[sflag:s11] =	ssyncset.done $0x0  }
0x21: {  	s31 =	sadd.s32 $0x1900, s5;
	[sflag:s11] =	ssyncadd.s32 $0xFFFF3800  }
0x22: {  	[hbm4b:s31+s2] =	stream.linear.scatter [tilespmem:s12], [sflag:$0x2], $0xC800, $0x38;
	[tilespmem:$0x1A900] =	vst v63  }
0x23: {  	_ =	swait.ge [sflag:s13], $0xC800  }
0x24: {  	[sflag:s13] =	ssyncset.done $0x0  }
0x25: {  	[sflag:s13] =	ssyncadd.s32 $0xFFFF3800  }
0x26: {  	s16 =	simm.s32 $0x320;
	_ =	swait.ge [sflag:s13], $0xC800  }
0x27: {  	s17 =	simm.s32 $0x640;
	s15 =	sadd.s32 $0x3200, s5;
	[sflag:s13] =	ssyncset.done $0x0  }
.LBB2_2:
0x28: {  	s18 =	sadd.s32 s16, s7  }
0x29: {  	[sflag:s13] =	ssyncadd.s32 $0xFFFF3800;
	s19 =	smov.u32 s17;
	s20 =	sadd.s32 $0x320, s17  }
0x2a: {  	[tilespmem:s2], [sflag:$0x3] =	stream.linear.gather [hbm4b:s18+s2], $0xC80, $0x38;
	[tilespmem:$0x1A900] =	vst v63  }
0x2b: {  	p0 =	sne.s32 s17, $0x960;
	_ =	swait.ge [sflag:s8], $0xC80  }
0x2c: {  	[sflag:s8] =	ssyncset.done $0x0  }
0x2d: {  	[sflag:s8] =	ssyncadd.s32 $0xFFFFF380  }
0x2e: {  	[tilespmem:s10], [sflag:$0x1] =	stream.indirect.gather [hbm4b:s3+s9], $0x10, s2, s9, $0xb8;
	[tilespmem:$0x1A900] =	vst v63  }
0x2f: {  	s17 =	sadd.s32 s16, s6;
	s16 =	smov.u32 s19  }
0x30: {  	[tilespmem:s9], [sflag:$0x3] =	stream.linear.gather [hbm4b:s17+s2], $0xC80, $0x38;
	[tilespmem:$0x1A900] =	vst v63  }
0x31: {  	_ =	swait.ge [sflag:s8], $0xC80  }
0x32: {  	[sflag:s8] =	ssyncset.done $0x0  }
0x33: {  	[sflag:s8] =	ssyncadd.s32 $0xFFFFF380  }
0x34: {  	_ =	swait.ge [sflag:s11], $0xC800  }
0x35: {  	[sflag:s11] =	ssyncset.done $0x0  }
0x36: {  	[sflag:s11] =	ssyncadd.s32 $0xFFFF3800  }
0x37: {  	[hbm4b:s15+s2] =	stream.linear.scatter [tilespmem:s10], [sflag:$0x2], $0xC800, $0x38;
	[tilespmem:$0x1A900] =	vst v63  }
0x38: {  	_ = 	snop  }
0x39: {  	[tilespmem:s12], [sflag:$0x1] =	stream.indirect.gather [hbm4b:s3+s9], $0x10, s9, s9, $0xb8;
	[tilespmem:$0x1A900] =	vst v63  }
0x3a: {  	_ =	swait.ge [sflag:s11], $0xC800  }
0x3b: {  	[sflag:s11] =	ssyncset.done $0x0  }
0x3c: {  	s17 =	sadd.s32 $0x1900, s15;
	[sflag:s11] =	ssyncadd.s32 $0xFFFF3800  }
0x3d: {  	[hbm4b:s17+s2] =	stream.linear.scatter [tilespmem:s12], [sflag:$0x2], $0xC800, $0x38;
	[tilespmem:$0x1A900] =	vst v63  }
.Ltmp0:
0x3e: {  	_ =	swait.ge [sflag:s13], $0xC800;
	(pc) =	sbr.rel @p0 .LBB2_2-.Ltmp0, $4  }
0x3f: {  	[sflag:s13] =	ssyncset.done $0x0  }
0x40: {  	[sflag:s13] =	ssyncadd.s32 $0xFFFF3800  }
0x41: {  	_ =	swait.ge [sflag:s13], $0xC800  }
0x42: {  	s15 =	sadd.s32 $0x3200, s15;
	s17 =	smov.u32 s20;
	[sflag:s13] =	ssyncset.done $0x0  }
0x43: {  	s17 =	sadd.s32 s16, s7;
	[sflag:s13] =	ssyncadd.s32 $0xFFFF3800  }
0x44: {  	[tilespmem:s2], [sflag:$0x3] =	stream.linear.gather [hbm4b:s17+s2], $0xC80, $0x38;
	[tilespmem:$0x1A900] =	vst v63  }
0x45: {  	_ =	swait.ge [sflag:s8], $0xC80  }
0x46: {  	[sflag:s8] =	ssyncset.done $0x0  }
0x47: {  	[sflag:s8] =	ssyncadd.s32 $0xFFFFF380  }
0x48: {  	[tilespmem:s10], [sflag:$0x1] =	stream.indirect.gather [hbm4b:s3+s9], $0x10, s2, s9, $0xb8;
	[tilespmem:$0x1A900] =	vst v63  }
0x49: {  	s30 =	sadd.s32 s16, s6  }
0x4a: {  	[tilespmem:s9], [sflag:$0x3] =	stream.linear.gather [hbm4b:s30+s2], $0xC80, $0x38;
	[tilespmem:$0x1A900] =	vst v63  }
0x4b: {  	_ =	swait.ge [sflag:s8], $0xC80  }
0x4c: {  	[sflag:s8] =	ssyncset.done $0x0  }
0x4d: {  	[sflag:s8] =	ssyncadd.s32 $0xFFFFF380  }
0x4e: {  	_ =	swait.ge [sflag:s11], $0xC800  }
0x4f: {  	[sflag:s11] =	ssyncset.done $0x0  }
0x50: {  	[sflag:s11] =	ssyncadd.s32 $0xFFFF3800  }
0x51: {  	[hbm4b:s15+s2] =	stream.linear.scatter [tilespmem:s10], [sflag:$0x2], $0xC800, $0x38;
	[tilespmem:$0x1A900] =	vst v63  }
0x52: {  	_ = 	snop  }
0x53: {  	[tilespmem:s12], [sflag:$0x1] =	stream.indirect.gather [hbm4b:s3+s9], $0x10, s9, s9, $0xb8;
	[tilespmem:$0x1A900] =	vst v63  }
0x54: {  	_ =	swait.ge [sflag:s11], $0xC800  }
0x55: {  	[sflag:s11] =	ssyncset.done $0x0  }
0x56: {  	s31 =	sadd.s32 $0x1900, s15;
	s14 =	sadd.s32 $0x1, s14;
	[sflag:s11] =	ssyncadd.s32 $0xFFFF3800  }
0x57: {  	[hbm4b:s31+s2] =	stream.linear.scatter [tilespmem:s12], [sflag:$0x2], $0xC800, $0x38;
	[tilespmem:$0x1A900] =	vst v63  }
0x58: {  	p0 =	sne.s32 s14, s4;
	_ =	swait.ge [sflag:s13], $0xC800  }
.Ltmp1:
0x59: {  	[sflag:s13] =	ssyncset.done $0x0;
	(pc) =	sbr.rel @p0 .LBB2_1-.Ltmp1, $4  }
0x5a: {  	[sflag:s13] =	ssyncadd.s32 $0xFFFF3800  }
0x5b: {  	_ =	swait.ge [sflag:s13], $0xC800  }
0x5c: {  	[sflag:s13] =	ssyncset.done $0x0  }
0x5d: {  	[sflag:s13] =	ssyncadd.s32 $0xFFFF3800  }
0x5e: {  	_ =	sfence.sel $0x180000  }
0x5f: {  	[bflag:$0x0] =	sbarrier.arrive $0xFFFF  }
0x60: {  	p0 =	sne.s32 s1, $0x0;
	_ =	strace $0x90000056  }
0x61: {  	s0 =	sadd.s32 @!p0 $0x100000, s0;
	[bflag:$0x2] =	sbarrier.arrive $0xFFFF  }
0x62: {  	[sflag:s0] =	ssyncadd.tile.s32 @!p0 $0x1;
	_ =	shalt  }
.Lfunc_end2:
_tile_overlayer_lowered:
.L_overlay_start_2:
0x63: {  	(tag) =	ssettag $0x2  }
0x64: {  	s0 =	rddreg [dreg:$0x0];
	s2 =	stileid.u32  }
0x65: {  	s1 =	rddreg [dreg:$0x1];
	p0 =	sne.s32 s2, $0x0  }
0x66: {  	s3 =	rddreg [dreg:$0x2];
	[bflag:$0x3] =	sbarrier.arrive $0xFFFF;
	s2 =	simm.s32 @!p0 $0x1C03  }
0x67: {  	[timem:s3], [sflag:s2] =	dma.local @!p0 [hbm:s0], s1  }
0x68: {  	s0 =	simm.s32 @!p0 $0x3  }
0x69: {  	_ =	swait.ge @!p0 [sflag:s0], s1  }
0x6a: {  	s1 =	ssub.s32 @!p0 $0x0, s1;
	[sflag:s0] =	ssyncset.done @!p0 $0x0  }
0x6b: {  	[sflag:s0] =	ssyncadd.s32 @!p0 s1  }
0x6c: {  	[bflag:$0x3] =	sbarrier.arrive $0xFFFF  }
0x6d: {  	_ =	shalt  }

// kernel: kernel.34.cloned.1.call-start
scs
__scs_entry_jumppad:
0x0: {  	(pc) =	sbr.rel $0x88, $3  }
0x1: {  	(tag) =	ssettag $0x0;
	lr =	simm.s32 $0x1  }
0x2: {  	[smem:$0x3F9D] =	sst lr;
	_ =	strace $0xD0000000  }
0x3: {  	_ = 	snop  }
0x4: {  	_ = 	snop  }
0x5: {  	_ = 	snop  }
0x6: {  	_ = 	snop  }
0x7: {  	_ = 	snop  }
__scs_overlays_trampoline_lowered:
0x8: {  	[smem:$0x3FAC] =	sst s0  }
0x9: {  	[smem:$0x3FAD] =	sst s1  }
0xa: {  	[smem:$0x3FAE] =	sst s2  }
0xb: {  	[smem:$0x3FAF] =	sst s3  }
0xc: {  	[smem:$0x3FB0] =	sst s4  }
0xd: {  	[smem:$0x3FB1] =	sst s5  }
0xe: {  	[smem:$0x3FB2] =	sst s6  }
0xf: {  	[smem:$0x3FB3] =	sst s7  }
0x10: {  	[smem:$0x3FB4] =	sst s8  }
0x11: {  	[smem:$0x3FB5] =	sst s9;
	s0 =	simm.s32 @!p0 $0x0  }
0x12: {  	s1 =	sld [smem:$0x3F9B];
	s0 =	simm.s32 @p0 $0x1  }
0x13: {  	[smem:$0x3FB6] =	sst s0;
	s0 =	simm.s32 @!p1 $0x0  }
0x14: {  	s2 =	sld [smem:$0x3F9A];
	s0 =	simm.s32 @p1 $0x1  }
0x15: {  	[smem:$0x3FB7] =	sst s0;
	s0 =	simm.s32 @!p2 $0x0  }
0x16: {  	s3 =	sld [smem:$0x3FDB];
	s0 =	simm.s32 @p2 $0x1  }
0x17: {  	s4 =	simm.s32 $0x1BF5;
	[smem:$0x3FB9] =	sst s0  }
0x18: {  	s0 =	sld [smem:$0x3F9C];
	_ =	swait.ge [sflag:s4], $0x0  }
0x19: {  	s7 =	sld [smem:$0x3F9D]  }
0x1a: {  	s8 =	sadd.s32 $0xFFFFE003, lr  }
0x1b: {  	s9 =	sadd.s32 $0xFFFFFEF7, lr;
	s5 =	simm.s32 $0xFFFFFFFF;
	p2 =	slt.u32 s8, $0xFFFFF086  }
0x1c: {  	p1 =	slt.u32 s9, $0xF7A;
	s5 =	simm.s32 @!p2 $0x0  }
0x1d: {  	s5 =	simm.s32 @p1 $0x1;
	p0 =	seq.s32 s7, s2  }
0x1e: {  	s7 =	smul.u32 @!p0 $0xF7A, s2;
	p2 =	seq.s32 @!p0 s5, $0x0  }
0x1f: {  	s9 =	smul.u32 $0xF7A, s1;
	s8 =	simm.s32 @!p0 $0x1BF5;
	p2 =	por !p2, p0  }
0x20: {  	[sflag:s8] =	ssyncset.s32 @!p0 $0xFFFFF086;
	s6 =	sadd.s32 @!p0 s3, s7;
	s7 =	simm.s32 @!p0 $0x108  }
0x21: {  	s3 =	sadd.s32 s3, s9;
	s6 =	sadd.s32 @!p0 $0x88, s6;
	s7 =	simm.s32 @p2 $0x1082  }
0x22: {  	[simem:s7], [sflag:s8] =	dma.local @!p0 [hbm:s6], $0xF7A  }
0x23: {  	s9 =	sor.u32 $0xD0000000, s2;
	s6 =	simm.s32 $0x108;
	_ =	swait.ge @!p0 [sflag:s8], $0x0  }
0x24: {  	s3 =	sadd.s32 $0x88, s3;
	s6 =	simm.s32 @!p1 $0x1082;
	[sflag:s4] =	ssyncset.s32 $0xFFFFF086  }
0x25: {  	[simem:s6], [sflag:s4] =	dma.local [hbm:s3], $0xF7A  }
0x26: {  	[smem:$0x3F9D] =	sst s1;
	(tag) =	ssettag s2;
	_ =	strace s9  }
0x27: {  	s1 =	sld [smem:$0x3FAD]  }
0x28: {  	s2 =	sld [smem:$0x3FAE]  }
0x29: {  	s4 =	sld [smem:$0x3FB0]  }
0x2a: {  	p0 =	seq.s32 s5, $0x0;
	s5 =	sld [smem:$0x3FB1]  }
0x2b: {  	s6 =	sld [smem:$0x3FB2]  }
0x2c: {  	s7 =	sld [smem:$0x3FB3]  }
0x2d: {  	s3 =	simm.s32 $0x108;
	s8 =	sld [smem:$0x3FB4]  }
0x2e: {  	s3 =	simm.s32 @!p0 $0x1082;
	s9 =	sld [smem:$0x3FB5]  }
0x2f: {  	lr =	sadd.s32 s0, s3;
	s0 =	sld [smem:$0x3FAC]  }
0x30: {  	s3 =	sld [smem:$0x3FAF]  }
0x31: {  	[smem:$0x3FB8] =	sst s10  }
0x32: {  	s10 =	sld [smem:$0x3FB6];
	_ =	sdelay $0x3  }
0x33: {  	p0 =	seq.s32 s10, $0x1;
	s10 =	sld [smem:$0x3FB8];
	_ =	sdelay $0x3  }
0x34: {  	[smem:$0x3FB8] =	sst s10  }
0x35: {  	s10 =	sld [smem:$0x3FB7];
	_ =	sdelay $0x3  }
0x36: {  	p1 =	seq.s32 s10, $0x1;
	s10 =	sld [smem:$0x3FB8];
	_ =	sdelay $0x3  }
0x37: {  	[smem:$0x3FB8] =	sst s10  }
0x38: {  	s10 =	sld [smem:$0x3FB9]  }
0x39: {  	_ = 	snop;
	(pc) =	sbr.ind lr, $3  }
0x3a: {  	_ = 	snop  }
0x3b: {  	_ = 	snop  }
0x3c: {  	p2 =	seq.s32 s10, $0x1;
	s10 =	sld [smem:$0x3FB8]  }
0x3d: {  	_ =	shalt  }
0x3e: {  	_ =	shalt  }
0x3f: {  	_ =	shalt  }
0x40: {  	_ =	shalt  }
0x41: {  	_ =	shalt  }
0x42: {  	_ =	shalt  }
0x43: {  	_ =	shalt  }
0x44: {  	_ =	shalt  }
0x45: {  	_ =	shalt  }
0x46: {  	_ =	shalt  }
0x47: {  	_ =	shalt  }
0x48: {  	_ =	shalt  }
0x49: {  	_ =	shalt  }
0x4a: {  	_ =	shalt  }
0x4b: {  	_ =	shalt  }
0x4c: {  	_ =	shalt  }
0x4d: {  	_ =	shalt  }
0x4e: {  	_ =	shalt  }
0x4f: {  	_ =	shalt  }
0x50: {  	_ =	shalt  }
0x51: {  	_ =	shalt  }
0x52: {  	_ =	shalt  }
0x53: {  	_ =	shalt  }
0x54: {  	_ =	shalt  }
0x55: {  	_ =	shalt  }
0x56: {  	_ =	shalt  }
0x57: {  	_ =	shalt  }
0x58: {  	_ =	shalt  }
0x59: {  	_ =	shalt  }
0x5a: {  	_ =	shalt  }
0x5b: {  	_ =	shalt  }
0x5c: {  	_ =	shalt  }
0x5d: {  	_ =	shalt  }
0x5e: {  	_ =	shalt  }
0x5f: {  	_ =	shalt  }
0x60: {  	_ =	shalt  }
0x61: {  	_ =	shalt  }
0x62: {  	_ =	shalt  }
0x63: {  	_ =	shalt  }
0x64: {  	_ =	shalt  }
0x65: {  	_ =	shalt  }
0x66: {  	_ =	shalt  }
0x67: {  	_ =	shalt  }
0x68: {  	_ =	shalt  }
0x69: {  	_ =	shalt  }
0x6a: {  	_ =	shalt  }
0x6b: {  	_ =	shalt  }
0x6c: {  	_ =	shalt  }
0x6d: {  	_ =	shalt  }
0x6e: {  	_ =	shalt  }
0x6f: {  	_ =	shalt  }
0x70: {  	_ =	shalt  }
0x71: {  	_ =	shalt  }
0x72: {  	_ =	shalt  }
0x73: {  	_ =	shalt  }
0x74: {  	_ =	shalt  }
0x75: {  	_ =	shalt  }
0x76: {  	_ =	shalt  }
0x77: {  	_ =	shalt  }
0x78: {  	_ =	shalt  }
0x79: {  	_ =	shalt  }
0x7a: {  	_ =	shalt  }
0x7b: {  	_ =	shalt  }
0x7c: {  	_ =	shalt  }
0x7d: {  	_ =	shalt  }
0x7e: {  	_ =	shalt  }
0x7f: {  	_ =	shalt  }
0x80: {  	_ =	shalt  }
0x81: {  	_ =	shalt  }
0x82: {  	_ =	shalt  }
0x83: {  	_ =	shalt  }
0x84: {  	_ =	shalt  }
0x85: {  	_ =	shalt  }
0x86: {  	_ =	shalt  }
0x87: {  	_ =	shalt  }
.Lfunc_end0:
.L_simem_size_0:
called_computation.6_lowered:
.L_overlay_start_0:
0x88: {  	s2 =	sld [smem:$0x3FD9]  }
0x89: {  	s3 =	sld [smem:$0x3FFE];
	_ =	sdelay $0x1  }
0x8a: {  	s1 =	srdreg.scid  }
0x8b: {  	s0 =	sand.u32 $0x1, s1  }
0x8c: {  	s17 =	sshll.u32 s0, $0xA;
	s2 =	sadd.s32 s3, s2  }
0x8d: {  	s2 =	sadd.s32 s2, s17  }
0x8e: {  	[smem:$0x3FC4] =	sst s2  }
0x8f: {  	_ = 	snop  }
0x90: {  	(tm) =	ssettm $0x1  }
0x91: {  	s18 =	sld [smem:$0x3FFB];
	_ =	sdelay $0x3  }
0x92: {  	_ =	strace s18  }
0x93: {  	s2 =	sld [smem:$0x3FFC];
	_ =	sdelay $0x3  }
0x94: {  	_ =	strace s2  }
0x95: {  	s2 =	sld [smem:$0x3FFD];
	_ =	sdelay $0x3  }
0x96: {  	_ =	strace s2  }
0x97: {  	_ =	strace $0x8FFFFFFF  }
0x98: {  	s19 =	sld [smem:$0x3FDB];
	_ =	sdelay $0x1  }
0x99: {  	s20 =	simm.s32 $_scs_section_size  }
0x9a: {  	s4 =	simm.s32 $_size__tile_overlayer_lowered;
	s5 =	simm.s32 $_tile_overlayer_lowered  }
0x9b: {  	s6 =	simm.s32 $0x1BFF;
	s21 =	sshll.u32 s5, $0x1;
	s3 =	sadd.s32 s20, s19  }
0x9c: {  	s22 =	simm.s32 $0x0;
	s4 =	sshll.u32 s4, $0x1;
	s5 =	sadd.s32 s21, s3  }
0x9d: {  	[timem:s22], [sflag:s6] =	dma.local [hbm:s5], s4  }
0x9e: {  	_ =	swait.ge [sflag:s6], s4  }
0x9f: {  	s4 =	ssub.s32 $0x0, s4;
	[sflag:s6] =	ssyncset.done $0x0  }
0xa0: {  	[sflag:s6] =	ssyncadd.s32 s4;
	_ =	sdelay $0x1  }
0xa1: {  	s23 =	simm.s32 $0x1B8B  }
0xa2: {  	_ =	swait.ge [sflag:s23], $0x1  }
0xa3: {  	[sflag:s23] =	ssyncset.done $0x0  }
0xa4: {  	[sflag:s23] =	ssyncadd.s32 $0xFFFFFFFF  }
0xa5: {  	s4 =	sld [smem:$0x0]  }
0xa6: {  	s5 =	sand.u32 $0xFFFFFFFE, s1  }
0xa7: {  	p0 =	sne.s32 s1, s5  }
0xa8: {  	s5 =	sshll.u32 @p0 s5, $0xE  }
0xa9: {  	s5 =	sadd.s32 @p0 $0x11B8D, s5;
	s6 =	sshll.u32 @p0 s4, $0x11  }
0xaa: {  	s5 =	sor.u32 @p0 s6, s5  }
0xab: {  	[sflag:s5] =	ssyncadd.remote.s32 @p0 $0x1;
	_ =	sdelay $0x1  }
0xac: {  	s5 =	simm.s32 @p0 $0x1B8D  }
0xad: {  	_ =	swait.eq @p0 [sflag:s5], $0x1  }
0xae: {  	[sflag:s5] =	ssyncadd.s32 @p0 $0xFFFFFFFF  }
0xaf: {  	s6 =	sshll.u32 @!p0 s1, $0xE  }
0xb0: {  	s6 =	sor.u32 @!p0 $0x4000, s6;
	s5 =	simm.s32 @!p0 $0x1B8D  }
0xb1: {  	s4 =	sshll.u32 @!p0 s4, $0x11;
	s6 =	sadd.s32 @!p0 $0x11B8D, s6;
	_ =	swait.eq @!p0 [sflag:s5], $0x1  }
0xb2: {  	s4 =	sor.u32 @!p0 s4, s6;
	[sflag:s5] =	ssyncadd.s32 @!p0 $0xFFFFFFFF  }
0xb3: {  	s25 =	simm.s32 $0x1B8E;
	s24 =	sld [smem:$0x3FFE];
	[sflag:s4] =	ssyncadd.remote.s32 @!p0 $0x1  }
0xb4: {  	s26 =	simm.s32 $execute0_lowered;
	[smem:$0x3FD2] =	sst s25  }
0xb5: {  	s5 =	sshll.u32 s26, $0x1;
	_ =	strace $0x80000058;
	[dreg:$0x1] =	wrdreg $0xFFFFFFFF  }
0xb6: {  	s28 =	simm.s32 $_size_execute0_lowered;
	s3 =	sadd.s32 s3, s5;
	[dreg:$0x0] =	wrdreg $0x0  }
0xb7: {  	s5 =	sshll.u32 s28, $0x1;
	[dreg:$0x2] =	wrdreg s3  }
0xb8: {  	[dreg:$0x3] =	wrdreg s5  }
0xb9: {  	[dreg:$0x4] =	wrdreg $0xC0  }
0xba: {  	_ =	task [dreg:s22], $0x5FFFF  }
0xbb: {  	[dreg:$0x1] =	wrdreg $0xFFFFFFFF  }
0xbc: {  	[dreg:$0x0] =	wrdreg $0x60  }
0xbd: {  	[dreg:$0x2] =	wrdreg s24  }
0xbe: {  	[dreg:$0x3] =	wrdreg $0xE  }
0xbf: {  	_ =	task.clear_ibuf [dreg:s22], $0x4FFFF;
	_ =	strace $0x90000058  }
0xc0: {  	s29 =	simm.s32 $0xE;
	_ =	strace $0x8000005A  }
0xc1: {  	_ =	swait.ge [sflag:s29], $0x1  }
0xc2: {  	[sflag:s29] =	ssyncadd.s32 $0xFFFFFFFF  }
0xc3: {  	_ =	strace $0x9000005A  }
0xc4: {  	_ =	sfence  }
0xc5: {  	s30 =	sld [smem:$0x0];
	_ =	sdelay $0x2  }
0xc6: {  	s31 =	sshll.u32 s1, $0xD;
	s1 =	sshrl.u32 s1, $0x2  }
0xc7: {  	s4 =	sand.u32 $0x4000, s31;
	s1 =	sadd.s32 s1, s30  }
0xc8: {  	s0 =	sor.u32 s4, s0;
	s1 =	sshll.u32 s1, $0x11  }
0xc9: {  	s0 =	sor.u32 s1, s0  }
0xca: {  	s0 =	sadd.s32 $0x8F2B, s0  }
0xcb: {  	[sflag:s0] =	ssyncadd.remote.s32 $0x1  }
0xcc: {  	_ =	sfence.sel $0xFFFF  }
0xcd: {  	[dreg:$0x0] =	wrdreg $0xFFFFFFFF;
	(pc) =	sbr.abs _section_cstart, $3  }
0xce: {  	[dreg:$0x1] =	wrdreg $0xFFFFFFFF  }
0xcf: {  	_ =	task.clear_ibuf [dreg:s22], $0x2FFFF;
	_ =	strace $0x9FFFFFFF  }
0xd0: {  	(tm) =	ssettm $0x7FFFFFFF  }
0xd1: {  	_ =	shalt  }
tec
execute0_lowered:
.L_overlay_start_1:
0x0: {  	(tag) =	ssettag $0x1  }
0x1: {  	s4 =	rddreg [dreg:$0x0]  }
0x2: {  	s0 =	rddreg [dreg:$0x1]  }
0x3: {  	s2 =	simm.s32 $0x0;
	s1 =	stileid.u32;
	s3 =	srdreg.scid  }
0x4: {  	s12 =	simm.s32 $0xE100;
	s13 =	simm.s32 $0x2;
	s5 =	smul.u32 $0x19000, s1  }
0x5: {  	s14 =	simm.s32 $0x0;
	s6 =	sand.u32 $0x1, s3;
	s8 =	smul.u32 $0xC800, s1  }
0x6: {  	[smem:$0x7FF] =	sst s2;
	s9 =	sadd.s32 $0xD2800, s4;
	s11 =	smul.u32 $0x6400, s6  }
0x7: {  	s3 =	sadd.s32 $0x19A800, s4;
	s7 =	ssub.s32 $0x2, s6;
	s6 =	smul.u32 $0xC800, s6  }
0x8: {  	_ =	strace $0x80000059;
	s10 =	sshrl.u32 s7, $0x1;
	s5 =	sadd.s32 s5, s4  }
0x9: {  	s7 =	ssub.s32 s7, s10;
	s30 =	sadd.s32 s11, s8;
	s5 =	sadd.s32 s6, s5  }
0xa: {  	s8 =	simm.s32 $0x3;
	s10 =	simm.s32 $0x1900;
	s11 =	simm.s32 $0x1  }
0xb: {  	s4 =	smax.u32 s7, $0x1;
	s31 =	sadd.s32 $0x3E8C80, s30;
	s7 =	sadd.s32 $0x3E8000, s30  }
0xc: {  	s5 =	sadd.s32 $0x159F800, s5;
	s6 =	sshrl.u32 s31, $0x3;
	s7 =	sshrl.u32 s7, $0x3  }
0xd: {  	s6 =	sadd.s32 s6, s9;
	s7 =	sadd.s32 s7, s9;
	s9 =	simm.s32 $0xC80  }
.LBB2_1:
0xe: {  	s15 =	sadd.s32 $0x0, s7  }
0xf: {  	[tilespmem:s2], [sflag:$0x3] =	stream.linear.gather [hbm4b:s15+s2], $0xC80, $0x38;
	[tilespmem:$0x1A900] =	vst v63  }
0x10: {  	_ =	swait.ge [sflag:s8], $0xC80  }
0x11: {  	[sflag:s8] =	ssyncset.done $0x0  }
0x12: {  	[sflag:s8] =	ssyncadd.s32 $0xFFFFF380  }
0x13: {  	[tilespmem:s10], [sflag:$0x1] =	stream.indirect.gather [hbm4b:s3+s9], $0x10, s2, s9, $0xb8;
	[tilespmem:$0x1A900] =	vst v63  }
0x14: {  	s30 =	sadd.s32 $0x0, s6  }
0x15: {  	[tilespmem:s9], [sflag:$0x3] =	stream.linear.gather [hbm4b:s30+s2], $0xC80, $0x38;
	[tilespmem:$0x1A900] =	vst v63  }
0x16: {  	_ =	swait.ge [sflag:s8], $0xC80  }
0x17: {  	[sflag:s8] =	ssyncset.done $0x0  }
0x18: {  	[sflag:s8] =	ssyncadd.s32 $0xFFFFF380  }
0x19: {  	_ =	swait.ge [sflag:s11], $0xC800  }
0x1a: {  	[sflag:s11] =	ssyncset.done $0x0  }
0x1b: {  	[sflag:s11] =	ssyncadd.s32 $0xFFFF3800  }
0x1c: {  	[hbm4b:s5+s2] =	stream.linear.scatter [tilespmem:s10], [sflag:$0x2], $0xC800, $0x38;
	[tilespmem:$0x1A900] =	vst v63  }
0x1d: {  	_ = 	snop  }
0x1e: {  	[tilespmem:s12], [sflag:$0x1] =	stream.indirect.gather [hbm4b:s3+s9], $0x10, s9, s9, $0xb8;
	[tilespmem:$0x1A900] =	vst v63  }
0x1f: {  	_ =	swait.ge [sflag:s11], $0xC800  }
0x20: {  	[sflag:s11] =	ssyncset.done $0x0  }
0x21: {  	s31 =	sadd.s32 $0x1900, s5;
	[sflag:s11] =	ssyncadd.s32 $0xFFFF3800  }
0x22: {  	[hbm4b:s31+s2] =	stream.linear.scatter [tilespmem:s12], [sflag:$0x2], $0xC800, $0x38;
	[tilespmem:$0x1A900] =	vst v63  }
0x23: {  	_ =	swait.ge [sflag:s13], $0xC800  }
0x24: {  	[sflag:s13] =	ssyncset.done $0x0  }
0x25: {  	[sflag:s13] =	ssyncadd.s32 $0xFFFF3800  }
0x26: {  	s16 =	simm.s32 $0x320;
	_ =	swait.ge [sflag:s13], $0xC800  }
0x27: {  	s17 =	simm.s32 $0x640;
	s15 =	sadd.s32 $0x3200, s5;
	[sflag:s13] =	ssyncset.done $0x0  }
.LBB2_2:
0x28: {  	s18 =	sadd.s32 s16, s7  }
0x29: {  	[sflag:s13] =	ssyncadd.s32 $0xFFFF3800;
	s19 =	smov.u32 s17;
	s20 =	sadd.s32 $0x320, s17  }
0x2a: {  	[tilespmem:s2], [sflag:$0x3] =	stream.linear.gather [hbm4b:s18+s2], $0xC80, $0x38;
	[tilespmem:$0x1A900] =	vst v63  }
0x2b: {  	p0 =	sne.s32 s17, $0x960;
	_ =	swait.ge [sflag:s8], $0xC80  }
0x2c: {  	[sflag:s8] =	ssyncset.done $0x0  }
0x2d: {  	[sflag:s8] =	ssyncadd.s32 $0xFFFFF380  }
0x2e: {  	[tilespmem:s10], [sflag:$0x1] =	stream.indirect.gather [hbm4b:s3+s9], $0x10, s2, s9, $0xb8;
	[tilespmem:$0x1A900] =	vst v63  }
0x2f: {  	s17 =	sadd.s32 s16, s6;
	s16 =	smov.u32 s19  }
0x30: {  	[tilespmem:s9], [sflag:$0x3] =	stream.linear.gather [hbm4b:s17+s2], $0xC80, $0x38;
	[tilespmem:$0x1A900] =	vst v63  }
0x31: {  	_ =	swait.ge [sflag:s8], $0xC80  }
0x32: {  	[sflag:s8] =	ssyncset.done $0x0  }
0x33: {  	[sflag:s8] =	ssyncadd.s32 $0xFFFFF380  }
0x34: {  	_ =	swait.ge [sflag:s11], $0xC800  }
0x35: {  	[sflag:s11] =	ssyncset.done $0x0  }
0x36: {  	[sflag:s11] =	ssyncadd.s32 $0xFFFF3800  }
0x37: {  	[hbm4b:s15+s2] =	stream.linear.scatter [tilespmem:s10], [sflag:$0x2], $0xC800, $0x38;
	[tilespmem:$0x1A900] =	vst v63  }
0x38: {  	_ = 	snop  }
0x39: {  	[tilespmem:s12], [sflag:$0x1] =	stream.indirect.gather [hbm4b:s3+s9], $0x10, s9, s9, $0xb8;
	[tilespmem:$0x1A900] =	vst v63  }
0x3a: {  	_ =	swait.ge [sflag:s11], $0xC800  }
0x3b: {  	[sflag:s11] =	ssyncset.done $0x0  }
0x3c: {  	s17 =	sadd.s32 $0x1900, s15;
	[sflag:s11] =	ssyncadd.s32 $0xFFFF3800  }
0x3d: {  	[hbm4b:s17+s2] =	stream.linear.scatter [tilespmem:s12], [sflag:$0x2], $0xC800, $0x38;
	[tilespmem:$0x1A900] =	vst v63  }
.Ltmp0:
0x3e: {  	_ =	swait.ge [sflag:s13], $0xC800;
	(pc) =	sbr.rel @p0 .LBB2_2-.Ltmp0, $4  }
0x3f: {  	[sflag:s13] =	ssyncset.done $0x0  }
0x40: {  	[sflag:s13] =	ssyncadd.s32 $0xFFFF3800  }
0x41: {  	_ =	swait.ge [sflag:s13], $0xC800  }
0x42: {  	s15 =	sadd.s32 $0x3200, s15;
	s17 =	smov.u32 s20;
	[sflag:s13] =	ssyncset.done $0x0  }
0x43: {  	s17 =	sadd.s32 s16, s7;
	[sflag:s13] =	ssyncadd.s32 $0xFFFF3800  }
0x44: {  	[tilespmem:s2], [sflag:$0x3] =	stream.linear.gather [hbm4b:s17+s2], $0xC80, $0x38;
	[tilespmem:$0x1A900] =	vst v63  }
0x45: {  	_ =	swait.ge [sflag:s8], $0xC80  }
0x46: {  	[sflag:s8] =	ssyncset.done $0x0  }
0x47: {  	[sflag:s8] =	ssyncadd.s32 $0xFFFFF380  }
0x48: {  	[tilespmem:s10], [sflag:$0x1] =	stream.indirect.gather [hbm4b:s3+s9], $0x10, s2, s9, $0xb8;
	[tilespmem:$0x1A900] =	vst v63  }
0x49: {  	s30 =	sadd.s32 s16, s6  }
0x4a: {  	[tilespmem:s9], [sflag:$0x3] =	stream.linear.gather [hbm4b:s30+s2], $0xC80, $0x38;
	[tilespmem:$0x1A900] =	vst v63  }
0x4b: {  	_ =	swait.ge [sflag:s8], $0xC80  }
0x4c: {  	[sflag:s8] =	ssyncset.done $0x0  }
0x4d: {  	[sflag:s8] =	ssyncadd.s32 $0xFFFFF380  }
0x4e: {  	_ =	swait.ge [sflag:s11], $0xC800  }
0x4f: {  	[sflag:s11] =	ssyncset.done $0x0  }
0x50: {  	[sflag:s11] =	ssyncadd.s32 $0xFFFF3800  }
0x51: {  	[hbm4b:s15+s2] =	stream.linear.scatter [tilespmem:s10], [sflag:$0x2], $0xC800, $0x38;
	[tilespmem:$0x1A900] =	vst v63  }
0x52: {  	_ = 	snop  }
0x53: {  	[tilespmem:s12], [sflag:$0x1] =	stream.indirect.gather [hbm4b:s3+s9], $0x10, s9, s9, $0xb8;
	[tilespmem:$0x1A900] =	vst v63  }
0x54: {  	_ =	swait.ge [sflag:s11], $0xC800  }
0x55: {  	[sflag:s11] =	ssyncset.done $0x0  }
0x56: {  	s31 =	sadd.s32 $0x1900, s15;
	s14 =	sadd.s32 $0x1, s14;
	[sflag:s11] =	ssyncadd.s32 $0xFFFF3800  }
0x57: {  	[hbm4b:s31+s2] =	stream.linear.scatter [tilespmem:s12], [sflag:$0x2], $0xC800, $0x38;
	[tilespmem:$0x1A900] =	vst v63  }
0x58: {  	p0 =	sne.s32 s14, s4;
	_ =	swait.ge [sflag:s13], $0xC800  }
.Ltmp1:
0x59: {  	[sflag:s13] =	ssyncset.done $0x0;
	(pc) =	sbr.rel @p0 .LBB2_1-.Ltmp1, $4  }
0x5a: {  	[sflag:s13] =	ssyncadd.s32 $0xFFFF3800  }
0x5b: {  	_ =	swait.ge [sflag:s13], $0xC800  }
0x5c: {  	[sflag:s13] =	ssyncset.done $0x0  }
0x5d: {  	[sflag:s13] =	ssyncadd.s32 $0xFFFF3800  }
0x5e: {  	_ =	sfence.sel $0x180000  }
0x5f: {  	[bflag:$0x0] =	sbarrier.arrive $0xFFFF  }
0x60: {  	p0 =	sne.s32 s1, $0x0;
	_ =	strace $0x90000059  }
0x61: {  	s0 =	sadd.s32 @!p0 $0x100000, s0;
	[bflag:$0x2] =	sbarrier.arrive $0xFFFF  }
0x62: {  	[sflag:s0] =	ssyncadd.tile.s32 @!p0 $0x1;
	_ =	shalt  }
.Lfunc_end2:
_tile_overlayer_lowered:
.L_overlay_start_2:
0x63: {  	(tag) =	ssettag $0x2  }
0x64: {  	s0 =	rddreg [dreg:$0x0];
	s2 =	stileid.u32  }
0x65: {  	s1 =	rddreg [dreg:$0x1];
	p0 =	sne.s32 s2, $0x0  }
0x66: {  	s3 =	rddreg [dreg:$0x2];
	[bflag:$0x3] =	sbarrier.arrive $0xFFFF;
	s2 =	simm.s32 @!p0 $0x1C03  }
0x67: {  	[timem:s3], [sflag:s2] =	dma.local @!p0 [hbm:s0], s1  }
0x68: {  	s0 =	simm.s32 @!p0 $0x3  }
0x69: {  	_ =	swait.ge @!p0 [sflag:s0], s1  }
0x6a: {  	s1 =	ssub.s32 @!p0 $0x0, s1;
	[sflag:s0] =	ssyncset.done @!p0 $0x0  }
0x6b: {  	[sflag:s0] =	ssyncadd.s32 @!p0 s1  }
0x6c: {  	[bflag:$0x3] =	sbarrier.arrive $0xFFFF  }
0x6d: {  	_ =	shalt  }

// kernel: kernel.37.cloned.1.call-start
scs
__scs_entry_jumppad:
0x0: {  	(pc) =	sbr.rel $0x88, $3  }
0x1: {  	(tag) =	ssettag $0x0;
	lr =	simm.s32 $0x1  }
0x2: {  	[smem:$0x3F9D] =	sst lr;
	_ =	strace $0xD0000000  }
0x3: {  	_ = 	snop  }
0x4: {  	_ = 	snop  }
0x5: {  	_ = 	snop  }
0x6: {  	_ = 	snop  }
0x7: {  	_ = 	snop  }
__scs_overlays_trampoline_lowered:
0x8: {  	[smem:$0x3FAC] =	sst s0  }
0x9: {  	[smem:$0x3FAD] =	sst s1  }
0xa: {  	[smem:$0x3FAE] =	sst s2  }
0xb: {  	[smem:$0x3FAF] =	sst s3  }
0xc: {  	[smem:$0x3FB0] =	sst s4  }
0xd: {  	[smem:$0x3FB1] =	sst s5  }
0xe: {  	[smem:$0x3FB2] =	sst s6  }
0xf: {  	[smem:$0x3FB3] =	sst s7  }
0x10: {  	[smem:$0x3FB4] =	sst s8  }
0x11: {  	[smem:$0x3FB5] =	sst s9;
	s0 =	simm.s32 @!p0 $0x0  }
0x12: {  	s1 =	sld [smem:$0x3F9B];
	s0 =	simm.s32 @p0 $0x1  }
0x13: {  	[smem:$0x3FB6] =	sst s0;
	s0 =	simm.s32 @!p1 $0x0  }
0x14: {  	s2 =	sld [smem:$0x3F9A];
	s0 =	simm.s32 @p1 $0x1  }
0x15: {  	[smem:$0x3FB7] =	sst s0;
	s0 =	simm.s32 @!p2 $0x0  }
0x16: {  	s3 =	sld [smem:$0x3FDB];
	s0 =	simm.s32 @p2 $0x1  }
0x17: {  	s4 =	simm.s32 $0x1BF5;
	[smem:$0x3FB9] =	sst s0  }
0x18: {  	s0 =	sld [smem:$0x3F9C];
	_ =	swait.ge [sflag:s4], $0x0  }
0x19: {  	s7 =	sld [smem:$0x3F9D]  }
0x1a: {  	s8 =	sadd.s32 $0xFFFFE003, lr  }
0x1b: {  	s9 =	sadd.s32 $0xFFFFFEF7, lr;
	s5 =	simm.s32 $0xFFFFFFFF;
	p2 =	slt.u32 s8, $0xFFFFF086  }
0x1c: {  	p1 =	slt.u32 s9, $0xF7A;
	s5 =	simm.s32 @!p2 $0x0  }
0x1d: {  	s5 =	simm.s32 @p1 $0x1;
	p0 =	seq.s32 s7, s2  }
0x1e: {  	s7 =	smul.u32 @!p0 $0xF7A, s2;
	p2 =	seq.s32 @!p0 s5, $0x0  }
0x1f: {  	s9 =	smul.u32 $0xF7A, s1;
	s8 =	simm.s32 @!p0 $0x1BF5;
	p2 =	por !p2, p0  }
0x20: {  	[sflag:s8] =	ssyncset.s32 @!p0 $0xFFFFF086;
	s6 =	sadd.s32 @!p0 s3, s7;
	s7 =	simm.s32 @!p0 $0x108  }
0x21: {  	s3 =	sadd.s32 s3, s9;
	s6 =	sadd.s32 @!p0 $0x88, s6;
	s7 =	simm.s32 @p2 $0x1082  }
0x22: {  	[simem:s7], [sflag:s8] =	dma.local @!p0 [hbm:s6], $0xF7A  }
0x23: {  	s9 =	sor.u32 $0xD0000000, s2;
	s6 =	simm.s32 $0x108;
	_ =	swait.ge @!p0 [sflag:s8], $0x0  }
0x24: {  	s3 =	sadd.s32 $0x88, s3;
	s6 =	simm.s32 @!p1 $0x1082;
	[sflag:s4] =	ssyncset.s32 $0xFFFFF086  }
0x25: {  	[simem:s6], [sflag:s4] =	dma.local [hbm:s3], $0xF7A  }
0x26: {  	[smem:$0x3F9D] =	sst s1;
	(tag) =	ssettag s2;
	_ =	strace s9  }
0x27: {  	s1 =	sld [smem:$0x3FAD]  }
0x28: {  	s2 =	sld [smem:$0x3FAE]  }
0x29: {  	s4 =	sld [smem:$0x3FB0]  }
0x2a: {  	p0 =	seq.s32 s5, $0x0;
	s5 =	sld [smem:$0x3FB1]  }
0x2b: {  	s6 =	sld [smem:$0x3FB2]  }
0x2c: {  	s7 =	sld [smem:$0x3FB3]  }
0x2d: {  	s3 =	simm.s32 $0x108;
	s8 =	sld [smem:$0x3FB4]  }
0x2e: {  	s3 =	simm.s32 @!p0 $0x1082;
	s9 =	sld [smem:$0x3FB5]  }
0x2f: {  	lr =	sadd.s32 s0, s3;
	s0 =	sld [smem:$0x3FAC]  }
0x30: {  	s3 =	sld [smem:$0x3FAF]  }
0x31: {  	[smem:$0x3FB8] =	sst s10  }
0x32: {  	s10 =	sld [smem:$0x3FB6];
	_ =	sdelay $0x3  }
0x33: {  	p0 =	seq.s32 s10, $0x1;
	s10 =	sld [smem:$0x3FB8];
	_ =	sdelay $0x3  }
0x34: {  	[smem:$0x3FB8] =	sst s10  }
0x35: {  	s10 =	sld [smem:$0x3FB7];
	_ =	sdelay $0x3  }
0x36: {  	p1 =	seq.s32 s10, $0x1;
	s10 =	sld [smem:$0x3FB8];
	_ =	sdelay $0x3  }
0x37: {  	[smem:$0x3FB8] =	sst s10  }
0x38: {  	s10 =	sld [smem:$0x3FB9]  }
0x39: {  	_ = 	snop;
	(pc) =	sbr.ind lr, $3  }
0x3a: {  	_ = 	snop  }
0x3b: {  	_ = 	snop  }
0x3c: {  	p2 =	seq.s32 s10, $0x1;
	s10 =	sld [smem:$0x3FB8]  }
0x3d: {  	_ =	shalt  }
0x3e: {  	_ =	shalt  }
0x3f: {  	_ =	shalt  }
0x40: {  	_ =	shalt  }
0x41: {  	_ =	shalt  }
0x42: {  	_ =	shalt  }
0x43: {  	_ =	shalt  }
0x44: {  	_ =	shalt  }
0x45: {  	_ =	shalt  }
0x46: {  	_ =	shalt  }
0x47: {  	_ =	shalt  }
0x48: {  	_ =	shalt  }
0x49: {  	_ =	shalt  }
0x4a: {  	_ =	shalt  }
0x4b: {  	_ =	shalt  }
0x4c: {  	_ =	shalt  }
0x4d: {  	_ =	shalt  }
0x4e: {  	_ =	shalt  }
0x4f: {  	_ =	shalt  }
0x50: {  	_ =	shalt  }
0x51: {  	_ =	shalt  }
0x52: {  	_ =	shalt  }
0x53: {  	_ =	shalt  }
0x54: {  	_ =	shalt  }
0x55: {  	_ =	shalt  }
0x56: {  	_ =	shalt  }
0x57: {  	_ =	shalt  }
0x58: {  	_ =	shalt  }
0x59: {  	_ =	shalt  }
0x5a: {  	_ =	shalt  }
0x5b: {  	_ =	shalt  }
0x5c: {  	_ =	shalt  }
0x5d: {  	_ =	shalt  }
0x5e: {  	_ =	shalt  }
0x5f: {  	_ =	shalt  }
0x60: {  	_ =	shalt  }
0x61: {  	_ =	shalt  }
0x62: {  	_ =	shalt  }
0x63: {  	_ =	shalt  }
0x64: {  	_ =	shalt  }
0x65: {  	_ =	shalt  }
0x66: {  	_ =	shalt  }
0x67: {  	_ =	shalt  }
0x68: {  	_ =	shalt  }
0x69: {  	_ =	shalt  }
0x6a: {  	_ =	shalt  }
0x6b: {  	_ =	shalt  }
0x6c: {  	_ =	shalt  }
0x6d: {  	_ =	shalt  }
0x6e: {  	_ =	shalt  }
0x6f: {  	_ =	shalt  }
0x70: {  	_ =	shalt  }
0x71: {  	_ =	shalt  }
0x72: {  	_ =	shalt  }
0x73: {  	_ =	shalt  }
0x74: {  	_ =	shalt  }
0x75: {  	_ =	shalt  }
0x76: {  	_ =	shalt  }
0x77: {  	_ =	shalt  }
0x78: {  	_ =	shalt  }
0x79: {  	_ =	shalt  }
0x7a: {  	_ =	shalt  }
0x7b: {  	_ =	shalt  }
0x7c: {  	_ =	shalt  }
0x7d: {  	_ =	shalt  }
0x7e: {  	_ =	shalt  }
0x7f: {  	_ =	shalt  }
0x80: {  	_ =	shalt  }
0x81: {  	_ =	shalt  }
0x82: {  	_ =	shalt  }
0x83: {  	_ =	shalt  }
0x84: {  	_ =	shalt  }
0x85: {  	_ =	shalt  }
0x86: {  	_ =	shalt  }
0x87: {  	_ =	shalt  }
.Lfunc_end0:
.L_simem_size_0:
called_computation.7_lowered:
.L_overlay_start_0:
0x88: {  	s2 =	sld [smem:$0x3FD9]  }
0x89: {  	s3 =	sld [smem:$0x3FFE];
	_ =	sdelay $0x1  }
0x8a: {  	s1 =	srdreg.scid  }
0x8b: {  	s0 =	sand.u32 $0x1, s1  }
0x8c: {  	s17 =	sshll.u32 s0, $0xA;
	s2 =	sadd.s32 s3, s2  }
0x8d: {  	s2 =	sadd.s32 s2, s17  }
0x8e: {  	[smem:$0x3FC4] =	sst s2  }
0x8f: {  	_ = 	snop  }
0x90: {  	(tm) =	ssettm $0x1  }
0x91: {  	s18 =	sld [smem:$0x3FFB];
	_ =	sdelay $0x3  }
0x92: {  	_ =	strace s18  }
0x93: {  	s2 =	sld [smem:$0x3FFC];
	_ =	sdelay $0x3  }
0x94: {  	_ =	strace s2  }
0x95: {  	s2 =	sld [smem:$0x3FFD];
	_ =	sdelay $0x3  }
0x96: {  	_ =	strace s2  }
0x97: {  	_ =	strace $0x8FFFFFFF  }
0x98: {  	s19 =	sld [smem:$0x3FDB];
	_ =	sdelay $0x1  }
0x99: {  	s20 =	simm.s32 $_scs_section_size  }
0x9a: {  	s4 =	simm.s32 $_size__tile_overlayer_lowered;
	s5 =	simm.s32 $_tile_overlayer_lowered  }
0x9b: {  	s6 =	simm.s32 $0x1BFF;
	s21 =	sshll.u32 s5, $0x1;
	s3 =	sadd.s32 s20, s19  }
0x9c: {  	s22 =	simm.s32 $0x0;
	s4 =	sshll.u32 s4, $0x1;
	s5 =	sadd.s32 s21, s3  }
0x9d: {  	[timem:s22], [sflag:s6] =	dma.local [hbm:s5], s4  }
0x9e: {  	_ =	swait.ge [sflag:s6], s4  }
0x9f: {  	s4 =	ssub.s32 $0x0, s4;
	[sflag:s6] =	ssyncset.done $0x0  }
0xa0: {  	[sflag:s6] =	ssyncadd.s32 s4;
	_ =	sdelay $0x1  }
0xa1: {  	s23 =	simm.s32 $0x1B8B  }
0xa2: {  	_ =	swait.ge [sflag:s23], $0x1  }
0xa3: {  	[sflag:s23] =	ssyncset.done $0x0  }
0xa4: {  	[sflag:s23] =	ssyncadd.s32 $0xFFFFFFFF  }
0xa5: {  	s4 =	sld [smem:$0x0]  }
0xa6: {  	s5 =	sand.u32 $0xFFFFFFFE, s1  }
0xa7: {  	p0 =	sne.s32 s1, s5  }
0xa8: {  	s5 =	sshll.u32 @p0 s5, $0xE  }
0xa9: {  	s5 =	sadd.s32 @p0 $0x11B8D, s5;
	s6 =	sshll.u32 @p0 s4, $0x11  }
0xaa: {  	s5 =	sor.u32 @p0 s6, s5  }
0xab: {  	[sflag:s5] =	ssyncadd.remote.s32 @p0 $0x1;
	_ =	sdelay $0x1  }
0xac: {  	s5 =	simm.s32 @p0 $0x1B8D  }
0xad: {  	_ =	swait.eq @p0 [sflag:s5], $0x1  }
0xae: {  	[sflag:s5] =	ssyncadd.s32 @p0 $0xFFFFFFFF  }
0xaf: {  	s6 =	sshll.u32 @!p0 s1, $0xE  }
0xb0: {  	s6 =	sor.u32 @!p0 $0x4000, s6;
	s5 =	simm.s32 @!p0 $0x1B8D  }
0xb1: {  	s4 =	sshll.u32 @!p0 s4, $0x11;
	s6 =	sadd.s32 @!p0 $0x11B8D, s6;
	_ =	swait.eq @!p0 [sflag:s5], $0x1  }
0xb2: {  	s4 =	sor.u32 @!p0 s4, s6;
	[sflag:s5] =	ssyncadd.s32 @!p0 $0xFFFFFFFF  }
0xb3: {  	s25 =	simm.s32 $0x1B8E;
	s24 =	sld [smem:$0x3FFE];
	[sflag:s4] =	ssyncadd.remote.s32 @!p0 $0x1  }
0xb4: {  	s26 =	simm.s32 $execute0_lowered;
	[smem:$0x3FD2] =	sst s25  }
0xb5: {  	s5 =	sshll.u32 s26, $0x1;
	_ =	strace $0x8000005B;
	[dreg:$0x1] =	wrdreg $0xFFFFFFFF  }
0xb6: {  	s28 =	simm.s32 $_size_execute0_lowered;
	s3 =	sadd.s32 s3, s5;
	[dreg:$0x0] =	wrdreg $0x0  }
0xb7: {  	s5 =	sshll.u32 s28, $0x1;
	[dreg:$0x2] =	wrdreg s3  }
0xb8: {  	[dreg:$0x3] =	wrdreg s5  }
0xb9: {  	[dreg:$0x4] =	wrdreg $0xC0  }
0xba: {  	_ =	task [dreg:s22], $0x5FFFF  }
0xbb: {  	[dreg:$0x1] =	wrdreg $0xFFFFFFFF  }
0xbc: {  	[dreg:$0x0] =	wrdreg $0x60  }
0xbd: {  	[dreg:$0x2] =	wrdreg s24  }
0xbe: {  	[dreg:$0x3] =	wrdreg $0xF  }
0xbf: {  	_ =	task.clear_ibuf [dreg:s22], $0x4FFFF;
	_ =	strace $0x9000005B  }
0xc0: {  	s29 =	simm.s32 $0xF;
	_ =	strace $0x8000005D  }
0xc1: {  	_ =	swait.ge [sflag:s29], $0x1  }
0xc2: {  	[sflag:s29] =	ssyncadd.s32 $0xFFFFFFFF  }
0xc3: {  	_ =	strace $0x9000005D  }
0xc4: {  	_ =	sfence  }
0xc5: {  	s30 =	sld [smem:$0x0];
	_ =	sdelay $0x2  }
0xc6: {  	s31 =	sshll.u32 s1, $0xD;
	s1 =	sshrl.u32 s1, $0x2  }
0xc7: {  	s4 =	sand.u32 $0x4000, s31;
	s1 =	sadd.s32 s1, s30  }
0xc8: {  	s0 =	sor.u32 s4, s0;
	s1 =	sshll.u32 s1, $0x11  }
0xc9: {  	s0 =	sor.u32 s1, s0  }
0xca: {  	s0 =	sadd.s32 $0x8F2B, s0  }
0xcb: {  	[sflag:s0] =	ssyncadd.remote.s32 $0x1  }
0xcc: {  	_ =	sfence.sel $0xFFFF  }
0xcd: {  	[dreg:$0x0] =	wrdreg $0xFFFFFFFF;
	(pc) =	sbr.abs _section_cstart, $3  }
0xce: {  	[dreg:$0x1] =	wrdreg $0xFFFFFFFF  }
0xcf: {  	_ =	task.clear_ibuf [dreg:s22], $0x2FFFF;
	_ =	strace $0x9FFFFFFF  }
0xd0: {  	(tm) =	ssettm $0x7FFFFFFF  }
0xd1: {  	_ =	shalt  }
tec
execute0_lowered:
.L_overlay_start_1:
0x0: {  	(tag) =	ssettag $0x1  }
0x1: {  	s4 =	rddreg [dreg:$0x0]  }
0x2: {  	s0 =	rddreg [dreg:$0x1]  }
0x3: {  	s2 =	simm.s32 $0x0;
	s1 =	stileid.u32;
	s3 =	srdreg.scid  }
0x4: {  	s12 =	simm.s32 $0xE100;
	s13 =	simm.s32 $0x2;
	s5 =	smul.u32 $0x19000, s1  }
0x5: {  	s14 =	simm.s32 $0x0;
	s6 =	sand.u32 $0x1, s3;
	s8 =	smul.u32 $0xC800, s1  }
0x6: {  	[smem:$0x7FF] =	sst s2;
	s9 =	sadd.s32 $0xD2800, s4;
	s11 =	smul.u32 $0x6400, s6  }
0x7: {  	s3 =	sadd.s32 $0x19A800, s4;
	s7 =	ssub.s32 $0x2, s6;
	s6 =	smul.u32 $0xC800, s6  }
0x8: {  	_ =	strace $0x8000005C;
	s10 =	sshrl.u32 s7, $0x1;
	s5 =	sadd.s32 s5, s4  }
0x9: {  	s7 =	ssub.s32 s7, s10;
	s30 =	sadd.s32 s11, s8;
	s5 =	sadd.s32 s6, s5  }
0xa: {  	s8 =	simm.s32 $0x3;
	s10 =	simm.s32 $0x1900;
	s11 =	simm.s32 $0x1  }
0xb: {  	s4 =	smax.u32 s7, $0x1;
	s31 =	sadd.s32 $0x4B0C80, s30;
	s7 =	sadd.s32 $0x4B0000, s30  }
0xc: {  	s5 =	sadd.s32 $0x172F800, s5;
	s6 =	sshrl.u32 s31, $0x3;
	s7 =	sshrl.u32 s7, $0x3  }
0xd: {  	s6 =	sadd.s32 s6, s9;
	s7 =	sadd.s32 s7, s9;
	s9 =	simm.s32 $0xC80  }
.LBB2_1:
0xe: {  	s15 =	sadd.s32 $0x0, s7  }
0xf: {  	[tilespmem:s2], [sflag:$0x3] =	stream.linear.gather [hbm4b:s15+s2], $0xC80, $0x38;
	[tilespmem:$0x1A900] =	vst v63  }
0x10: {  	_ =	swait.ge [sflag:s8], $0xC80  }
0x11: {  	[sflag:s8] =	ssyncset.done $0x0  }
0x12: {  	[sflag:s8] =	ssyncadd.s32 $0xFFFFF380  }
0x13: {  	[tilespmem:s10], [sflag:$0x1] =	stream.indirect.gather [hbm4b:s3+s9], $0x10, s2, s9, $0xb8;
	[tilespmem:$0x1A900] =	vst v63  }
0x14: {  	s30 =	sadd.s32 $0x0, s6  }
0x15: {  	[tilespmem:s9], [sflag:$0x3] =	stream.linear.gather [hbm4b:s30+s2], $0xC80, $0x38;
	[tilespmem:$0x1A900] =	vst v63  }
0x16: {  	_ =	swait.ge [sflag:s8], $0xC80  }
0x17: {  	[sflag:s8] =	ssyncset.done $0x0  }
0x18: {  	[sflag:s8] =	ssyncadd.s32 $0xFFFFF380  }
0x19: {  	_ =	swait.ge [sflag:s11], $0xC800  }
0x1a: {  	[sflag:s11] =	ssyncset.done $0x0  }
0x1b: {  	[sflag:s11] =	ssyncadd.s32 $0xFFFF3800  }
0x1c: {  	[hbm4b:s5+s2] =	stream.linear.scatter [tilespmem:s10], [sflag:$0x2], $0xC800, $0x38;
	[tilespmem:$0x1A900] =	vst v63  }
0x1d: {  	_ = 	snop  }
0x1e: {  	[tilespmem:s12], [sflag:$0x1] =	stream.indirect.gather [hbm4b:s3+s9], $0x10, s9, s9, $0xb8;
	[tilespmem:$0x1A900] =	vst v63  }
0x1f: {  	_ =	swait.ge [sflag:s11], $0xC800  }
0x20: {  	[sflag:s11] =	ssyncset.done $0x0  }
0x21: {  	s31 =	sadd.s32 $0x1900, s5;
	[sflag:s11] =	ssyncadd.s32 $0xFFFF3800  }
0x22: {  	[hbm4b:s31+s2] =	stream.linear.scatter [tilespmem:s12], [sflag:$0x2], $0xC800, $0x38;
	[tilespmem:$0x1A900] =	vst v63  }
0x23: {  	_ =	swait.ge [sflag:s13], $0xC800  }
0x24: {  	[sflag:s13] =	ssyncset.done $0x0  }
0x25: {  	[sflag:s13] =	ssyncadd.s32 $0xFFFF3800  }
0x26: {  	s16 =	simm.s32 $0x320;
	_ =	swait.ge [sflag:s13], $0xC800  }
0x27: {  	s17 =	simm.s32 $0x640;
	s15 =	sadd.s32 $0x3200, s5;
	[sflag:s13] =	ssyncset.done $0x0  }
.LBB2_2:
0x28: {  	s18 =	sadd.s32 s16, s7  }
0x29: {  	[sflag:s13] =	ssyncadd.s32 $0xFFFF3800;
	s19 =	smov.u32 s17;
	s20 =	sadd.s32 $0x320, s17  }
0x2a: {  	[tilespmem:s2], [sflag:$0x3] =	stream.linear.gather [hbm4b:s18+s2], $0xC80, $0x38;
	[tilespmem:$0x1A900] =	vst v63  }
0x2b: {  	p0 =	sne.s32 s17, $0x960;
	_ =	swait.ge [sflag:s8], $0xC80  }
0x2c: {  	[sflag:s8] =	ssyncset.done $0x0  }
0x2d: {  	[sflag:s8] =	ssyncadd.s32 $0xFFFFF380  }
0x2e: {  	[tilespmem:s10], [sflag:$0x1] =	stream.indirect.gather [hbm4b:s3+s9], $0x10, s2, s9, $0xb8;
	[tilespmem:$0x1A900] =	vst v63  }
0x2f: {  	s17 =	sadd.s32 s16, s6;
	s16 =	smov.u32 s19  }
0x30: {  	[tilespmem:s9], [sflag:$0x3] =	stream.linear.gather [hbm4b:s17+s2], $0xC80, $0x38;
	[tilespmem:$0x1A900] =	vst v63  }
0x31: {  	_ =	swait.ge [sflag:s8], $0xC80  }
0x32: {  	[sflag:s8] =	ssyncset.done $0x0  }
0x33: {  	[sflag:s8] =	ssyncadd.s32 $0xFFFFF380  }
0x34: {  	_ =	swait.ge [sflag:s11], $0xC800  }
0x35: {  	[sflag:s11] =	ssyncset.done $0x0  }
0x36: {  	[sflag:s11] =	ssyncadd.s32 $0xFFFF3800  }
0x37: {  	[hbm4b:s15+s2] =	stream.linear.scatter [tilespmem:s10], [sflag:$0x2], $0xC800, $0x38;
	[tilespmem:$0x1A900] =	vst v63  }
0x38: {  	_ = 	snop  }
0x39: {  	[tilespmem:s12], [sflag:$0x1] =	stream.indirect.gather [hbm4b:s3+s9], $0x10, s9, s9, $0xb8;
	[tilespmem:$0x1A900] =	vst v63  }
0x3a: {  	_ =	swait.ge [sflag:s11], $0xC800  }
0x3b: {  	[sflag:s11] =	ssyncset.done $0x0  }
0x3c: {  	s17 =	sadd.s32 $0x1900, s15;
	[sflag:s11] =	ssyncadd.s32 $0xFFFF3800  }
0x3d: {  	[hbm4b:s17+s2] =	stream.linear.scatter [tilespmem:s12], [sflag:$0x2], $0xC800, $0x38;
	[tilespmem:$0x1A900] =	vst v63  }
.Ltmp0:
0x3e: {  	_ =	swait.ge [sflag:s13], $0xC800;
	(pc) =	sbr.rel @p0 .LBB2_2-.Ltmp0, $4  }
0x3f: {  	[sflag:s13] =	ssyncset.done $0x0  }
0x40: {  	[sflag:s13] =	ssyncadd.s32 $0xFFFF3800  }
0x41: {  	_ =	swait.ge [sflag:s13], $0xC800  }
0x42: {  	s15 =	sadd.s32 $0x3200, s15;
	s17 =	smov.u32 s20;
	[sflag:s13] =	ssyncset.done $0x0  }
0x43: {  	s17 =	sadd.s32 s16, s7;
	[sflag:s13] =	ssyncadd.s32 $0xFFFF3800  }
0x44: {  	[tilespmem:s2], [sflag:$0x3] =	stream.linear.gather [hbm4b:s17+s2], $0xC80, $0x38;
	[tilespmem:$0x1A900] =	vst v63  }
0x45: {  	_ =	swait.ge [sflag:s8], $0xC80  }
0x46: {  	[sflag:s8] =	ssyncset.done $0x0  }
0x47: {  	[sflag:s8] =	ssyncadd.s32 $0xFFFFF380  }
0x48: {  	[tilespmem:s10], [sflag:$0x1] =	stream.indirect.gather [hbm4b:s3+s9], $0x10, s2, s9, $0xb8;
	[tilespmem:$0x1A900] =	vst v63  }
0x49: {  	s30 =	sadd.s32 s16, s6  }
0x4a: {  	[tilespmem:s9], [sflag:$0x3] =	stream.linear.gather [hbm4b:s30+s2], $0xC80, $0x38;
	[tilespmem:$0x1A900] =	vst v63  }
0x4b: {  	_ =	swait.ge [sflag:s8], $0xC80  }
0x4c: {  	[sflag:s8] =	ssyncset.done $0x0  }
0x4d: {  	[sflag:s8] =	ssyncadd.s32 $0xFFFFF380  }
0x4e: {  	_ =	swait.ge [sflag:s11], $0xC800  }
0x4f: {  	[sflag:s11] =	ssyncset.done $0x0  }
0x50: {  	[sflag:s11] =	ssyncadd.s32 $0xFFFF3800  }
0x51: {  	[hbm4b:s15+s2] =	stream.linear.scatter [tilespmem:s10], [sflag:$0x2], $0xC800, $0x38;
	[tilespmem:$0x1A900] =	vst v63  }
0x52: {  	_ = 	snop  }
0x53: {  	[tilespmem:s12], [sflag:$0x1] =	stream.indirect.gather [hbm4b:s3+s9], $0x10, s9, s9, $0xb8;
	[tilespmem:$0x1A900] =	vst v63  }
0x54: {  	_ =	swait.ge [sflag:s11], $0xC800  }
0x55: {  	[sflag:s11] =	ssyncset.done $0x0  }
0x56: {  	s31 =	sadd.s32 $0x1900, s15;
	s14 =	sadd.s32 $0x1, s14;
	[sflag:s11] =	ssyncadd.s32 $0xFFFF3800  }
0x57: {  	[hbm4b:s31+s2] =	stream.linear.scatter [tilespmem:s12], [sflag:$0x2], $0xC800, $0x38;
	[tilespmem:$0x1A900] =	vst v63  }
0x58: {  	p0 =	sne.s32 s14, s4;
	_ =	swait.ge [sflag:s13], $0xC800  }
.Ltmp1:
0x59: {  	[sflag:s13] =	ssyncset.done $0x0;
	(pc) =	sbr.rel @p0 .LBB2_1-.Ltmp1, $4  }
0x5a: {  	[sflag:s13] =	ssyncadd.s32 $0xFFFF3800  }
0x5b: {  	_ =	swait.ge [sflag:s13], $0xC800  }
0x5c: {  	[sflag:s13] =	ssyncset.done $0x0  }
0x5d: {  	[sflag:s13] =	ssyncadd.s32 $0xFFFF3800  }
0x5e: {  	_ =	sfence.sel $0x180000  }
0x5f: {  	[bflag:$0x0] =	sbarrier.arrive $0xFFFF  }
0x60: {  	p0 =	sne.s32 s1, $0x0;
	_ =	strace $0x9000005C  }
0x61: {  	s0 =	sadd.s32 @!p0 $0x100000, s0;
	[bflag:$0x2] =	sbarrier.arrive $0xFFFF  }
0x62: {  	[sflag:s0] =	ssyncadd.tile.s32 @!p0 $0x1;
	_ =	shalt  }
.Lfunc_end2:
_tile_overlayer_lowered:
.L_overlay_start_2:
0x63: {  	(tag) =	ssettag $0x2  }
0x64: {  	s0 =	rddreg [dreg:$0x0];
	s2 =	stileid.u32  }
0x65: {  	s1 =	rddreg [dreg:$0x1];
	p0 =	sne.s32 s2, $0x0  }
0x66: {  	s3 =	rddreg [dreg:$0x2];
	[bflag:$0x3] =	sbarrier.arrive $0xFFFF;
	s2 =	simm.s32 @!p0 $0x1C03  }
0x67: {  	[timem:s3], [sflag:s2] =	dma.local @!p0 [hbm:s0], s1  }
0x68: {  	s0 =	simm.s32 @!p0 $0x3  }
0x69: {  	_ =	swait.ge @!p0 [sflag:s0], s1  }
0x6a: {  	s1 =	ssub.s32 @!p0 $0x0, s1;
	[sflag:s0] =	ssyncset.done @!p0 $0x0  }
0x6b: {  	[sflag:s0] =	ssyncadd.s32 @!p0 s1  }
0x6c: {  	[bflag:$0x3] =	sbarrier.arrive $0xFFFF  }
0x6d: {  	_ =	shalt  }

// kernel: kernel.40.cloned.1.call-start
scs
__scs_entry_jumppad:
0x0: {  	(pc) =	sbr.rel $0x88, $3  }
0x1: {  	(tag) =	ssettag $0x0;
	lr =	simm.s32 $0x1  }
0x2: {  	[smem:$0x3F9D] =	sst lr;
	_ =	strace $0xD0000000  }
0x3: {  	_ = 	snop  }
0x4: {  	_ = 	snop  }
0x5: {  	_ = 	snop  }
0x6: {  	_ = 	snop  }
0x7: {  	_ = 	snop  }
__scs_overlays_trampoline_lowered:
0x8: {  	[smem:$0x3FAC] =	sst s0  }
0x9: {  	[smem:$0x3FAD] =	sst s1  }
0xa: {  	[smem:$0x3FAE] =	sst s2  }
0xb: {  	[smem:$0x3FAF] =	sst s3  }
0xc: {  	[smem:$0x3FB0] =	sst s4  }
0xd: {  	[smem:$0x3FB1] =	sst s5  }
0xe: {  	[smem:$0x3FB2] =	sst s6  }
0xf: {  	[smem:$0x3FB3] =	sst s7  }
0x10: {  	[smem:$0x3FB4] =	sst s8  }
0x11: {  	[smem:$0x3FB5] =	sst s9;
	s0 =	simm.s32 @!p0 $0x0  }
0x12: {  	s1 =	sld [smem:$0x3F9B];
	s0 =	simm.s32 @p0 $0x1  }
0x13: {  	[smem:$0x3FB6] =	sst s0;
	s0 =	simm.s32 @!p1 $0x0  }
0x14: {  	s2 =	sld [smem:$0x3F9A];
	s0 =	simm.s32 @p1 $0x1  }
0x15: {  	[smem:$0x3FB7] =	sst s0;
	s0 =	simm.s32 @!p2 $0x0  }
0x16: {  	s3 =	sld [smem:$0x3FDB];
	s0 =	simm.s32 @p2 $0x1  }
0x17: {  	s4 =	simm.s32 $0x1BF5;
	[smem:$0x3FB9] =	sst s0  }
0x18: {  	s0 =	sld [smem:$0x3F9C];
	_ =	swait.ge [sflag:s4], $0x0  }
0x19: {  	s7 =	sld [smem:$0x3F9D]  }
0x1a: {  	s8 =	sadd.s32 $0xFFFFE003, lr  }
0x1b: {  	s9 =	sadd.s32 $0xFFFFFEF7, lr;
	s5 =	simm.s32 $0xFFFFFFFF;
	p2 =	slt.u32 s8, $0xFFFFF086  }
0x1c: {  	p1 =	slt.u32 s9, $0xF7A;
	s5 =	simm.s32 @!p2 $0x0  }
0x1d: {  	s5 =	simm.s32 @p1 $0x1;
	p0 =	seq.s32 s7, s2  }
0x1e: {  	s7 =	smul.u32 @!p0 $0xF7A, s2;
	p2 =	seq.s32 @!p0 s5, $0x0  }
0x1f: {  	s9 =	smul.u32 $0xF7A, s1;
	s8 =	simm.s32 @!p0 $0x1BF5;
	p2 =	por !p2, p0  }
0x20: {  	[sflag:s8] =	ssyncset.s32 @!p0 $0xFFFFF086;
	s6 =	sadd.s32 @!p0 s3, s7;
	s7 =	simm.s32 @!p0 $0x108  }
0x21: {  	s3 =	sadd.s32 s3, s9;
	s6 =	sadd.s32 @!p0 $0x88, s6;
	s7 =	simm.s32 @p2 $0x1082  }
0x22: {  	[simem:s7], [sflag:s8] =	dma.local @!p0 [hbm:s6], $0xF7A  }
0x23: {  	s9 =	sor.u32 $0xD0000000, s2;
	s6 =	simm.s32 $0x108;
	_ =	swait.ge @!p0 [sflag:s8], $0x0  }
0x24: {  	s3 =	sadd.s32 $0x88, s3;
	s6 =	simm.s32 @!p1 $0x1082;
	[sflag:s4] =	ssyncset.s32 $0xFFFFF086  }
0x25: {  	[simem:s6], [sflag:s4] =	dma.local [hbm:s3], $0xF7A  }
0x26: {  	[smem:$0x3F9D] =	sst s1;
	(tag) =	ssettag s2;
	_ =	strace s9  }
0x27: {  	s1 =	sld [smem:$0x3FAD]  }
0x28: {  	s2 =	sld [smem:$0x3FAE]  }
0x29: {  	s4 =	sld [smem:$0x3FB0]  }
0x2a: {  	p0 =	seq.s32 s5, $0x0;
	s5 =	sld [smem:$0x3FB1]  }
0x2b: {  	s6 =	sld [smem:$0x3FB2]  }
0x2c: {  	s7 =	sld [smem:$0x3FB3]  }
0x2d: {  	s3 =	simm.s32 $0x108;
	s8 =	sld [smem:$0x3FB4]  }
0x2e: {  	s3 =	simm.s32 @!p0 $0x1082;
	s9 =	sld [smem:$0x3FB5]  }
0x2f: {  	lr =	sadd.s32 s0, s3;
	s0 =	sld [smem:$0x3FAC]  }
0x30: {  	s3 =	sld [smem:$0x3FAF]  }
0x31: {  	[smem:$0x3FB8] =	sst s10  }
0x32: {  	s10 =	sld [smem:$0x3FB6];
	_ =	sdelay $0x3  }
0x33: {  	p0 =	seq.s32 s10, $0x1;
	s10 =	sld [smem:$0x3FB8];
	_ =	sdelay $0x3  }
0x34: {  	[smem:$0x3FB8] =	sst s10  }
0x35: {  	s10 =	sld [smem:$0x3FB7];
	_ =	sdelay $0x3  }
0x36: {  	p1 =	seq.s32 s10, $0x1;
	s10 =	sld [smem:$0x3FB8];
	_ =	sdelay $0x3  }
0x37: {  	[smem:$0x3FB8] =	sst s10  }
0x38: {  	s10 =	sld [smem:$0x3FB9]  }
0x39: {  	_ = 	snop;
	(pc) =	sbr.ind lr, $3  }
0x3a: {  	_ = 	snop  }
0x3b: {  	_ = 	snop  }
0x3c: {  	p2 =	seq.s32 s10, $0x1;
	s10 =	sld [smem:$0x3FB8]  }
0x3d: {  	_ =	shalt  }
0x3e: {  	_ =	shalt  }
0x3f: {  	_ =	shalt  }
0x40: {  	_ =	shalt  }
0x41: {  	_ =	shalt  }
0x42: {  	_ =	shalt  }
0x43: {  	_ =	shalt  }
0x44: {  	_ =	shalt  }
0x45: {  	_ =	shalt  }
0x46: {  	_ =	shalt  }
0x47: {  	_ =	shalt  }
0x48: {  	_ =	shalt  }
0x49: {  	_ =	shalt  }
0x4a: {  	_ =	shalt  }
0x4b: {  	_ =	shalt  }
0x4c: {  	_ =	shalt  }
0x4d: {  	_ =	shalt  }
0x4e: {  	_ =	shalt  }
0x4f: {  	_ =	shalt  }
0x50: {  	_ =	shalt  }
0x51: {  	_ =	shalt  }
0x52: {  	_ =	shalt  }
0x53: {  	_ =	shalt  }
0x54: {  	_ =	shalt  }
0x55: {  	_ =	shalt  }
0x56: {  	_ =	shalt  }
0x57: {  	_ =	shalt  }
0x58: {  	_ =	shalt  }
0x59: {  	_ =	shalt  }
0x5a: {  	_ =	shalt  }
0x5b: {  	_ =	shalt  }
0x5c: {  	_ =	shalt  }
0x5d: {  	_ =	shalt  }
0x5e: {  	_ =	shalt  }
0x5f: {  	_ =	shalt  }
0x60: {  	_ =	shalt  }
0x61: {  	_ =	shalt  }
0x62: {  	_ =	shalt  }
0x63: {  	_ =	shalt  }
0x64: {  	_ =	shalt  }
0x65: {  	_ =	shalt  }
0x66: {  	_ =	shalt  }
0x67: {  	_ =	shalt  }
0x68: {  	_ =	shalt  }
0x69: {  	_ =	shalt  }
0x6a: {  	_ =	shalt  }
0x6b: {  	_ =	shalt  }
0x6c: {  	_ =	shalt  }
0x6d: {  	_ =	shalt  }
0x6e: {  	_ =	shalt  }
0x6f: {  	_ =	shalt  }
0x70: {  	_ =	shalt  }
0x71: {  	_ =	shalt  }
0x72: {  	_ =	shalt  }
0x73: {  	_ =	shalt  }
0x74: {  	_ =	shalt  }
0x75: {  	_ =	shalt  }
0x76: {  	_ =	shalt  }
0x77: {  	_ =	shalt  }
0x78: {  	_ =	shalt  }
0x79: {  	_ =	shalt  }
0x7a: {  	_ =	shalt  }
0x7b: {  	_ =	shalt  }
0x7c: {  	_ =	shalt  }
0x7d: {  	_ =	shalt  }
0x7e: {  	_ =	shalt  }
0x7f: {  	_ =	shalt  }
0x80: {  	_ =	shalt  }
0x81: {  	_ =	shalt  }
0x82: {  	_ =	shalt  }
0x83: {  	_ =	shalt  }
0x84: {  	_ =	shalt  }
0x85: {  	_ =	shalt  }
0x86: {  	_ =	shalt  }
0x87: {  	_ =	shalt  }
.Lfunc_end0:
.L_simem_size_0:
called_computation.8_lowered:
.L_overlay_start_0:
0x88: {  	s2 =	sld [smem:$0x3FD9]  }
0x89: {  	s3 =	sld [smem:$0x3FFE];
	_ =	sdelay $0x1  }
0x8a: {  	s1 =	srdreg.scid  }
0x8b: {  	s0 =	sand.u32 $0x1, s1  }
0x8c: {  	s17 =	sshll.u32 s0, $0xA;
	s2 =	sadd.s32 s3, s2  }
0x8d: {  	s2 =	sadd.s32 s2, s17  }
0x8e: {  	[smem:$0x3FC4] =	sst s2  }
0x8f: {  	_ = 	snop  }
0x90: {  	(tm) =	ssettm $0x1  }
0x91: {  	s18 =	sld [smem:$0x3FFB];
	_ =	sdelay $0x3  }
0x92: {  	_ =	strace s18  }
0x93: {  	s2 =	sld [smem:$0x3FFC];
	_ =	sdelay $0x3  }
0x94: {  	_ =	strace s2  }
0x95: {  	s2 =	sld [smem:$0x3FFD];
	_ =	sdelay $0x3  }
0x96: {  	_ =	strace s2  }
0x97: {  	_ =	strace $0x8FFFFFFF  }
0x98: {  	s19 =	sld [smem:$0x3FDB];
	_ =	sdelay $0x1  }
0x99: {  	s20 =	simm.s32 $_scs_section_size  }
0x9a: {  	s4 =	simm.s32 $_size__tile_overlayer_lowered;
	s5 =	simm.s32 $_tile_overlayer_lowered  }
0x9b: {  	s6 =	simm.s32 $0x1BFF;
	s21 =	sshll.u32 s5, $0x1;
	s3 =	sadd.s32 s20, s19  }
0x9c: {  	s22 =	simm.s32 $0x0;
	s4 =	sshll.u32 s4, $0x1;
	s5 =	sadd.s32 s21, s3  }
0x9d: {  	[timem:s22], [sflag:s6] =	dma.local [hbm:s5], s4  }
0x9e: {  	_ =	swait.ge [sflag:s6], s4  }
0x9f: {  	s4 =	ssub.s32 $0x0, s4;
	[sflag:s6] =	ssyncset.done $0x0  }
0xa0: {  	[sflag:s6] =	ssyncadd.s32 s4;
	_ =	sdelay $0x1  }
0xa1: {  	s23 =	simm.s32 $0x1B8B  }
0xa2: {  	_ =	swait.ge [sflag:s23], $0x1  }
0xa3: {  	[sflag:s23] =	ssyncset.done $0x0  }
0xa4: {  	[sflag:s23] =	ssyncadd.s32 $0xFFFFFFFF  }
0xa5: {  	s4 =	sld [smem:$0x0]  }
0xa6: {  	s5 =	sand.u32 $0xFFFFFFFE, s1  }
0xa7: {  	p0 =	sne.s32 s1, s5  }
0xa8: {  	s5 =	sshll.u32 @p0 s5, $0xE  }
0xa9: {  	s5 =	sadd.s32 @p0 $0x11B8D, s5;
	s6 =	sshll.u32 @p0 s4, $0x11  }
0xaa: {  	s5 =	sor.u32 @p0 s6, s5  }
0xab: {  	[sflag:s5] =	ssyncadd.remote.s32 @p0 $0x1;
	_ =	sdelay $0x1  }
0xac: {  	s5 =	simm.s32 @p0 $0x1B8D  }
0xad: {  	_ =	swait.eq @p0 [sflag:s5], $0x1  }
0xae: {  	[sflag:s5] =	ssyncadd.s32 @p0 $0xFFFFFFFF  }
0xaf: {  	s6 =	sshll.u32 @!p0 s1, $0xE  }
0xb0: {  	s6 =	sor.u32 @!p0 $0x4000, s6;
	s5 =	simm.s32 @!p0 $0x1B8D  }
0xb1: {  	s4 =	sshll.u32 @!p0 s4, $0x11;
	s6 =	sadd.s32 @!p0 $0x11B8D, s6;
	_ =	swait.eq @!p0 [sflag:s5], $0x1  }
0xb2: {  	s4 =	sor.u32 @!p0 s4, s6;
	[sflag:s5] =	ssyncadd.s32 @!p0 $0xFFFFFFFF  }
0xb3: {  	s25 =	simm.s32 $0x1B8E;
	s24 =	sld [smem:$0x3FFE];
	[sflag:s4] =	ssyncadd.remote.s32 @!p0 $0x1  }
0xb4: {  	s26 =	simm.s32 $execute0_lowered;
	[smem:$0x3FD2] =	sst s25  }
0xb5: {  	s5 =	sshll.u32 s26, $0x1;
	_ =	strace $0x8000005E;
	[dreg:$0x1] =	wrdreg $0xFFFFFFFF  }
0xb6: {  	s28 =	simm.s32 $_size_execute0_lowered;
	s3 =	sadd.s32 s3, s5;
	[dreg:$0x0] =	wrdreg $0x0  }
0xb7: {  	s5 =	sshll.u32 s28, $0x1;
	[dreg:$0x2] =	wrdreg s3  }
0xb8: {  	[dreg:$0x3] =	wrdreg s5  }
0xb9: {  	[dreg:$0x4] =	wrdreg $0xC0  }
0xba: {  	_ =	task [dreg:s22], $0x5FFFF  }
0xbb: {  	[dreg:$0x1] =	wrdreg $0xFFFFFFFF  }
0xbc: {  	[dreg:$0x0] =	wrdreg $0x60  }
0xbd: {  	[dreg:$0x2] =	wrdreg s24  }
0xbe: {  	[dreg:$0x3] =	wrdreg $0x10  }
0xbf: {  	_ =	task.clear_ibuf [dreg:s22], $0x4FFFF;
	_ =	strace $0x9000005E  }
0xc0: {  	s29 =	simm.s32 $0x10;
	_ =	strace $0x80000060  }
0xc1: {  	_ =	swait.ge [sflag:s29], $0x1  }
0xc2: {  	[sflag:s29] =	ssyncadd.s32 $0xFFFFFFFF  }
0xc3: {  	_ =	strace $0x90000060  }
0xc4: {  	_ =	sfence  }
0xc5: {  	s30 =	sld [smem:$0x0];
	_ =	sdelay $0x2  }
0xc6: {  	s31 =	sshll.u32 s1, $0xD;
	s1 =	sshrl.u32 s1, $0x2  }
0xc7: {  	s4 =	sand.u32 $0x4000, s31;
	s1 =	sadd.s32 s1, s30  }
0xc8: {  	s0 =	sor.u32 s4, s0;
	s1 =	sshll.u32 s1, $0x11  }
0xc9: {  	s0 =	sor.u32 s1, s0  }
0xca: {  	s0 =	sadd.s32 $0x8F2B, s0  }
0xcb: {  	[sflag:s0] =	ssyncadd.remote.s32 $0x1  }
0xcc: {  	_ =	sfence.sel $0xFFFF  }
0xcd: {  	[dreg:$0x0] =	wrdreg $0xFFFFFFFF;
	(pc) =	sbr.abs _section_cstart, $3  }
0xce: {  	[dreg:$0x1] =	wrdreg $0xFFFFFFFF  }
0xcf: {  	_ =	task.clear_ibuf [dreg:s22], $0x2FFFF;
	_ =	strace $0x9FFFFFFF  }
0xd0: {  	(tm) =	ssettm $0x7FFFFFFF  }
0xd1: {  	_ =	shalt  }
tec
execute0_lowered:
.L_overlay_start_1:
0x0: {  	(tag) =	ssettag $0x1  }
0x1: {  	s4 =	rddreg [dreg:$0x0]  }
0x2: {  	s0 =	rddreg [dreg:$0x1]  }
0x3: {  	s2 =	simm.s32 $0x0;
	s1 =	stileid.u32;
	s3 =	srdreg.scid  }
0x4: {  	s12 =	simm.s32 $0xE100;
	s13 =	simm.s32 $0x2;
	s5 =	smul.u32 $0x19000, s1  }
0x5: {  	s14 =	simm.s32 $0x0;
	s6 =	sand.u32 $0x1, s3;
	s8 =	smul.u32 $0xC800, s1  }
0x6: {  	[smem:$0x7FF] =	sst s2;
	s9 =	sadd.s32 $0xD2800, s4;
	s11 =	smul.u32 $0x6400, s6  }
0x7: {  	s3 =	sadd.s32 $0x19A800, s4;
	s7 =	ssub.s32 $0x2, s6;
	s6 =	smul.u32 $0xC800, s6  }
0x8: {  	_ =	strace $0x8000005F;
	s10 =	sshrl.u32 s7, $0x1;
	s5 =	sadd.s32 s5, s4  }
0x9: {  	s7 =	ssub.s32 s7, s10;
	s30 =	sadd.s32 s11, s8;
	s5 =	sadd.s32 s6, s5  }
0xa: {  	s8 =	simm.s32 $0x3;
	s10 =	simm.s32 $0x1900;
	s11 =	simm.s32 $0x1  }
0xb: {  	s4 =	smax.u32 s7, $0x1;
	s31 =	sadd.s32 $0x578C80, s30;
	s7 =	sadd.s32 $0x578000, s30  }
0xc: {  	s5 =	sadd.s32 $0x18BF800, s5;
	s6 =	sshrl.u32 s31, $0x3;
	s7 =	sshrl.u32 s7, $0x3  }
0xd: {  	s6 =	sadd.s32 s6, s9;
	s7 =	sadd.s32 s7, s9;
	s9 =	simm.s32 $0xC80  }
.LBB2_1:
0xe: {  	s15 =	sadd.s32 $0x0, s7  }
0xf: {  	[tilespmem:s2], [sflag:$0x3] =	stream.linear.gather [hbm4b:s15+s2], $0xC80, $0x38;
	[tilespmem:$0x1A900] =	vst v63  }
0x10: {  	_ =	swait.ge [sflag:s8], $0xC80  }
0x11: {  	[sflag:s8] =	ssyncset.done $0x0  }
0x12: {  	[sflag:s8] =	ssyncadd.s32 $0xFFFFF380  }
0x13: {  	[tilespmem:s10], [sflag:$0x1] =	stream.indirect.gather [hbm4b:s3+s9], $0x10, s2, s9, $0xb8;
	[tilespmem:$0x1A900] =	vst v63  }
0x14: {  	s30 =	sadd.s32 $0x0, s6  }
0x15: {  	[tilespmem:s9], [sflag:$0x3] =	stream.linear.gather [hbm4b:s30+s2], $0xC80, $0x38;
	[tilespmem:$0x1A900] =	vst v63  }
0x16: {  	_ =	swait.ge [sflag:s8], $0xC80  }
0x17: {  	[sflag:s8] =	ssyncset.done $0x0  }
0x18: {  	[sflag:s8] =	ssyncadd.s32 $0xFFFFF380  }
0x19: {  	_ =	swait.ge [sflag:s11], $0xC800  }
0x1a: {  	[sflag:s11] =	ssyncset.done $0x0  }
0x1b: {  	[sflag:s11] =	ssyncadd.s32 $0xFFFF3800  }
0x1c: {  	[hbm4b:s5+s2] =	stream.linear.scatter [tilespmem:s10], [sflag:$0x2], $0xC800, $0x38;
	[tilespmem:$0x1A900] =	vst v63  }
0x1d: {  	_ = 	snop  }
0x1e: {  	[tilespmem:s12], [sflag:$0x1] =	stream.indirect.gather [hbm4b:s3+s9], $0x10, s9, s9, $0xb8;
	[tilespmem:$0x1A900] =	vst v63  }
0x1f: {  	_ =	swait.ge [sflag:s11], $0xC800  }
0x20: {  	[sflag:s11] =	ssyncset.done $0x0  }
0x21: {  	s31 =	sadd.s32 $0x1900, s5;
	[sflag:s11] =	ssyncadd.s32 $0xFFFF3800  }
0x22: {  	[hbm4b:s31+s2] =	stream.linear.scatter [tilespmem:s12], [sflag:$0x2], $0xC800, $0x38;
	[tilespmem:$0x1A900] =	vst v63  }
0x23: {  	_ =	swait.ge [sflag:s13], $0xC800  }
0x24: {  	[sflag:s13] =	ssyncset.done $0x0  }
0x25: {  	[sflag:s13] =	ssyncadd.s32 $0xFFFF3800  }
0x26: {  	s16 =	simm.s32 $0x320;
	_ =	swait.ge [sflag:s13], $0xC800  }
0x27: {  	s17 =	simm.s32 $0x640;
	s15 =	sadd.s32 $0x3200, s5;
	[sflag:s13] =	ssyncset.done $0x0  }
.LBB2_2:
0x28: {  	s18 =	sadd.s32 s16, s7  }
0x29: {  	[sflag:s13] =	ssyncadd.s32 $0xFFFF3800;
	s19 =	smov.u32 s17;
	s20 =	sadd.s32 $0x320, s17  }
0x2a: {  	[tilespmem:s2], [sflag:$0x3] =	stream.linear.gather [hbm4b:s18+s2], $0xC80, $0x38;
	[tilespmem:$0x1A900] =	vst v63  }
0x2b: {  	p0 =	sne.s32 s17, $0x960;
	_ =	swait.ge [sflag:s8], $0xC80  }
0x2c: {  	[sflag:s8] =	ssyncset.done $0x0  }
0x2d: {  	[sflag:s8] =	ssyncadd.s32 $0xFFFFF380  }
0x2e: {  	[tilespmem:s10], [sflag:$0x1] =	stream.indirect.gather [hbm4b:s3+s9], $0x10, s2, s9, $0xb8;
	[tilespmem:$0x1A900] =	vst v63  }
0x2f: {  	s17 =	sadd.s32 s16, s6;
	s16 =	smov.u32 s19  }
0x30: {  	[tilespmem:s9], [sflag:$0x3] =	stream.linear.gather [hbm4b:s17+s2], $0xC80, $0x38;
	[tilespmem:$0x1A900] =	vst v63  }
0x31: {  	_ =	swait.ge [sflag:s8], $0xC80  }
0x32: {  	[sflag:s8] =	ssyncset.done $0x0  }
0x33: {  	[sflag:s8] =	ssyncadd.s32 $0xFFFFF380  }
0x34: {  	_ =	swait.ge [sflag:s11], $0xC800  }
0x35: {  	[sflag:s11] =	ssyncset.done $0x0  }
0x36: {  	[sflag:s11] =	ssyncadd.s32 $0xFFFF3800  }
0x37: {  	[hbm4b:s15+s2] =	stream.linear.scatter [tilespmem:s10], [sflag:$0x2], $0xC800, $0x38;
	[tilespmem:$0x1A900] =	vst v63  }
0x38: {  	_ = 	snop  }
0x39: {  	[tilespmem:s12], [sflag:$0x1] =	stream.indirect.gather [hbm4b:s3+s9], $0x10, s9, s9, $0xb8;
	[tilespmem:$0x1A900] =	vst v63  }
0x3a: {  	_ =	swait.ge [sflag:s11], $0xC800  }
0x3b: {  	[sflag:s11] =	ssyncset.done $0x0  }
0x3c: {  	s17 =	sadd.s32 $0x1900, s15;
	[sflag:s11] =	ssyncadd.s32 $0xFFFF3800  }
0x3d: {  	[hbm4b:s17+s2] =	stream.linear.scatter [tilespmem:s12], [sflag:$0x2], $0xC800, $0x38;
	[tilespmem:$0x1A900] =	vst v63  }
.Ltmp0:
0x3e: {  	_ =	swait.ge [sflag:s13], $0xC800;
	(pc) =	sbr.rel @p0 .LBB2_2-.Ltmp0, $4  }
0x3f: {  	[sflag:s13] =	ssyncset.done $0x0  }
0x40: {  	[sflag:s13] =	ssyncadd.s32 $0xFFFF3800  }
0x41: {  	_ =	swait.ge [sflag:s13], $0xC800  }
0x42: {  	s15 =	sadd.s32 $0x3200, s15;
	s17 =	smov.u32 s20;
	[sflag:s13] =	ssyncset.done $0x0  }
0x43: {  	s17 =	sadd.s32 s16, s7;
	[sflag:s13] =	ssyncadd.s32 $0xFFFF3800  }
0x44: {  	[tilespmem:s2], [sflag:$0x3] =	stream.linear.gather [hbm4b:s17+s2], $0xC80, $0x38;
	[tilespmem:$0x1A900] =	vst v63  }
0x45: {  	_ =	swait.ge [sflag:s8], $0xC80  }
0x46: {  	[sflag:s8] =	ssyncset.done $0x0  }
0x47: {  	[sflag:s8] =	ssyncadd.s32 $0xFFFFF380  }
0x48: {  	[tilespmem:s10], [sflag:$0x1] =	stream.indirect.gather [hbm4b:s3+s9], $0x10, s2, s9, $0xb8;
	[tilespmem:$0x1A900] =	vst v63  }
0x49: {  	s30 =	sadd.s32 s16, s6  }
0x4a: {  	[tilespmem:s9], [sflag:$0x3] =	stream.linear.gather [hbm4b:s30+s2], $0xC80, $0x38;
	[tilespmem:$0x1A900] =	vst v63  }
0x4b: {  	_ =	swait.ge [sflag:s8], $0xC80  }
0x4c: {  	[sflag:s8] =	ssyncset.done $0x0  }
0x4d: {  	[sflag:s8] =	ssyncadd.s32 $0xFFFFF380  }
0x4e: {  	_ =	swait.ge [sflag:s11], $0xC800  }
0x4f: {  	[sflag:s11] =	ssyncset.done $0x0  }
0x50: {  	[sflag:s11] =	ssyncadd.s32 $0xFFFF3800  }
0x51: {  	[hbm4b:s15+s2] =	stream.linear.scatter [tilespmem:s10], [sflag:$0x2], $0xC800, $0x38;
	[tilespmem:$0x1A900] =	vst v63  }
0x52: {  	_ = 	snop  }
0x53: {  	[tilespmem:s12], [sflag:$0x1] =	stream.indirect.gather [hbm4b:s3+s9], $0x10, s9, s9, $0xb8;
	[tilespmem:$0x1A900] =	vst v63  }
0x54: {  	_ =	swait.ge [sflag:s11], $0xC800  }
0x55: {  	[sflag:s11] =	ssyncset.done $0x0  }
0x56: {  	s31 =	sadd.s32 $0x1900, s15;
	s14 =	sadd.s32 $0x1, s14;
	[sflag:s11] =	ssyncadd.s32 $0xFFFF3800  }
0x57: {  	[hbm4b:s31+s2] =	stream.linear.scatter [tilespmem:s12], [sflag:$0x2], $0xC800, $0x38;
	[tilespmem:$0x1A900] =	vst v63  }
0x58: {  	p0 =	sne.s32 s14, s4;
	_ =	swait.ge [sflag:s13], $0xC800  }
.Ltmp1:
0x59: {  	[sflag:s13] =	ssyncset.done $0x0;
	(pc) =	sbr.rel @p0 .LBB2_1-.Ltmp1, $4  }
0x5a: {  	[sflag:s13] =	ssyncadd.s32 $0xFFFF3800  }
0x5b: {  	_ =	swait.ge [sflag:s13], $0xC800  }
0x5c: {  	[sflag:s13] =	ssyncset.done $0x0  }
0x5d: {  	[sflag:s13] =	ssyncadd.s32 $0xFFFF3800  }
0x5e: {  	_ =	sfence.sel $0x180000  }
0x5f: {  	[bflag:$0x0] =	sbarrier.arrive $0xFFFF  }
0x60: {  	p0 =	sne.s32 s1, $0x0;
	_ =	strace $0x9000005F  }
0x61: {  	s0 =	sadd.s32 @!p0 $0x100000, s0;
	[bflag:$0x2] =	sbarrier.arrive $0xFFFF  }
0x62: {  	[sflag:s0] =	ssyncadd.tile.s32 @!p0 $0x1;
	_ =	shalt  }
.Lfunc_end2:
_tile_overlayer_lowered:
.L_overlay_start_2:
0x63: {  	(tag) =	ssettag $0x2  }
0x64: {  	s0 =	rddreg [dreg:$0x0];
	s2 =	stileid.u32  }
0x65: {  	s1 =	rddreg [dreg:$0x1];
	p0 =	sne.s32 s2, $0x0  }
0x66: {  	s3 =	rddreg [dreg:$0x2];
	[bflag:$0x3] =	sbarrier.arrive $0xFFFF;
	s2 =	simm.s32 @!p0 $0x1C03  }
0x67: {  	[timem:s3], [sflag:s2] =	dma.local @!p0 [hbm:s0], s1  }
0x68: {  	s0 =	simm.s32 @!p0 $0x3  }
0x69: {  	_ =	swait.ge @!p0 [sflag:s0], s1  }
0x6a: {  	s1 =	ssub.s32 @!p0 $0x0, s1;
	[sflag:s0] =	ssyncset.done @!p0 $0x0  }
0x6b: {  	[sflag:s0] =	ssyncadd.s32 @!p0 s1  }
0x6c: {  	[bflag:$0x3] =	sbarrier.arrive $0xFFFF  }
0x6d: {  	_ =	shalt  }

// kernel: sparse-core-data-format-call.cloned.1.call-start
scs
called_computation_lowered:
.L_overlay_start_0:
0x0: {  	s2 =	sld [smem:$0x3FD9]  }
0x1: {  	s3 =	sld [smem:$0x3FFE];
	_ =	sdelay $0x1  }
0x2: {  	s1 =	srdreg.scid  }
0x3: {  	s0 =	sand.u32 $0x1, s1  }
0x4: {  	s19 =	sshll.u32 s0, $0xA;
	s2 =	sadd.s32 s3, s2  }
0x5: {  	s2 =	sadd.s32 s2, s19  }
0x6: {  	[smem:$0x3FC4] =	sst s2  }
0x7: {  	_ = 	snop  }
0x8: {  	s2 =	sld [smem:$0x3FC8]  }
0x9: {  	s20 =	sld [smem:$0x3FD0];
	(tm) =	ssettm $0x1  }
0xa: {  	s4 =	sld [smem:$0x3FFB];
	_ =	sdelay $0x3  }
0xb: {  	_ =	strace s4  }
0xc: {  	s4 =	sld [smem:$0x3FFC];
	_ =	sdelay $0x3  }
0xd: {  	_ =	strace s4  }
0xe: {  	s4 =	sld [smem:$0x3FFD];
	_ =	sdelay $0x3  }
0xf: {  	_ =	strace s4  }
0x10: {  	_ =	strace $0x8FFFFFFF  }
0x11: {  	s21 =	sld [smem:$0x3FDB];
	_ =	sdelay $0x1  }
0x12: {  	s5 =	simm.s32 $_scs_section_size  }
0x13: {  	s6 =	simm.s32 $_size__tile_overlayer_lowered;
	s7 =	simm.s32 $_tile_overlayer_lowered  }
0x14: {  	s24 =	simm.s32 $0x1BFF;
	s23 =	sshll.u32 s7, $0x1;
	s4 =	sadd.s32 s5, s21  }
0x15: {  	s8 =	simm.s32 $0x0;
	s22 =	sshll.u32 s6, $0x1;
	s6 =	sadd.s32 s23, s4  }
0x16: {  	[timem:s8], [sflag:s24] =	dma.local [hbm:s6], s22  }
0x17: {  	_ =	swait.ge [sflag:s24], s22  }
0x18: {  	s5 =	ssub.s32 $0x0, s22;
	[sflag:s24] =	ssyncset.done $0x0  }
0x19: {  	[sflag:s24] =	ssyncadd.s32 s5;
	_ =	sdelay $0x1  }
0x1a: {  	s25 =	simm.s32 $0x1B8B  }
0x1b: {  	_ =	swait.ge [sflag:s25], $0x1  }
0x1c: {  	[sflag:s25] =	ssyncset.done $0x0  }
0x1d: {  	s26 =	simm.s32 $0x1B8E;
	[sflag:s25] =	ssyncadd.s32 $0xFFFFFFFF  }
0x1e: {  	s27 =	simm.s32 $execute0_lowered;
	[smem:$0x3FD2] =	sst s26  }
0x1f: {  	s5 =	sshll.u32 s27, $0x1;
	_ =	strace $0x80000046;
	[dreg:$0x1] =	wrdreg $0xFFFFFFFF  }
0x20: {  	s28 =	simm.s32 $_size_execute0_lowered;
	s4 =	sadd.s32 s4, s5;
	[dreg:$0x0] =	wrdreg $0x0  }
0x21: {  	s5 =	sshll.u32 s28, $0x1;
	[dreg:$0x2] =	wrdreg s4  }
0x22: {  	[dreg:$0x3] =	wrdreg s5  }
0x23: {  	[dreg:$0x4] =	wrdreg $0xC0  }
0x24: {  	_ =	task [dreg:s8], $0x5FFFF  }
0x25: {  	[dreg:$0x1] =	wrdreg $0xFFFFFFFF  }
0x26: {  	[dreg:$0x0] =	wrdreg $0x60  }
0x27: {  	[dreg:$0x2] =	wrdreg s2  }
0x28: {  	[dreg:$0x3] =	wrdreg s20  }
0x29: {  	[dreg:$0x4] =	wrdreg $0x9  }
0x2a: {  	_ =	task.clear_ibuf [dreg:s8], $0x5FFFF;
	_ =	strace $0x90000046  }
0x2b: {  	s29 =	simm.s32 $0x9;
	_ =	strace $0x80000048  }
0x2c: {  	_ =	swait.ge [sflag:s29], $0x1  }
0x2d: {  	[sflag:s29] =	ssyncadd.s32 $0xFFFFFFFF  }
0x2e: {  	_ =	strace $0x90000048  }
0x2f: {  	_ =	sfence  }
0x30: {  	s30 =	sld [smem:$0x0];
	_ =	sdelay $0x2  }
0x31: {  	s31 =	sshll.u32 s1, $0xD;
	s1 =	sshrl.u32 s1, $0x2  }
0x32: {  	s3 =	sand.u32 $0x4000, s31;
	s1 =	sadd.s32 s1, s30  }
0x33: {  	s0 =	sor.u32 s3, s0;
	s1 =	sshll.u32 s1, $0x11  }
0x34: {  	s0 =	sor.u32 s1, s0  }
0x35: {  	s0 =	sadd.s32 $0x8F2B, s0  }
0x36: {  	[sflag:s0] =	ssyncadd.remote.s32 $0x1  }
0x37: {  	_ =	sfence.sel $0xFFFF  }
0x38: {  	[dreg:$0x0] =	wrdreg $0xFFFFFFFF;
	(pc) =	sbr.abs _section_cstart, $3  }
0x39: {  	[dreg:$0x1] =	wrdreg $0xFFFFFFFF  }
0x3a: {  	_ =	task.clear_ibuf [dreg:s8], $0x2FFFF;
	_ =	strace $0x9FFFFFFF  }
0x3b: {  	(tm) =	ssettm $0x7FFFFFFF  }
tec
execute0_lowered:
.L_overlay_start_1:
0x0: {  	(tag) =	ssettag $0x1  }
0x1: {  	s2 =	rddreg [dreg:$0x0];
	s0 =	stileid.u32  }
0x2: {  	s1 =	srdreg.scid;
	s3 =	rddreg [dreg:$0x1]  }
0x3: {  	s6 =	simm.s32 $0x1;
	s8 =	simm.s32 $0x2;
	s17 =	simm.s32 $0x0  }
0x4: {  	p0 =	por $0x0, $0x0;
	s9 =	simm.s32 $0x80;
	s18 =	simm.s32 $0x0  }
0x5: {  	s19 =	simm.s32 $0x0;
	s10 =	simm.s32 $0x0;
	s11 =	simm.s32 $0x0  }
0x6: {  	s12 =	simm.s32 $0x0;
	s4 =	sshll.u32 s0, $0x5;
	s5 =	sshll.u32 s1, $0x9  }
.Ltmp0:
0x7: {  	s14 =	simm.s32 $0x0;
	s4 =	sor.u32 s4, s5;
	(pc) =	sbr.rel .LBB1_1-.Ltmp0, $4  }
0x8: {  	s1 =	rddreg [dreg:$0x2];
	_ =	strace $0x80000047;
	s4 =	sand.u32 $0x300, s4  }
0x9: {  	s16 =	simm.s32 $0x0;
	[sflag:s6] =	ssyncpa.u1 $0x0;
	s7 =	ssub.s32 $0x18600, s4  }
0xa: {  	s5 =	sand.u32 $0x7, s0;
	[sflag:s8] =	ssyncpa.u1 $0x0;
	s7 =	sshrl.u32 s7, $0xA  }
0xb: {  	s15 =	smov.u32 s5;
	s13 =	smov.u32 s4;
	s8 =	sor.u32 $0x2, s7  }
.LBB1_5:
0xc: {  	p1 =	slt.u32 s16, $0x2  }
0xd: {  	p2 =	sgt.s32 @!p1 s19, $0x7  }
0xe: {  	s20 =	smov.u32 s19;
	s21 =	sshra.s32 @!p1 s19, $0x1F;
	p2 =	por !p2, p1  }
0xf: {  	s19 =	sand.u32 @!p1 s21, s19;
	s20 =	simm.s32 @p2 $0x7  }
0x10: {  	p3 =	sgt.s32 @!p1 s18, $0x70;
	s19 =	ssub.s32 @!p1 s20, s19  }
0x11: {  	p3 =	por !p3, p1;
	s21 =	sshra.s32 @!p1 s18, $0x1F;
	s20 =	sadd.s32 @!p1 $0xFFFFFFF9, s19  }
0x12: {  	s19 =	ssub.s32 @!p1 $0x8, s19;
	p2 =	sgt.s32 @!p1 s20, $0x0;
	s20 =	smov.u32 s18  }
0x13: {  	s18 =	sand.u32 @!p1 s21, s18;
	s20 =	simm.s32 @p3 $0x70;
	p3 =	sgt.s32 @!p1 s17, $0x185A0  }
0x14: {  	s21 =	smov.u32 s17;
	p2 =	por !p2, p1;
	p3 =	por !p3, p1  }
0x15: {  	s18 =	ssub.s32 @!p1 s20, s18;
	s20 =	sshra.s32 @!p1 s17, $0x1F;
	s19 =	simm.s32 @!p2 $0x0  }
0x16: {  	s21 =	simm.s32 @p3 $0x185A0;
	s17 =	sand.u32 @!p1 s20, s17;
	s20 =	sadd.s32 @!p1 $0xFFFFFF90, s18  }
0x17: {  	s18 =	ssub.s32 @!p1 $0x80, s18;
	s17 =	ssub.s32 @!p1 s21, s17;
	p2 =	sgt.s32 @!p1 s20, $0xF  }
0x18: {  	s21 =	smov.u32 s14;
	s20 =	sadd.s32 @!p1 $0xFFFE7A60, s17;
	p2 =	por !p2, p1  }
0x19: {  	s17 =	ssub.s32 @!p1 $0x186A0, s17;
	p3 =	sgt.s32 @!p1 s20, $0xFF;
	s18 =	simm.s32 @!p2 $0x0  }
0x1a: {  	s20 =	sadd.s32 $0x400, s13;
	p2 =	por !p3, p1;
	s18 =	smul.u32 @!p1 s19, s18  }
0x1b: {  	s19 =	sadd.s32 $0x10, s14;
	s17 =	simm.s32 @!p2 $0x0;
	p2 =	sgt.s32 s20, $0x1869F  }
0x1c: {  	s22 =	smov.u32 s15;
	s21 =	smov.u32 @p2 s19  }
0x1d: {  	s17 =	smul.u32 @!p1 s17, s18;
	s18 =	sadd.s32 $0x8, s15;
	p3 =	sgt.s32 s21, $0xF  }
0x1e: {  	p0 =	por !p0, !p0;
	s23 =	simm.s32 @!p1 $0x2;
	s22 =	smov.u32 @p3 s18  }
0x1f: {  	s20 =	smov.u32 @p2 s4;
	s19 =	smov.u32 s12;
	p2 =	sgt.s32 s22, $0x7  }
0x20: {  	s12 =	smov.u32 s15;
	s22 =	smov.u32 @p2 s5;
	p2 =	sne.s32 s16, s8  }
.Ltmp1:
0x21: {  	s17 =	sand.u32 @!p1 $0x3FFFFFFF, s17;
	s21 =	simm.s32 @p3 $0x0;
	(pc) =	sbr.rel @!p2 .LBB1_6-.Ltmp1, $4  }
0x22: {  	s18 =	smov.u32 s11;
	s11 =	smov.u32 s14;
	_ =	swait.ge @!p1 [sflag:s23], s17  }
0x23: {  	s24 =	ssub.s32 @!p1 $0x0, s17;
	s17 =	smov.u32 s10;
	s10 =	smov.u32 s13  }
0x24: {  	s13 =	smov.u32 s20;
	s14 =	smov.u32 s21;
	[sflag:s23] =	ssyncset.done @!p1 $0x0  }
0x25: {  	s16 =	sadd.s32 $0x1, s16;
	[sflag:s23] =	ssyncadd.s32 @!p1 s24;
	s15 =	smov.u32 s22  }
.LBB1_1:
0x26: {  	p1 =	sgt.u32 s16, s7  }
0x27: {  	s20 =	sshrl.u32 @!p1 s14, $0x3  }
0x28: {  	s21 =	sshll.u32 @!p1 s13, $0x3;
	s20 =	smul.u32 @!p1 $0xC3800, s20  }
0x29: {  	s22 =	sshll.u32 @!p1 s14, $0x7;
	s21 =	sand.u32 @!p1 $0xFFFFFC00, s21  }
0x2a: {  	s20 =	sadd.s32 @!p1 s20, s21;
	s21 =	sand.u32 @!p1 $0x380, s22  }
0x2b: {  	s22 =	sand.u32 @!p1 $0x7F, s13;
	s20 =	sor.u32 @!p1 s21, s20  }
0x2c: {  	s21 =	sor.u32 @!p1 s22, s20  }
0x2d: {  	s22 =	smulhi.u32 @!p1 $0xA79C7B17, s21  }
0x2e: {  	s20 =	smulhi.u32 @!p1 $0xA79C7B17, s20  }
0x2f: {  	s22 =	sshrl.u32 @!p1 s22, $0x10  }
0x30: {  	s20 =	sshrl.u32 @!p1 s20, $0x10;
	s22 =	smul.u32 @!p1 $0x18700, s22  }
0x31: {  	s23 =	sxor.u32 @!p1 $0xFFFFFFFF, s16;
	s24 =	smul.u32 @!p1 $0x30E00, s15;
	s20 =	sand.u32 @!p1 $0xF, s20  }
0x32: {  	s23 =	sshll.u32 @!p1 s23, $0xC;
	s20 =	smul.u32 @!p1 $0x30E0, s20;
	s21 =	ssub.s32 @!p1 s21, s22  }
0x33: {  	s22 =	sand.u32 @!p1 $0x1000, s23;
	s23 =	sadd.s32 @!p1 s2, s24;
	s24 =	sand.u32 @!p1 $0x7, s21  }
0x34: {  	s21 =	sshrl.u32 @!p1 s21, $0x3;
	s20 =	sadd.s32 @!p1 s20, s23;
	s23 =	sshll.u32 @!p1 s24, $0x12  }
0x35: {  	s20 =	sadd.s32 @!p1 s21, s20;
	s21 =	sor.u32 @!p1 $0x800, s23;
	s23 =	simm.s32 @!p1 $0xC3800  }
0x36: {  	[tilespmem:s22], [sflag:$0x1] =	stream.strided.gather @!p1 [hbm4b:s20+s21], $0x1000, s23, s21, $0x38;
	[tilespmem:$0x4200] =	vst v63  }
0x37: {  	p1 =	seq.s32 s16, $0x0  }
0x38: {  	p2 =	sge.u32 @!p1 s16, s8  }
0x39: {  	p1 =	por p1, p2  }
.Ltmp2:
0x3a: {  	_ = 	snop;
	(pc) =	sbr.rel @p1 .LBB1_5-.Ltmp2, $1  }
0x3b: {  	_ =	sdelay $0x3  }
0x3c: {  	s22 =	simm.s32 $0x0  }
0x3d: {  	s23 =	sand.u32 $0x800, s22;
	s24 =	sand.u32 $0x380, s22  }
0x3e: {  	s20 =	sand.u32 $0x1, s16;
	s24 =	sor.u32 s24, s23  }
0x3f: {  	_ =	swait.ge [sflag:s6], $0x1000;
	s21 =	sshll.u32 s20, $0xC;
	s23 =	sand.u32 $0xB00, s24  }
0x40: {  	[sflag:s6] =	ssyncset.done $0x0;
	s22 =	sand.u32 $0x80, s22;
	s23 =	sadd.s32 s23, s21  }
0x41: {  	[sflag:s6] =	ssyncadd.s32 $0xFFFFF000;
	s26 =	sadd.s32 s22, s23  }
0x42: {  	v4 =	vld [tilespmem:s26+$0x400]  }
0x43: {  	s25 =	simm.s32 $0x1;
	v5 =	vld [tilespmem:s26+$0x0]  }
0x44: {  	s25 =	simm.s32 @!p0 $0x0;
	v6 =	vld [tilespmem:s26+$0x10]  }
0x45: {  	v0 =	vmov s21;
	s31 =	smul.u32 $0x4400, s25;
	v7 =	vld [tilespmem:s26+$0x20]  }
0x46: {  	v9 =	vld [tilespmem:s26+$0x30]  }
0x47: {  	s22 =	sshrl.u32 s31, $0x2;
	v10 =	vld [tilespmem:s26+$0x40]  }
0x48: {  	s22 =	sor.u32 $0x2000, s22;
	v11 =	vld [tilespmem:s26+$0x50]  }
0x49: {  	v8 =	vld [tilespmem:s26+$0x60];
	s23 =	sadd.s32 $0x0, s22  }
0x4a: {  	v1 =	vld.idx.msk [tilespmem:v0+s24+$0x410 ss:$0x1], $0xffff;
	[tilespmem:s23+$0x880 ss:$0x11] =	vst.msk $0xffff, v4  }
0x4b: {  	v2 =	vld.idx.msk [tilespmem:v0+s24+$0x420 ss:$0x1], $0xffff;
	[tilespmem:s23+$0x0 ss:$0x11] =	vst.msk $0xffff, v5  }
0x4c: {  	v3 =	vld.idx.msk [tilespmem:v0+s24+$0x430 ss:$0x1], $0xffff;
	[tilespmem:s23+$0x110 ss:$0x11] =	vst.msk $0xffff, v6  }
0x4d: {  	s20 =	smul.u32 $0x4400, s20;
	[tilespmem:s23+$0x220 ss:$0x11] =	vst.msk $0xffff, v7;
	v7 =	vld [tilespmem:s26+$0x70]  }
0x4e: {  	s27 =	simm.s32 $0x80;
	s28 =	simm.s32 $0x8;
	[tilespmem:s23+$0x330 ss:$0x11] =	vst.msk $0xffff, v9;
	v4 =	vld.idx.msk [tilespmem:v0+s24+$0x440 ss:$0x1], $0xffff  }
0x4f: {  	s30 =	sand.u32 $0x380, s27;
	s20 =	sshrl.u32 s20, $0x2;
	[tilespmem:s23+$0x440 ss:$0x11] =	vst.msk $0xffff, v10;
	v5 =	vld.idx.msk [tilespmem:v0+s24+$0x450 ss:$0x1], $0xffff;
	s26 =	simm.s32 $0x100  }
0x50: {  	s25 =	simm.s32 $0x4;
	s20 =	sor.u32 $0x2000, s20;
	[tilespmem:s23+$0x550 ss:$0x11] =	vst.msk $0xffff, v11;
	v6 =	vld.idx.msk [tilespmem:v0+s24+$0x460 ss:$0x1], $0xffff;
	s29 =	sand.u32 $0x800, s26  }
.LBB1_3:
0x51: {  	p1 =	sne.s32 s28, $0x3C;
	[tilespmem:s23+$0x660 ss:$0x11] =	vst.msk $0xffff, v8;
	v8 =	vld.idx.msk [tilespmem:v0+s24+$0x470 ss:$0x1], $0xffff;
	s24 =	sor.u32 s30, s29  }
0x52: {  	s29 =	sand.u32 $0xB00, s24;
	v9 =	vld.idx.msk [tilespmem:v0+s24+$0x410 ss:$0x1], $0xffff;
	[tilespmem:s23+$0x770 ss:$0x11] =	vst.msk $0xffff, v7  }
0x53: {  	s30 =	sand.u32 $0x80, s27;
	s29 =	sadd.s32 s29, s21;
	v7 =	vld.idx.msk [tilespmem:v0+s24+$0x420 ss:$0x1], $0xffff;
	[tilespmem:s23+$0x990 ss:$0x11] =	vst.msk $0xffff, v1  }
0x54: {  	s29 =	sadd.s32 s30, s29;
	v10 =	vld.idx.msk [tilespmem:v0+s24+$0x430 ss:$0x1], $0xffff;
	[tilespmem:s23+$0xAA0 ss:$0x11] =	vst.msk $0xffff, v2  }
0x55: {  	v11 =	vld [tilespmem:s29+$0x400];
	[tilespmem:s23+$0xBB0 ss:$0x11] =	vst.msk $0xffff, v3  }
0x56: {  	v12 =	vld [tilespmem:s29+$0x0];
	[tilespmem:s23+$0xCC0 ss:$0x11] =	vst.msk $0xffff, v4  }
0x57: {  	v4 =	vld [tilespmem:s29+$0x10];
	[tilespmem:s23+$0xDD0 ss:$0x11] =	vst.msk $0xffff, v5  }
0x58: {  	s30 =	sshra.s32 s25, $0x2;
	s25 =	smov.u32 s28;
	v1 =	vmov v9;
	v5 =	vld [tilespmem:s29+$0x20];
	[tilespmem:s23+$0xEE0 ss:$0x11] =	vst.msk $0xffff, v6  }
0x59: {  	v2 =	vmov v7;
	v6 =	vld [tilespmem:s29+$0x30];
	[tilespmem:s23+$0xFF0 ss:$0x11] =	vst.msk $0xffff, v8;
	s23 =	sadd.s32 s30, s22  }
0x5a: {  	v3 =	vmov v10;
	v9 =	vld [tilespmem:s29+$0x40];
	[tilespmem:s23+$0x880 ss:$0x11] =	vst.msk $0xffff, v11  }
0x5b: {  	[tilespmem:s23+$0x0 ss:$0x11] =	vst.msk $0xffff, v12;
	v10 =	vld [tilespmem:s29+$0x50]  }
.Ltmp3:
0x5c: {  	[tilespmem:s23+$0x110 ss:$0x11] =	vst.msk $0xffff, v4;
	v8 =	vld [tilespmem:s29+$0x60];
	(pc) =	sbr.rel @p1 .LBB1_3-.Ltmp3, $4  }
0x5d: {  	[tilespmem:s23+$0x220 ss:$0x11] =	vst.msk $0xffff, v5;
	v7 =	vld [tilespmem:s29+$0x70]  }
0x5e: {  	[tilespmem:s23+$0x330 ss:$0x11] =	vst.msk $0xffff, v6;
	v4 =	vld.idx.msk [tilespmem:v0+s24+$0x440 ss:$0x1], $0xffff  }
0x5f: {  	s27 =	sadd.s32 $0x80, s27;
	s26 =	sadd.s32 $0x100, s26;
	[tilespmem:s23+$0x440 ss:$0x11] =	vst.msk $0xffff, v9;
	v5 =	vld.idx.msk [tilespmem:v0+s24+$0x450 ss:$0x1], $0xffff  }
0x60: {  	s28 =	sadd.s32 $0x4, s28;
	s30 =	sand.u32 $0x380, s27;
	s29 =	sand.u32 $0x800, s26;
	[tilespmem:s23+$0x550 ss:$0x11] =	vst.msk $0xffff, v10;
	v6 =	vld.idx.msk [tilespmem:v0+s24+$0x460 ss:$0x1], $0xffff  }
0x61: {  	_ =	sdelay $0x3  }
0x62: {  	s26 =	sor.u32 s30, s29;
	v47 =	vld.idx.msk [tilespmem:v0+s24+$0x470 ss:$0x1], $0xffff  }
0x63: {  	v57 =	vld.idx.msk [tilespmem:v0+s26+$0x410 ss:$0x1], $0xffff  }
0x64: {  	[tilespmem:s23+$0x660 ss:$0x11] =	vst.msk $0xffff, v8;
	v58 =	vld.idx.msk [tilespmem:v0+s26+$0x420 ss:$0x1], $0xffff  }
0x65: {  	[tilespmem:s23+$0x990 ss:$0x11] =	vst.msk $0xffff, v1;
	v59 =	vld.idx.msk [tilespmem:v0+s26+$0x430 ss:$0x1], $0xffff  }
0x66: {  	[tilespmem:s23+$0xAA0 ss:$0x11] =	vst.msk $0xffff, v2;
	v60 =	vld.idx.msk [tilespmem:v0+s26+$0x440 ss:$0x1], $0xffff  }
0x67: {  	[tilespmem:s23+$0xBB0 ss:$0x11] =	vst.msk $0xffff, v3;
	s28 =	sand.u32 $0xB00, s26;
	v61 =	vld.idx.msk [tilespmem:v0+s26+$0x450 ss:$0x1], $0xffff  }
0x68: {  	s27 =	sand.u32 $0x80, s27;
	[tilespmem:s23+$0x770 ss:$0x11] =	vst.msk $0xffff, v7;
	v62 =	vld.idx.msk [tilespmem:v0+s26+$0x460 ss:$0x1], $0xffff;
	s21 =	sadd.s32 s28, s21  }
0x69: {  	s29 =	sshll.u32 s11, $0x3;
	v63 =	vld.idx.msk [tilespmem:v0+s26+$0x470 ss:$0x1], $0xffff;
	[tilespmem:s23+$0xCC0 ss:$0x11] =	vst.msk $0xffff, v4;
	s24 =	sadd.s32 s27, s21  }
0x6a: {  	s25 =	sshra.s32 s25, $0x2;
	p1 =	sgt.s32 s12, $0x7;
	p2 =	sgt.s32 s11, $0x70;
	[tilespmem:s23+$0xDD0 ss:$0x11] =	vst.msk $0xffff, v5;
	v48 =	vld [tilespmem:s24+$0x400]  }
0x6b: {  	s31 =	sand.u32 $0xFFFFFC00, s29;
	s26 =	smul.u32 $0x186A00, s12;
	s27 =	sshll.u32 s10, $0x7;
	v49 =	vld [tilespmem:s24+$0x0];
	[tilespmem:s23+$0xEE0 ss:$0x11] =	vst.msk $0xffff, v6  }
0x6c: {  	s28 =	sshra.s32 s12, $0x1F;
	s21 =	sadd.s32 s25, s22;
	v50 =	vld [tilespmem:s24+$0x10];
	s30 =	sand.u32 $0xFFFFFC00, s27;
	[tilespmem:s23+$0xFF0 ss:$0x11] =	vst.msk $0xffff, v47  }
0x6d: {  	v51 =	vld [tilespmem:s24+$0x20];
	s27 =	sand.u32 $0x380, s27;
	s25 =	sadd.s32 s31, s30;
	s23 =	smov.u32 s12;
	[tilespmem:s21+$0x990 ss:$0x11] =	vst.msk $0xffff, v57  }
0x6e: {  	v52 =	vld [tilespmem:s24+$0x30];
	s30 =	sshra.s32 s11, $0x1F;
	s22 =	sor.u32 s27, s25;
	s23 =	simm.s32 @!p1 $0x7;
	[tilespmem:s21+$0xAA0 ss:$0x11] =	vst.msk $0xffff, v58  }
0x6f: {  	v53 =	vld [tilespmem:s24+$0x40];
	s25 =	sand.u32 s28, s12;
	s31 =	sand.u32 s30, s11;
	s28 =	smov.u32 s10;
	[tilespmem:s21+$0xBB0 ss:$0x11] =	vst.msk $0xffff, v59  }
0x70: {  	v54 =	vld [tilespmem:s24+$0x50];
	[tilespmem:s21+$0xCC0 ss:$0x11] =	vst.msk $0xffff, v60;
	s22 =	sshrl.u32 s22, $0x7;
	s23 =	ssub.s32 s23, s25;
	s25 =	smov.u32 s11  }
0x71: {  	[tilespmem:s21+$0xDD0 ss:$0x11] =	vst.msk $0xffff, v61;
	s27 =	smulhi.u32 $0x14F8B59, s22;
	s29 =	sadd.s32 $0xFFFFFFF9, s23;
	s25 =	simm.s32 @!p2 $0x70  }
0x72: {  	v55 =	vld [tilespmem:s24+$0x60];
	[tilespmem:s21+$0xEE0 ss:$0x11] =	vst.msk $0xffff, v62;
	p2 =	sgt.s32 s10, $0x185A0;
	s23 =	ssub.s32 $0x8, s23;
	p1 =	sgt.s32 s29, $0x0  }
0x73: {  	v56 =	vld [tilespmem:s24+$0x70];
	[tilespmem:s21+$0xFF0 ss:$0x11] =	vst.msk $0xffff, v63;
	s24 =	ssub.s32 s25, s31;
	s29 =	sshra.s32 s10, $0x1F;
	s28 =	simm.s32 @!p2 $0x185A0  }
0x74: {  	[tilespmem:s21+$0x880 ss:$0x11] =	vst.msk $0xffff, v48;
	s27 =	sshrl.u32 s27, $0x9;
	s25 =	sand.u32 s29, s10;
	s30 =	sadd.s32 $0xFFFFFF90, s24  }
0x75: {  	[tilespmem:s21+$0x0 ss:$0x11] =	vst.msk $0xffff, v49;
	s23 =	simm.s32 @p1 $0x0;
	s24 =	ssub.s32 $0x80, s24;
	s25 =	ssub.s32 s28, s25  }
0x76: {  	[tilespmem:s21+$0x110 ss:$0x11] =	vst.msk $0xffff, v50;
	p1 =	sgt.s32 s30, $0xF;
	s27 =	smul.u32 $0x186A0, s27;
	s28 =	sand.u32 $0x7, s11  }
0x77: {  	[tilespmem:s21+$0x220 ss:$0x11] =	vst.msk $0xffff, v51;
	s31 =	sadd.s32 $0xFFFE7A60, s25;
	s24 =	simm.s32 @p1 $0x0;
	s25 =	ssub.s32 $0x186A0, s25  }
0x78: {  	[tilespmem:s21+$0x330 ss:$0x11] =	vst.msk $0xffff, v52;
	p1 =	sgt.s32 s31, $0xFF;
	s23 =	smul.u32 s23, s24;
	s22 =	ssub.s32 s22, s27  }
.Ltmp4:
0x79: {  	[tilespmem:s21+$0x440 ss:$0x11] =	vst.msk $0xffff, v53;
	s27 =	sshrl.u32 s11, $0x3;
	s25 =	simm.s32 @p1 $0x0;
	(pc) =	sbr.rel .LBB1_5-.Ltmp4, $4  }
0x7a: {  	[tilespmem:s21+$0x550 ss:$0x11] =	vst.msk $0xffff, v54;
	s24 =	sadd.s32 s3, s26;
	s23 =	smul.u32 s25, s23;
	s25 =	sand.u32 $0xF, s27  }
0x7b: {  	[tilespmem:s21+$0x660 ss:$0x11] =	vst.msk $0xffff, v55;
	s29 =	sshll.u32 s28, $0x12;
	s22 =	sshll.u32 s22, $0x4;
	s24 =	sadd.s32 s25, s24  }
0x7c: {  	[tilespmem:s21+$0x770 ss:$0x11] =	vst.msk $0xffff, v56;
	s31 =	sor.u32 $0x10, s29;
	s30 =	sand.u32 $0x3FFFFFFF, s23;
	s22 =	sadd.s32 s22, s24  }
0x7d: {  	[hbm4b:s22+s31] =	stream.strided.scatter [tilespmem:s20], [sflag:$0x2], s30, s9, s31, $0x8;
	[tilespmem:$0x4200] =	vst v63  }
.LBB1_6:
0x7e: {  	_ =	sfence.sel $0x180000  }
0x7f: {  	s2 =	simm.s32 $0x1;
	[bflag:$0x0] =	sbarrier.arrive $0xFFFF  }
0x80: {  	s31 =	simm.s32 $0x2;
	[sflag:s2] =	ssyncpa.u1 $0x1  }
0x81: {  	[sflag:s31] =	ssyncpa.u1 $0x1  }
0x82: {  	p0 =	sne.s32 s0, $0x0;
	_ =	strace $0x90000047  }
0x83: {  	s0 =	sadd.s32 @!p0 $0x100000, s1;
	[bflag:$0x2] =	sbarrier.arrive $0xFFFF  }
0x84: {  	[sflag:s0] =	ssyncadd.tile.s32 @!p0 $0x1;
	_ =	shalt  }
.Lfunc_end1:
_tile_overlayer_lowered:
.L_overlay_start_2:
0x85: {  	(tag) =	ssettag $0x2  }
0x86: {  	s0 =	rddreg [dreg:$0x0];
	s2 =	stileid.u32  }
0x87: {  	s1 =	rddreg [dreg:$0x1];
	p0 =	sne.s32 s2, $0x0  }
0x88: {  	s3 =	rddreg [dreg:$0x2];
	[bflag:$0x3] =	sbarrier.arrive $0xFFFF;
	s2 =	simm.s32 @!p0 $0x1C01  }
0x89: {  	[timem:s3], [sflag:s2] =	dma.local @!p0 [hbm:s0], s1  }
0x8a: {  	s0 =	simm.s32 @!p0 $0x1  }
0x8b: {  	_ =	swait.ge @!p0 [sflag:s0], s1  }
0x8c: {  	s1 =	ssub.s32 @!p0 $0x0, s1;
	[sflag:s0] =	ssyncset.done @!p0 $0x0  }
0x8d: {  	[sflag:s0] =	ssyncadd.s32 @!p0 s1  }
0x8e: {  	[bflag:$0x3] =	sbarrier.arrive $0xFFFF  }
0x8f: {  	_ =	shalt  }

</sc_bundles>
